<compile_context>
chip_gen: v7x
topology: tpu7x:2x2x1
jax: 0.10.2.dev20260603
libtpu: 0.0.44.dev20260713+nightly
codegen_flags: <defaults>
</compile_context>

<pallas_src>
import functools

import jax
import jax.numpy as jnp
from jax import lax
from jax.experimental import pallas as pl
from jax.experimental.pallas import tpu as pltpu
from jax.experimental.pallas import tpu_sc as plsc

N_NODES = 100000
N_EDGES = 6400000
EPS = 1e-15

NC = 2
NS = 16
NW = NC * NS

NPAD = 100096
RPT = NPAD // NS
B = 5000
EPW = N_EDGES // NW
NCHUNK = EPW // B
NITER = NCHUNK // 4

_mesh = plsc.VectorSubcoreMesh(core_axis_name="c", subcore_axis_name="s")


@functools.partial(
    pl.kernel,
    out_type=(jax.ShapeDtypeStruct((NC, NPAD), jnp.float32),
              jax.ShapeDtypeStruct((NC, NPAD), jnp.float32)),
    mesh=_mesh,
    compiler_params=pltpu.CompilerParams(use_tc_tiling_on_sc=False),
    scratch_types=[
        pltpu.VMEM_SHARED((NPAD,), jnp.float32),
        pltpu.VMEM_SHARED((NPAD,), jnp.float32),
        pltpu.VMEM_SHARED((NPAD,), jnp.float32),
        pltpu.VMEM_SHARED((NPAD,), jnp.float32),
        pltpu.VMEM((4, B), jnp.int32),
        pltpu.VMEM((4, B), jnp.int32),
        pltpu.VMEM((2, B), jnp.float32),
        pltpu.VMEM((2, B), jnp.float32),
        pltpu.SemaphoreType.DMA,
        pltpu.SemaphoreType.DMA,
        pltpu.SemaphoreType.DMA,
        pltpu.SemaphoreType.DMA,
        pltpu.SemaphoreType.DMA,
        pltpu.SemaphoreType.DMA,
        pltpu.SemaphoreType.DMA,
        pltpu.SemaphoreType.DMA,
    ],
)
def _propagate(x0_hbm, x1_hbm, zeros_hbm, src_hbm, dst_hbm, o0_hbm, o1_hbm,
               x0s, x1s, a0s, a1s, sidx, didx, v0, v1,
               si0, si1, si2, si3, sg0, sg1, ss0, ss1):
    c = lax.axis_index("c")
    s = lax.axis_index("s")
    wid = s * NC + c
    ebase = wid * EPW

    sis = (si0, si1, si2, si3)
    sgs = (sg0, sg1)
    sss = (ss0, ss1)

    def _prefetch(i, d):
        pltpu.async_copy(src_hbm.at[pl.ds(ebase + i * B, B)], sidx.at[d], sis[d])
        pltpu.async_copy(dst_hbm.at[pl.ds(ebase + i * B, B)], didx.at[d], sis[d])

    _prefetch(0, 0)
    _prefetch(1, 1)

    base = s * RPT
    sl = pl.ds(base, RPT)
    st = pltpu.async_copy(x0_hbm.at[sl], x0s.at[sl], sg0)
    pltpu.async_copy(x1_hbm.at[sl], x1s.at[sl], sg0)
    pltpu.async_copy(zeros_hbm.at[sl], a0s.at[sl], sg0)
    pltpu.async_copy(zeros_hbm.at[sl], a1s.at[sl], sg0)
    for _ in range(4):
        st.wait()
    plsc.subcore_barrier()

    def _wait2(sem):
        pltpu.make_async_copy(x0_hbm.at[pl.ds(0, B)], v0.at[0], sem).wait()
        pltpu.make_async_copy(x0_hbm.at[pl.ds(0, B)], v0.at[0], sem).wait()

    def _window(i, k, it):
        b = k % 2
        sx, dx = sidx.at[k], didx.at[k]
        g0, g1 = v0.at[b], v1.at[b]
        _wait2(sis[k])
        if k < 2:
            @pl.when(it > 0)
            def _():
                _wait2(sss[b])
        else:
            _wait2(sss[b])
        pltpu.async_copy(x0s.at[sx], g0, sgs[b])
        pltpu.async_copy(x1s.at[sx], g1, sgs[b])
        _wait2(sgs[b])
        pltpu.async_copy(g0, a0s.at[dx], sss[b], add=True)
        pltpu.async_copy(g1, a1s.at[dx], sss[b], add=True)

        @pl.when(i + 2 < NCHUNK)
        def _():
            _prefetch(i + 2, (k + 2) % 4)

    def body(it, carry):
        for k in range(4):
            _window(it * 4 + k, k, it)
        return carry

    lax.fori_loop(0, NITER, body, 0)
    _wait2(ss0)
    _wait2(ss1)
    plsc.subcore_barrier()

    wb = pltpu.async_copy(a0s.at[sl], o0_hbm.at[c].at[sl], sg0)
    pltpu.async_copy(a1s.at[sl], o1_hbm.at[c].at[sl], sg0)
    wb.wait()
    wb.wait()


def _norm_body(x_ref, o_ref):
    x0 = x_ref[0:1, :]
    x1 = x_ref[1:2, :]
    nrm = jnp.sqrt(x0 * x0 + x1 * x1)
    o_ref[...] = x_ref[...] / (nrm + EPS)


def _normalize_tc(xt):
    return pl.pallas_call(
        _norm_body,
        out_shape=jax.ShapeDtypeStruct((2, NPAD), jnp.float32),
    )(xt)


def _bf16(v):
    return v.astype(jnp.bfloat16).astype(jnp.float32)


def _mid_body(p0_ref, p1_ref, w_ref, o_ref):
    a0 = _bf16(p0_ref[0:1, :] + p0_ref[1:2, :])
    a1 = _bf16(p1_ref[0:1, :] + p1_ref[1:2, :])
    h0 = jnp.maximum(a0 * w_ref[0, 0] + a1 * w_ref[1, 0], 0.0)
    h1 = jnp.maximum(a0 * w_ref[0, 1] + a1 * w_ref[1, 1], 0.0)
    nrm = jnp.sqrt(h0 * h0 + h1 * h1) + EPS
    o_ref[0:1, :] = h0 / nrm
    o_ref[1:2, :] = h1 / nrm


def _mid_tc(p0, p1, w):
    return pl.pallas_call(
        _mid_body,
        out_shape=jax.ShapeDtypeStruct((2, NPAD), jnp.float32),
        in_specs=[
            pl.BlockSpec((NC, NPAD), lambda: (0, 0)),
            pl.BlockSpec((NC, NPAD), lambda: (0, 0)),
            pl.BlockSpec(memory_space=pltpu.SMEM),
        ],
        out_specs=pl.BlockSpec((2, NPAD), lambda: (0, 0)),
    )(p0, p1, w)


def _post_body(p0_ref, p1_ref, w_ref, fw_ref, o_ref):
    a0 = _bf16(p0_ref[0:1, :] + p0_ref[1:2, :])
    a1 = _bf16(p1_ref[0:1, :] + p1_ref[1:2, :])
    h0 = jnp.maximum(a0 * w_ref[0, 0] + a1 * w_ref[1, 0], 0.0)
    h1 = jnp.maximum(a0 * w_ref[0, 1] + a1 * w_ref[1, 1], 0.0)
    o_ref[...] = jax.nn.sigmoid(_bf16(h0) * fw_ref[0] + _bf16(h1) * fw_ref[1])


def _post_tc(p0, p1, w, fw):
    return pl.pallas_call(
        _post_body,
        out_shape=jax.ShapeDtypeStruct((1, NPAD), jnp.float32),
        in_specs=[
            pl.BlockSpec((NC, NPAD), lambda: (0, 0)),
            pl.BlockSpec((NC, NPAD), lambda: (0, 0)),
            pl.BlockSpec(memory_space=pltpu.SMEM),
            pl.BlockSpec(memory_space=pltpu.SMEM),
        ],
        out_specs=pl.BlockSpec((1, NPAD), lambda: (0, 0)),
    )(p0, p1, w, fw)


def kernel(x, edge_index, W1, W2, final_weight):
    src = edge_index[0].astype(jnp.int32)
    dst = edge_index[1].astype(jnp.int32)
    xt = jnp.pad(x, ((0, NPAD - N_NODES), (0, 0))).T
    zeros = jnp.zeros((NPAD,), jnp.float32)

    xn = _normalize_tc(xt)
    p0, p1 = _propagate(xn[0], xn[1], zeros, src, dst)
    xn2 = _mid_tc(p0, p1, W1)
    q0, q1 = _propagate(xn2[0], xn2[1], zeros, src, dst)
    out = _post_tc(q0, q1, W2, final_weight)
    return out[0, :N_NODES]

# --- scband reference (transcript-rebuilt; emitter-appended) ---
"""Pipeline reference for scband-lpmodel-85856396248059 (READ-ONLY COPY).

The authoritative reference and input builder live on the scoring server;
editing this copy changes nothing except your own understanding.
"""

import jax, jax.numpy as jnp
import numpy as np

N_NODES = 100000
N_EDGES = 6400000
NUM_ITER = 2
WEIGHT_SCALE = 1.0


def setup_inputs(seed: int = 0) -> dict:
    key = jax.random.key(seed)
    k1, k2 = jax.random.split(key)
    x = jax.random.normal(k1, (N_NODES, 2), dtype=jnp.float32)
    edge_index = jax.random.randint(k2, (2, N_EDGES), 0, N_NODES, dtype=jnp.int64)
    base_w = jnp.array([[1.0, -1.0], [-1.0, 1.0]], dtype=jnp.float32) * WEIGHT_SCALE
    W1 = base_w
    W2 = base_w
    final_weight = jnp.array([1.0, -1.0], dtype=jnp.float32)
    return {"x": x, "edge_index": edge_index, "W1": W1, "W2": W2, "final_weight": final_weight}


def reference(x, edge_index, W1, W2, final_weight):
    epsilon = 1e-15
    src = edge_index[0]
    dst = edge_index[1]
    n = x.shape[0]
    for W in (W1, W2):
        norm = jnp.linalg.norm(x, axis=1, keepdims=True)
        x = x / (jax.lax.stop_gradient(norm) + epsilon)
        # message: x_j = x[src] (edge_weight is None), aggr='add' at dst
        msg = jnp.take(x, src, axis=0)
        agg = jax.ops.segment_sum(msg, dst, num_segments=n)
        x = agg @ W
        x = jax.nn.relu(x)
    out = x @ final_weight
    return jax.nn.sigmoid(out)

if __name__ == "__main__":
    import jax
    _d = setup_inputs()
    print(jax.jit(kernel)(*tuple(_d.values())))

</pallas_src>

<mosaic_0001>
#map = affine_map<(d0, d1) -> (0)>
#map1 = affine_map<(d0, d1) -> (0, 0)>
module attributes {stable_mosaic.version = 14 : i64} {
  func.func @_propagate(%arg0: i32, %arg1: i32, %arg2: memref<100096xf32, #tpu.memory_space<hbm>>, %arg3: memref<100096xf32, #tpu.memory_space<hbm>>, %arg4: memref<100096xf32, #tpu.memory_space<hbm>>, %arg5: memref<6400000xi32, #tpu.memory_space<hbm>>, %arg6: memref<6400000xi32, #tpu.memory_space<hbm>>, %arg7: memref<2x100096xf32, #tpu.memory_space<hbm>>, %arg8: memref<2x100096xf32, #tpu.memory_space<hbm>>, %arg9: memref<100096xf32, #tpu.memory_space<vmem_shared>>, %arg10: memref<100096xf32, #tpu.memory_space<vmem_shared>>, %arg11: memref<100096xf32, #tpu.memory_space<vmem_shared>>, %arg12: memref<100096xf32, #tpu.memory_space<vmem_shared>>, %arg13: memref<4x5000xi32, #tpu.memory_space<vmem>>, %arg14: memref<4x5000xi32, #tpu.memory_space<vmem>>, %arg15: memref<2x5000xf32, #tpu.memory_space<vmem>>, %arg16: memref<2x5000xf32, #tpu.memory_space<vmem>>, %arg17: memref<!tpu.dma_semaphore, #tpu.memory_space<semaphore_mem>>, %arg18: memref<!tpu.dma_semaphore, #tpu.memory_space<semaphore_mem>>, %arg19: memref<!tpu.dma_semaphore, #tpu.memory_space<semaphore_mem>>, %arg20: memref<!tpu.dma_semaphore, #tpu.memory_space<semaphore_mem>>, %arg21: memref<!tpu.dma_semaphore, #tpu.memory_space<semaphore_mem>>, %arg22: memref<!tpu.dma_semaphore, #tpu.memory_space<semaphore_mem>>, %arg23: memref<!tpu.dma_semaphore, #tpu.memory_space<semaphore_mem>>, %arg24: memref<!tpu.dma_semaphore, #tpu.memory_space<semaphore_mem>>) attributes {dimension_semantics = [#tpu.dimension_semantics<core_parallel>, #tpu.dimension_semantics<subcore_parallel>], iteration_bounds = array<i64: 2, 16>, scalar_prefetch = 0 : i64, scratch_operands = 16 : i64, tpu.core_type = #tpu.core_type<sc_vector_subcore>, window_params = [{transform_indices = #map}, {transform_indices = #map}, {transform_indices = #map}, {transform_indices = #map}, {transform_indices = #map}, {transform_indices = #map1}, {transform_indices = #map1}]} {
    %mul3A = arith.constant 2 : i32
    %mul3A_0 = arith.muli %arg1, %mul3A : i32
    %add3A = arith.addi %mul3A_0, %arg0 : i32
    %mul3A_1 = arith.constant 200000 : i32
    %mul3A_2 = arith.muli %add3A, %mul3A_1 : i32
    %add3A_3 = arith.constant 0 : i32
    %add3A_4 = arith.addi %mul3A_2, %add3A_3 : i32
    %dma_start3A = arith.constant 0 : i32
    %dma_start3A_5 = arith.constant 0 : i32
    %dma_start3A_6 = tpu.memref_slice %arg13[%dma_start3A, %dma_start3A_5] : memref<4x5000xi32, #tpu.memory_space<vmem>> -> memref<1x5000xi32, #tpu.memory_space<vmem>>
    %dma_start3A_7 = tpu.memref_squeeze %dma_start3A_6 : memref<1x5000xi32, #tpu.memory_space<vmem>> -> memref<5000xi32, #tpu.memory_space<vmem>>
    %dma_start3A_8 = tpu.memref_slice %arg5[%add3A_4] : memref<6400000xi32, #tpu.memory_space<hbm>> -> memref<5000xi32, #tpu.memory_space<hbm>>
    %dma_start3A_9 = arith.constant 0 : i32
    %dma_start3A_10 = tpu.memref_slice %arg13[%dma_start3A, %dma_start3A_9] : memref<4x5000xi32, #tpu.memory_space<vmem>> -> memref<1x5000xi32, #tpu.memory_space<vmem>>
    %dma_start3A_11 = tpu.memref_squeeze %dma_start3A_10 : memref<1x5000xi32, #tpu.memory_space<vmem>> -> memref<5000xi32, #tpu.memory_space<vmem>>
    %dma_start3A_12 = tpu.memref_slice %arg5[%add3A_4] : memref<6400000xi32, #tpu.memory_space<hbm>> -> memref<5000xi32, #tpu.memory_space<hbm>>
    tpu.enqueue_dma source(%dma_start3A_12 : memref<5000xi32, #tpu.memory_space<hbm>>) target(%dma_start3A_11 : memref<5000xi32, #tpu.memory_space<vmem>>) target_semaphore(%arg17 : memref<!tpu.dma_semaphore, #tpu.memory_space<semaphore_mem>>)
    %add3A_13 = arith.constant 0 : i32
    %add3A_14 = arith.addi %mul3A_2, %add3A_13 : i32
    %dma_start3A_15 = arith.constant 0 : i32
    %dma_start3A_16 = arith.constant 0 : i32
    %dma_start3A_17 = tpu.memref_slice %arg14[%dma_start3A_15, %dma_start3A_16] : memref<4x5000xi32, #tpu.memory_space<vmem>> -> memref<1x5000xi32, #tpu.memory_space<vmem>>
    %dma_start3A_18 = tpu.memref_squeeze %dma_start3A_17 : memref<1x5000xi32, #tpu.memory_space<vmem>> -> memref<5000xi32, #tpu.memory_space<vmem>>
    %dma_start3A_19 = tpu.memref_slice %arg6[%add3A_14] : memref<6400000xi32, #tpu.memory_space<hbm>> -> memref<5000xi32, #tpu.memory_space<hbm>>
    %dma_start3A_20 = arith.constant 0 : i32
    %dma_start3A_21 = tpu.memref_slice %arg14[%dma_start3A_15, %dma_start3A_20] : memref<4x5000xi32, #tpu.memory_space<vmem>> -> memref<1x5000xi32, #tpu.memory_space<vmem>>
    %dma_start3A_22 = tpu.memref_squeeze %dma_start3A_21 : memref<1x5000xi32, #tpu.memory_space<vmem>> -> memref<5000xi32, #tpu.memory_space<vmem>>
    %dma_start3A_23 = tpu.memref_slice %arg6[%add3A_14] : memref<6400000xi32, #tpu.memory_space<hbm>> -> memref<5000xi32, #tpu.memory_space<hbm>>
    tpu.enqueue_dma source(%dma_start3A_23 : memref<5000xi32, #tpu.memory_space<hbm>>) target(%dma_start3A_22 : memref<5000xi32, #tpu.memory_space<vmem>>) target_semaphore(%arg17 : memref<!tpu.dma_semaphore, #tpu.memory_space<semaphore_mem>>)
    %add3A_24 = arith.constant 5000 : i32
    %add3A_25 = arith.addi %mul3A_2, %add3A_24 : i32
    %dma_start3A_26 = arith.constant 1 : i32
    %dma_start3A_27 = arith.constant 0 : i32
    %dma_start3A_28 = tpu.memref_slice %arg13[%dma_start3A_26, %dma_start3A_27] : memref<4x5000xi32, #tpu.memory_space<vmem>> -> memref<1x5000xi32, #tpu.memory_space<vmem>>
    %dma_start3A_29 = tpu.memref_squeeze %dma_start3A_28 : memref<1x5000xi32, #tpu.memory_space<vmem>> -> memref<5000xi32, #tpu.memory_space<vmem>>
    %dma_start3A_30 = tpu.memref_slice %arg5[%add3A_25] : memref<6400000xi32, #tpu.memory_space<hbm>> -> memref<5000xi32, #tpu.memory_space<hbm>>
    %dma_start3A_31 = arith.constant 0 : i32
    %dma_start3A_32 = tpu.memref_slice %arg13[%dma_start3A_26, %dma_start3A_31] : memref<4x5000xi32, #tpu.memory_space<vmem>> -> memref<1x5000xi32, #tpu.memory_space<vmem>>
    %dma_start3A_33 = tpu.memref_squeeze %dma_start3A_32 : memref<1x5000xi32, #tpu.memory_space<vmem>> -> memref<5000xi32, #tpu.memory_space<vmem>>
    %dma_start3A_34 = tpu.memref_slice %arg5[%add3A_25] : memref<6400000xi32, #tpu.memory_space<hbm>> -> memref<5000xi32, #tpu.memory_space<hbm>>
    tpu.enqueue_dma source(%dma_start3A_34 : memref<5000xi32, #tpu.memory_space<hbm>>) target(%dma_start3A_33 : memref<5000xi32, #tpu.memory_space<vmem>>) target_semaphore(%arg18 : memref<!tpu.dma_semaphore, #tpu.memory_space<semaphore_mem>>)
    %add3A_35 = arith.constant 5000 : i32
    %add3A_36 = arith.addi %mul3A_2, %add3A_35 : i32
    %dma_start3A_37 = arith.constant 1 : i32
    %dma_start3A_38 = arith.constant 0 : i32
    %dma_start3A_39 = tpu.memref_slice %arg14[%dma_start3A_37, %dma_start3A_38] : memref<4x5000xi32, #tpu.memory_space<vmem>> -> memref<1x5000xi32, #tpu.memory_space<vmem>>
    %dma_start3A_40 = tpu.memref_squeeze %dma_start3A_39 : memref<1x5000xi32, #tpu.memory_space<vmem>> -> memref<5000xi32, #tpu.memory_space<vmem>>
    %dma_start3A_41 = tpu.memref_slice %arg6[%add3A_36] : memref<6400000xi32, #tpu.memory_space<hbm>> -> memref<5000xi32, #tpu.memory_space<hbm>>
    %dma_start3A_42 = arith.constant 0 : i32
    %dma_start3A_43 = tpu.memref_slice %arg14[%dma_start3A_37, %dma_start3A_42] : memref<4x5000xi32, #tpu.memory_space<vmem>> -> memref<1x5000xi32, #tpu.memory_space<vmem>>
    %dma_start3A_44 = tpu.memref_squeeze %dma_start3A_43 : memref<1x5000xi32, #tpu.memory_space<vmem>> -> memref<5000xi32, #tpu.memory_space<vmem>>
    %dma_start3A_45 = tpu.memref_slice %arg6[%add3A_36] : memref<6400000xi32, #tpu.memory_space<hbm>> -> memref<5000xi32, #tpu.memory_space<hbm>>
    tpu.enqueue_dma source(%dma_start3A_45 : memref<5000xi32, #tpu.memory_space<hbm>>) target(%dma_start3A_44 : memref<5000xi32, #tpu.memory_space<vmem>>) target_semaphore(%arg18 : memref<!tpu.dma_semaphore, #tpu.memory_space<semaphore_mem>>)
    %mul3A_46 = arith.constant 6256 : i32
    %mul3A_47 = arith.muli %arg1, %mul3A_46 : i32
    %dma_start3A_48 = tpu.memref_slice %arg9[%mul3A_47] : memref<100096xf32, #tpu.memory_space<vmem_shared>> -> memref<6256xf32, #tpu.memory_space<vmem_shared>>
    %dma_start3A_49 = tpu.memref_slice %arg2[%mul3A_47] : memref<100096xf32, #tpu.memory_space<hbm>> -> memref<6256xf32, #tpu.memory_space<hbm>>
    tpu.enqueue_dma source(%dma_start3A_49 : memref<6256xf32, #tpu.memory_space<hbm>>) target(%dma_start3A_48 : memref<6256xf32, #tpu.memory_space<vmem_shared>>) target_semaphore(%arg21 : memref<!tpu.dma_semaphore, #tpu.memory_space<semaphore_mem>>)
    %dma_start3A_50 = tpu.memref_slice %arg10[%mul3A_47] : memref<100096xf32, #tpu.memory_space<vmem_shared>> -> memref<6256xf32, #tpu.memory_space<vmem_shared>>
    %dma_start3A_51 = tpu.memref_slice %arg3[%mul3A_47] : memref<100096xf32, #tpu.memory_space<hbm>> -> memref<6256xf32, #tpu.memory_space<hbm>>
    tpu.enqueue_dma source(%dma_start3A_51 : memref<6256xf32, #tpu.memory_space<hbm>>) target(%dma_start3A_50 : memref<6256xf32, #tpu.memory_space<vmem_shared>>) target_semaphore(%arg21 : memref<!tpu.dma_semaphore, #tpu.memory_space<semaphore_mem>>)
    %dma_start3A_52 = tpu.memref_slice %arg11[%mul3A_47] : memref<100096xf32, #tpu.memory_space<vmem_shared>> -> memref<6256xf32, #tpu.memory_space<vmem_shared>>
    %dma_start3A_53 = tpu.memref_slice %arg4[%mul3A_47] : memref<100096xf32, #tpu.memory_space<hbm>> -> memref<6256xf32, #tpu.memory_space<hbm>>
    tpu.enqueue_dma source(%dma_start3A_53 : memref<6256xf32, #tpu.memory_space<hbm>>) target(%dma_start3A_52 : memref<6256xf32, #tpu.memory_space<vmem_shared>>) target_semaphore(%arg21 : memref<!tpu.dma_semaphore, #tpu.memory_space<semaphore_mem>>)
    %dma_start3A_54 = tpu.memref_slice %arg12[%mul3A_47] : memref<100096xf32, #tpu.memory_space<vmem_shared>> -> memref<6256xf32, #tpu.memory_space<vmem_shared>>
    %dma_start3A_55 = tpu.memref_slice %arg4[%mul3A_47] : memref<100096xf32, #tpu.memory_space<hbm>> -> memref<6256xf32, #tpu.memory_space<hbm>>
    tpu.enqueue_dma source(%dma_start3A_55 : memref<6256xf32, #tpu.memory_space<hbm>>) target(%dma_start3A_54 : memref<6256xf32, #tpu.memory_space<vmem_shared>>) target_semaphore(%arg21 : memref<!tpu.dma_semaphore, #tpu.memory_space<semaphore_mem>>)
    %dma_wait3A = tpu.memref_slice %arg9[%mul3A_47] : memref<100096xf32, #tpu.memory_space<vmem_shared>> -> memref<6256xf32, #tpu.memory_space<vmem_shared>>
    %dma_wait3A_56 = tpu.memref_slice %arg2[%mul3A_47] : memref<100096xf32, #tpu.memory_space<hbm>> -> memref<6256xf32, #tpu.memory_space<hbm>>
    tpu.wait_dma2 semaphore(%arg21 : memref<!tpu.dma_semaphore, #tpu.memory_space<semaphore_mem>>) src(%dma_wait3A_56 : memref<6256xf32, #tpu.memory_space<hbm>>) dst(%dma_wait3A : memref<6256xf32, #tpu.memory_space<vmem_shared>>)
    %dma_wait3A_57 = tpu.memref_slice %arg9[%mul3A_47] : memref<100096xf32, #tpu.memory_space<vmem_shared>> -> memref<6256xf32, #tpu.memory_space<vmem_shared>>
    %dma_wait3A_58 = tpu.memref_slice %arg2[%mul3A_47] : memref<100096xf32, #tpu.memory_space<hbm>> -> memref<6256xf32, #tpu.memory_space<hbm>>
    tpu.wait_dma2 semaphore(%arg21 : memref<!tpu.dma_semaphore, #tpu.memory_space<semaphore_mem>>) src(%dma_wait3A_58 : memref<6256xf32, #tpu.memory_space<hbm>>) dst(%dma_wait3A_57 : memref<6256xf32, #tpu.memory_space<vmem_shared>>)
    %dma_wait3A_59 = tpu.memref_slice %arg9[%mul3A_47] : memref<100096xf32, #tpu.memory_space<vmem_shared>> -> memref<6256xf32, #tpu.memory_space<vmem_shared>>
    %dma_wait3A_60 = tpu.memref_slice %arg2[%mul3A_47] : memref<100096xf32, #tpu.memory_space<hbm>> -> memref<6256xf32, #tpu.memory_space<hbm>>
    tpu.wait_dma2 semaphore(%arg21 : memref<!tpu.dma_semaphore, #tpu.memory_space<semaphore_mem>>) src(%dma_wait3A_60 : memref<6256xf32, #tpu.memory_space<hbm>>) dst(%dma_wait3A_59 : memref<6256xf32, #tpu.memory_space<vmem_shared>>)
    %dma_wait3A_61 = tpu.memref_slice %arg9[%mul3A_47] : memref<100096xf32, #tpu.memory_space<vmem_shared>> -> memref<6256xf32, #tpu.memory_space<vmem_shared>>
    %dma_wait3A_62 = tpu.memref_slice %arg2[%mul3A_47] : memref<100096xf32, #tpu.memory_space<hbm>> -> memref<6256xf32, #tpu.memory_space<hbm>>
    tpu.wait_dma2 semaphore(%arg21 : memref<!tpu.dma_semaphore, #tpu.memory_space<semaphore_mem>>) src(%dma_wait3A_62 : memref<6256xf32, #tpu.memory_space<hbm>>) dst(%dma_wait3A_61 : memref<6256xf32, #tpu.memory_space<vmem_shared>>)
    %barrier3A = arith.constant 0 : index
    tpu.barrier barrier_id(%barrier3A)
    %scan3A = arith.constant 0 : i32
    %scan3A_63 = arith.constant 0 : i32
    %scan3A_64 = arith.constant 10 : i32
    %scan3A_65 = arith.addi %scan3A_63, %scan3A_64 : i32
    %scan3A_66 = arith.constant 1 : i32
    scf.for %scan3A_133 = %scan3A_63 to %scan3A_65 step %scan3A_66  : i32 {
      %mul3A_134 = arith.constant 4 : i32
      %mul3A_135 = arith.muli %scan3A_133, %mul3A_134 : i32
      %add3A_136 = arith.constant 0 : i32
      %add3A_137 = arith.addi %mul3A_135, %add3A_136 : i32
      %dma_wait3A_138 = arith.constant 0 : i32
      %dma_wait3A_139 = arith.constant 0 : i32
      %dma_wait3A_140 = tpu.memref_slice %arg15[%dma_wait3A_138, %dma_wait3A_139] : memref<2x5000xf32, #tpu.memory_space<vmem>> -> memref<1x5000xf32, #tpu.memory_space<vmem>>
      %dma_wait3A_141 = tpu.memref_squeeze %dma_wait3A_140 : memref<1x5000xf32, #tpu.memory_space<vmem>> -> memref<5000xf32, #tpu.memory_space<vmem>>
      %dma_wait3A_142 = arith.constant 0 : i32
      %dma_wait3A_143 = tpu.memref_slice %arg2[%dma_wait3A_142] : memref<100096xf32, #tpu.memory_space<hbm>> -> memref<5000xf32, #tpu.memory_space<hbm>>
      %dma_wait3A_144 = arith.constant 0 : i32
      %dma_wait3A_145 = tpu.memref_slice %arg15[%dma_wait3A_138, %dma_wait3A_144] : memref<2x5000xf32, #tpu.memory_space<vmem>> -> memref<1x5000xf32, #tpu.memory_space<vmem>>
      %dma_wait3A_146 = tpu.memref_squeeze %dma_wait3A_145 : memref<1x5000xf32, #tpu.memory_space<vmem>> -> memref<5000xf32, #tpu.memory_space<vmem>>
      %dma_wait3A_147 = arith.constant 0 : i32
      %dma_wait3A_148 = tpu.memref_slice %arg2[%dma_wait3A_147] : memref<100096xf32, #tpu.memory_space<hbm>> -> memref<5000xf32, #tpu.memory_space<hbm>>
      tpu.wait_dma2 semaphore(%arg17 : memref<!tpu.dma_semaphore, #tpu.memory_space<semaphore_mem>>) src(%dma_wait3A_148 : memref<5000xf32, #tpu.memory_space<hbm>>) dst(%dma_wait3A_146 : memref<5000xf32, #tpu.memory_space<vmem>>)
      %dma_wait3A_149 = arith.constant 0 : i32
      %dma_wait3A_150 = arith.constant 0 : i32
      %dma_wait3A_151 = tpu.memref_slice %arg15[%dma_wait3A_149, %dma_wait3A_150] : memref<2x5000xf32, #tpu.memory_space<vmem>> -> memref<1x5000xf32, #tpu.memory_space<vmem>>
      %dma_wait3A_152 = tpu.memref_squeeze %dma_wait3A_151 : memref<1x5000xf32, #tpu.memory_space<vmem>> -> memref<5000xf32, #tpu.memory_space<vmem>>
      %dma_wait3A_153 = arith.constant 0 : i32
      %dma_wait3A_154 = tpu.memref_slice %arg2[%dma_wait3A_153] : memref<100096xf32, #tpu.memory_space<hbm>> -> memref<5000xf32, #tpu.memory_space<hbm>>
      %dma_wait3A_155 = arith.constant 0 : i32
      %dma_wait3A_156 = tpu.memref_slice %arg15[%dma_wait3A_149, %dma_wait3A_155] : memref<2x5000xf32, #tpu.memory_space<vmem>> -> memref<1x5000xf32, #tpu.memory_space<vmem>>
      %dma_wait3A_157 = tpu.memref_squeeze %dma_wait3A_156 : memref<1x5000xf32, #tpu.memory_space<vmem>> -> memref<5000xf32, #tpu.memory_space<vmem>>
      %dma_wait3A_158 = arith.constant 0 : i32
      %dma_wait3A_159 = tpu.memref_slice %arg2[%dma_wait3A_158] : memref<100096xf32, #tpu.memory_space<hbm>> -> memref<5000xf32, #tpu.memory_space<hbm>>
      tpu.wait_dma2 semaphore(%arg17 : memref<!tpu.dma_semaphore, #tpu.memory_space<semaphore_mem>>) src(%dma_wait3A_159 : memref<5000xf32, #tpu.memory_space<hbm>>) dst(%dma_wait3A_157 : memref<5000xf32, #tpu.memory_space<vmem>>)
      %gt3A = arith.constant 0 : i32
      %gt3A_160 = arith.cmpi sgt, %scan3A_133, %gt3A : i32
      %convert_element_type3A = arith.extui %gt3A_160 : i1 to i32
      %cond3A = arith.constant 0 : i32
      %cond3A_161 = arith.cmpi ne, %convert_element_type3A, %cond3A : i32
      scf.if %cond3A_161 {
        %dma_wait3A_564 = arith.constant 0 : i32
        %dma_wait3A_565 = arith.constant 0 : i32
        %dma_wait3A_566 = tpu.memref_slice %arg15[%dma_wait3A_564, %dma_wait3A_565] : memref<2x5000xf32, #tpu.memory_space<vmem>> -> memref<1x5000xf32, #tpu.memory_space<vmem>>
        %dma_wait3A_567 = tpu.memref_squeeze %dma_wait3A_566 : memref<1x5000xf32, #tpu.memory_space<vmem>> -> memref<5000xf32, #tpu.memory_space<vmem>>
        %dma_wait3A_568 = arith.constant 0 : i32
        %dma_wait3A_569 = tpu.memref_slice %arg2[%dma_wait3A_568] : memref<100096xf32, #tpu.memory_space<hbm>> -> memref<5000xf32, #tpu.memory_space<hbm>>
        %dma_wait3A_570 = arith.constant 0 : i32
        %dma_wait3A_571 = tpu.memref_slice %arg15[%dma_wait3A_564, %dma_wait3A_570] : memref<2x5000xf32, #tpu.memory_space<vmem>> -> memref<1x5000xf32, #tpu.memory_space<vmem>>
        %dma_wait3A_572 = tpu.memref_squeeze %dma_wait3A_571 : memref<1x5000xf32, #tpu.memory_space<vmem>> -> memref<5000xf32, #tpu.memory_space<vmem>>
        %dma_wait3A_573 = arith.constant 0 : i32
        %dma_wait3A_574 = tpu.memref_slice %arg2[%dma_wait3A_573] : memref<100096xf32, #tpu.memory_space<hbm>> -> memref<5000xf32, #tpu.memory_space<hbm>>
        tpu.wait_dma2 semaphore(%arg23 : memref<!tpu.dma_semaphore, #tpu.memory_space<semaphore_mem>>) src(%dma_wait3A_574 : memref<5000xf32, #tpu.memory_space<hbm>>) dst(%dma_wait3A_572 : memref<5000xf32, #tpu.memory_space<vmem>>)
        %dma_wait3A_575 = arith.constant 0 : i32
        %dma_wait3A_576 = arith.constant 0 : i32
        %dma_wait3A_577 = tpu.memref_slice %arg15[%dma_wait3A_575, %dma_wait3A_576] : memref<2x5000xf32, #tpu.memory_space<vmem>> -> memref<1x5000xf32, #tpu.memory_space<vmem>>
        %dma_wait3A_578 = tpu.memref_squeeze %dma_wait3A_577 : memref<1x5000xf32, #tpu.memory_space<vmem>> -> memref<5000xf32, #tpu.memory_space<vmem>>
        %dma_wait3A_579 = arith.constant 0 : i32
        %dma_wait3A_580 = tpu.memref_slice %arg2[%dma_wait3A_579] : memref<100096xf32, #tpu.memory_space<hbm>> -> memref<5000xf32, #tpu.memory_space<hbm>>
        %dma_wait3A_581 = arith.constant 0 : i32
        %dma_wait3A_582 = tpu.memref_slice %arg15[%dma_wait3A_575, %dma_wait3A_581] : memref<2x5000xf32, #tpu.memory_space<vmem>> -> memref<1x5000xf32, #tpu.memory_space<vmem>>
        %dma_wait3A_583 = tpu.memref_squeeze %dma_wait3A_582 : memref<1x5000xf32, #tpu.memory_space<vmem>> -> memref<5000xf32, #tpu.memory_space<vmem>>
        %dma_wait3A_584 = arith.constant 0 : i32
        %dma_wait3A_585 = tpu.memref_slice %arg2[%dma_wait3A_584] : memref<100096xf32, #tpu.memory_space<hbm>> -> memref<5000xf32, #tpu.memory_space<hbm>>
        tpu.wait_dma2 semaphore(%arg23 : memref<!tpu.dma_semaphore, #tpu.memory_space<semaphore_mem>>) src(%dma_wait3A_585 : memref<5000xf32, #tpu.memory_space<hbm>>) dst(%dma_wait3A_583 : memref<5000xf32, #tpu.memory_space<vmem>>)
      } else {
      }
      %dma_start3A_162 = arith.constant 0 : i32
      %dma_start3A_163 = arith.constant 0 : i32
      %dma_start3A_164 = arith.constant 0 : i32
      %dma_start3A_165 = tpu.memref_slice %arg15[%dma_start3A_163, %dma_start3A_164] : memref<2x5000xf32, #tpu.memory_space<vmem>> -> memref<1x5000xf32, #tpu.memory_space<vmem>>
      %dma_start3A_166 = tpu.memref_squeeze %dma_start3A_165 : memref<1x5000xf32, #tpu.memory_space<vmem>> -> memref<5000xf32, #tpu.memory_space<vmem>>
      %dma_start3A_167 = arith.constant 0 : i32
      %dma_start3A_168 = tpu.memref_slice %arg13[%dma_start3A_162, %dma_start3A_167] : memref<4x5000xi32, #tpu.memory_space<vmem>> -> memref<1x5000xi32, #tpu.memory_space<vmem>>
      %dma_start3A_169 = tpu.memref_squeeze %dma_start3A_168 : memref<1x5000xi32, #tpu.memory_space<vmem>> -> memref<5000xi32, #tpu.memory_space<vmem>>
      %dma_start3A_170 = arith.constant 0 : i32
      %dma_start3A_171 = tpu.memref_slice %arg9[%dma_start3A_170] : memref<100096xf32, #tpu.memory_space<vmem_shared>> -> memref<100096xf32, #tpu.memory_space<vmem_shared>>
      tpu.enqueue_indirect_dma source(%dma_start3A_171 : memref<100096xf32, #tpu.memory_space<vmem_shared>>) target(%dma_start3A_166 : memref<5000xf32, #tpu.memory_space<vmem>>) offsets(%dma_start3A_169 : memref<5000xi32, #tpu.memory_space<vmem>>) semaphore(%arg21 : memref<!tpu.dma_semaphore, #tpu.memory_space<semaphore_mem>>)
      %dma_start3A_172 = arith.constant 0 : i32
      %dma_start3A_173 = arith.constant 0 : i32
      %dma_start3A_174 = arith.constant 0 : i32
      %dma_start3A_175 = tpu.memref_slice %arg16[%dma_start3A_173, %dma_start3A_174] : memref<2x5000xf32, #tpu.memory_space<vmem>> -> memref<1x5000xf32, #tpu.memory_space<vmem>>
      %dma_start3A_176 = tpu.memref_squeeze %dma_start3A_175 : memref<1x5000xf32, #tpu.memory_space<vmem>> -> memref<5000xf32, #tpu.memory_space<vmem>>
      %dma_start3A_177 = arith.constant 0 : i32
      %dma_start3A_178 = tpu.memref_slice %arg13[%dma_start3A_172, %dma_start3A_177] : memref<4x5000xi32, #tpu.memory_space<vmem>> -> memref<1x5000xi32, #tpu.memory_space<vmem>>
      %dma_start3A_179 = tpu.memref_squeeze %dma_start3A_178 : memref<1x5000xi32, #tpu.memory_space<vmem>> -> memref<5000xi32, #tpu.memory_space<vmem>>
      %dma_start3A_180 = arith.constant 0 : i32
      %dma_start3A_181 = tpu.memref_slice %arg10[%dma_start3A_180] : memref<100096xf32, #tpu.memory_space<vmem_shared>> -> memref<100096xf32, #tpu.memory_space<vmem_shared>>
      tpu.enqueue_indirect_dma source(%dma_start3A_181 : memref<100096xf32, #tpu.memory_space<vmem_shared>>) target(%dma_start3A_176 : memref<5000xf32, #tpu.memory_space<vmem>>) offsets(%dma_start3A_179 : memref<5000xi32, #tpu.memory_space<vmem>>) semaphore(%arg21 : memref<!tpu.dma_semaphore, #tpu.memory_space<semaphore_mem>>)
      %dma_wait3A_182 = arith.constant 0 : i32
      %dma_wait3A_183 = arith.constant 0 : i32
      %dma_wait3A_184 = tpu.memref_slice %arg15[%dma_wait3A_182, %dma_wait3A_183] : memref<2x5000xf32, #tpu.memory_space<vmem>> -> memref<1x5000xf32, #tpu.memory_space<vmem>>
      %dma_wait3A_185 = tpu.memref_squeeze %dma_wait3A_184 : memref<1x5000xf32, #tpu.memory_space<vmem>> -> memref<5000xf32, #tpu.memory_space<vmem>>
      %dma_wait3A_186 = arith.constant 0 : i32
      %dma_wait3A_187 = tpu.memref_slice %arg2[%dma_wait3A_186] : memref<100096xf32, #tpu.memory_space<hbm>> -> memref<5000xf32, #tpu.memory_space<hbm>>
      %dma_wait3A_188 = arith.constant 0 : i32
      %dma_wait3A_189 = tpu.memref_slice %arg15[%dma_wait3A_182, %dma_wait3A_188] : memref<2x5000xf32, #tpu.memory_space<vmem>> -> memref<1x5000xf32, #tpu.memory_space<vmem>>
      %dma_wait3A_190 = tpu.memref_squeeze %dma_wait3A_189 : memref<1x5000xf32, #tpu.memory_space<vmem>> -> memref<5000xf32, #tpu.memory_space<vmem>>
      %dma_wait3A_191 = arith.constant 0 : i32
      %dma_wait3A_192 = tpu.memref_slice %arg2[%dma_wait3A_191] : memref<100096xf32, #tpu.memory_space<hbm>> -> memref<5000xf32, #tpu.memory_space<hbm>>
      tpu.wait_dma2 semaphore(%arg21 : memref<!tpu.dma_semaphore, #tpu.memory_space<semaphore_mem>>) src(%dma_wait3A_192 : memref<5000xf32, #tpu.memory_space<hbm>>) dst(%dma_wait3A_190 : memref<5000xf32, #tpu.memory_space<vmem>>)
      %dma_wait3A_193 = arith.constant 0 : i32
      %dma_wait3A_194 = arith.constant 0 : i32
      %dma_wait3A_195 = tpu.memref_slice %arg15[%dma_wait3A_193, %dma_wait3A_194] : memref<2x5000xf32, #tpu.memory_space<vmem>> -> memref<1x5000xf32, #tpu.memory_space<vmem>>
      %dma_wait3A_196 = tpu.memref_squeeze %dma_wait3A_195 : memref<1x5000xf32, #tpu.memory_space<vmem>> -> memref<5000xf32, #tpu.memory_space<vmem>>
      %dma_wait3A_197 = arith.constant 0 : i32
      %dma_wait3A_198 = tpu.memref_slice %arg2[%dma_wait3A_197] : memref<100096xf32, #tpu.memory_space<hbm>> -> memref<5000xf32, #tpu.memory_space<hbm>>
      %dma_wait3A_199 = arith.constant 0 : i32
      %dma_wait3A_200 = tpu.memref_slice %arg15[%dma_wait3A_193, %dma_wait3A_199] : memref<2x5000xf32, #tpu.memory_space<vmem>> -> memref<1x5000xf32, #tpu.memory_space<vmem>>
      %dma_wait3A_201 = tpu.memref_squeeze %dma_wait3A_200 : memref<1x5000xf32, #tpu.memory_space<vmem>> -> memref<5000xf32, #tpu.memory_space<vmem>>
      %dma_wait3A_202 = arith.constant 0 : i32
      %dma_wait3A_203 = tpu.memref_slice %arg2[%dma_wait3A_202] : memref<100096xf32, #tpu.memory_space<hbm>> -> memref<5000xf32, #tpu.memory_space<hbm>>
      tpu.wait_dma2 semaphore(%arg21 : memref<!tpu.dma_semaphore, #tpu.memory_space<semaphore_mem>>) src(%dma_wait3A_203 : memref<5000xf32, #tpu.memory_space<hbm>>) dst(%dma_wait3A_201 : memref<5000xf32, #tpu.memory_space<vmem>>)
      %dma_start3A_204 = arith.constant 0 : i32
      %dma_start3A_205 = arith.constant 0 : i32
      %dma_start3A_206 = arith.constant 0 : i32
      %dma_start3A_207 = tpu.memref_slice %arg15[%dma_start3A_204, %dma_start3A_206] : memref<2x5000xf32, #tpu.memory_space<vmem>> -> memref<1x5000xf32, #tpu.memory_space<vmem>>
      %dma_start3A_208 = tpu.memref_squeeze %dma_start3A_207 : memref<1x5000xf32, #tpu.memory_space<vmem>> -> memref<5000xf32, #tpu.memory_space<vmem>>
      %dma_start3A_209 = arith.constant 0 : i32
      %dma_start3A_210 = tpu.memref_slice %arg14[%dma_start3A_205, %dma_start3A_209] : memref<4x5000xi32, #tpu.memory_space<vmem>> -> memref<1x5000xi32, #tpu.memory_space<vmem>>
      %dma_start3A_211 = tpu.memref_squeeze %dma_start3A_210 : memref<1x5000xi32, #tpu.memory_space<vmem>> -> memref<5000xi32, #tpu.memory_space<vmem>>
      %dma_start3A_212 = arith.constant 0 : i32
      %dma_start3A_213 = tpu.memref_slice %arg11[%dma_start3A_212] : memref<100096xf32, #tpu.memory_space<vmem_shared>> -> memref<100096xf32, #tpu.memory_space<vmem_shared>>
      tpu.enqueue_indirect_dma source(%dma_start3A_208 : memref<5000xf32, #tpu.memory_space<vmem>>) target(%dma_start3A_213 : memref<100096xf32, #tpu.memory_space<vmem_shared>>) offsets(%dma_start3A_211 : memref<5000xi32, #tpu.memory_space<vmem>>) semaphore(%arg23 : memref<!tpu.dma_semaphore, #tpu.memory_space<semaphore_mem>>) {add = true}
      %dma_start3A_214 = arith.constant 0 : i32
      %dma_start3A_215 = arith.constant 0 : i32
      %dma_start3A_216 = arith.constant 0 : i32
      %dma_start3A_217 = tpu.memref_slice %arg16[%dma_start3A_214, %dma_start3A_216] : memref<2x5000xf32, #tpu.memory_space<vmem>> -> memref<1x5000xf32, #tpu.memory_space<vmem>>
      %dma_start3A_218 = tpu.memref_squeeze %dma_start3A_217 : memref<1x5000xf32, #tpu.memory_space<vmem>> -> memref<5000xf32, #tpu.memory_space<vmem>>
      %dma_start3A_219 = arith.constant 0 : i32
      %dma_start3A_220 = tpu.memref_slice %arg14[%dma_start3A_215, %dma_start3A_219] : memref<4x5000xi32, #tpu.memory_space<vmem>> -> memref<1x5000xi32, #tpu.memory_space<vmem>>
      %dma_start3A_221 = tpu.memref_squeeze %dma_start3A_220 : memref<1x5000xi32, #tpu.memory_space<vmem>> -> memref<5000xi32, #tpu.memory_space<vmem>>
      %dma_start3A_222 = arith.constant 0 : i32
      %dma_start3A_223 = tpu.memref_slice %arg12[%dma_start3A_222] : memref<100096xf32, #tpu.memory_space<vmem_shared>> -> memref<100096xf32, #tpu.memory_space<vmem_shared>>
      tpu.enqueue_indirect_dma source(%dma_start3A_218 : memref<5000xf32, #tpu.memory_space<vmem>>) target(%dma_start3A_223 : memref<100096xf32, #tpu.memory_space<vmem_shared>>) offsets(%dma_start3A_221 : memref<5000xi32, #tpu.memory_space<vmem>>) semaphore(%arg23 : memref<!tpu.dma_semaphore, #tpu.memory_space<semaphore_mem>>) {add = true}
      %add3A_224 = arith.constant 2 : i32
      %add3A_225 = arith.addi %add3A_137, %add3A_224 : i32
      %lt3A = arith.constant 40 : i32
      %lt3A_226 = arith.cmpi slt, %add3A_225, %lt3A : i32
      %convert_element_type3A_227 = arith.extui %lt3A_226 : i1 to i32
      %cond3A_228 = arith.constant 0 : i32
      %cond3A_229 = arith.cmpi ne, %convert_element_type3A_227, %cond3A_228 : i32
      scf.if %cond3A_229 {
        %add3A_564 = arith.constant 2 : i32
        %add3A_565 = arith.addi %add3A_137, %add3A_564 : i32
        %mul3A_566 = arith.constant 5000 : i32
        %mul3A_567 = arith.muli %add3A_565, %mul3A_566 : i32
        %add3A_568 = arith.addi %mul3A_2, %mul3A_567 : i32
        %dma_start3A_569 = arith.constant 2 : i32
        %dma_start3A_570 = arith.constant 0 : i32
        %dma_start3A_571 = tpu.memref_slice %arg13[%dma_start3A_569, %dma_start3A_570] : memref<4x5000xi32, #tpu.memory_space<vmem>> -> memref<1x5000xi32, #tpu.memory_space<vmem>>
        %dma_start3A_572 = tpu.memref_squeeze %dma_start3A_571 : memref<1x5000xi32, #tpu.memory_space<vmem>> -> memref<5000xi32, #tpu.memory_space<vmem>>
        %dma_start3A_573 = tpu.memref_slice %arg5[%add3A_568] : memref<6400000xi32, #tpu.memory_space<hbm>> -> memref<5000xi32, #tpu.memory_space<hbm>>
        %dma_start3A_574 = arith.constant 0 : i32
        %dma_start3A_575 = tpu.memref_slice %arg13[%dma_start3A_569, %dma_start3A_574] : memref<4x5000xi32, #tpu.memory_space<vmem>> -> memref<1x5000xi32, #tpu.memory_space<vmem>>
        %dma_start3A_576 = tpu.memref_squeeze %dma_start3A_575 : memref<1x5000xi32, #tpu.memory_space<vmem>> -> memref<5000xi32, #tpu.memory_space<vmem>>
        %dma_start3A_577 = tpu.memref_slice %arg5[%add3A_568] : memref<6400000xi32, #tpu.memory_space<hbm>> -> memref<5000xi32, #tpu.memory_space<hbm>>
        tpu.enqueue_dma source(%dma_start3A_577 : memref<5000xi32, #tpu.memory_space<hbm>>) target(%dma_start3A_576 : memref<5000xi32, #tpu.memory_space<vmem>>) target_semaphore(%arg19 : memref<!tpu.dma_semaphore, #tpu.memory_space<semaphore_mem>>)
        %mul3A_578 = arith.constant 5000 : i32
        %mul3A_579 = arith.muli %add3A_565, %mul3A_578 : i32
        %add3A_580 = arith.addi %mul3A_2, %mul3A_579 : i32
        %dma_start3A_581 = arith.constant 2 : i32
        %dma_start3A_582 = arith.constant 0 : i32
        %dma_start3A_583 = tpu.memref_slice %arg14[%dma_start3A_581, %dma_start3A_582] : memref<4x5000xi32, #tpu.memory_space<vmem>> -> memref<1x5000xi32, #tpu.memory_space<vmem>>
        %dma_start3A_584 = tpu.memref_squeeze %dma_start3A_583 : memref<1x5000xi32, #tpu.memory_space<vmem>> -> memref<5000xi32, #tpu.memory_space<vmem>>
        %dma_start3A_585 = tpu.memref_slice %arg6[%add3A_580] : memref<6400000xi32, #tpu.memory_space<hbm>> -> memref<5000xi32, #tpu.memory_space<hbm>>
        %dma_start3A_586 = arith.constant 0 : i32
        %dma_start3A_587 = tpu.memref_slice %arg14[%dma_start3A_581, %dma_start3A_586] : memref<4x5000xi32, #tpu.memory_space<vmem>> -> memref<1x5000xi32, #tpu.memory_space<vmem>>
        %dma_start3A_588 = tpu.memref_squeeze %dma_start3A_587 : memref<1x5000xi32, #tpu.memory_space<vmem>> -> memref<5000xi32, #tpu.memory_space<vmem>>
        %dma_start3A_589 = tpu.memref_slice %arg6[%add3A_580] : memref<6400000xi32, #tpu.memory_space<hbm>> -> memref<5000xi32, #tpu.memory_space<hbm>>
        tpu.enqueue_dma source(%dma_start3A_589 : memref<5000xi32, #tpu.memory_space<hbm>>) target(%dma_start3A_588 : memref<5000xi32, #tpu.memory_space<vmem>>) target_semaphore(%arg19 : memref<!tpu.dma_semaphore, #tpu.memory_space<semaphore_mem>>)
      } else {
      }
      %mul3A_230 = arith.constant 4 : i32
      %mul3A_231 = arith.muli %scan3A_133, %mul3A_230 : i32
      %add3A_232 = arith.constant 1 : i32
      %add3A_233 = arith.addi %mul3A_231, %add3A_232 : i32
      %dma_wait3A_234 = arith.constant 0 : i32
      %dma_wait3A_235 = arith.constant 0 : i32
      %dma_wait3A_236 = tpu.memref_slice %arg15[%dma_wait3A_234, %dma_wait3A_235] : memref<2x5000xf32, #tpu.memory_space<vmem>> -> memref<1x5000xf32, #tpu.memory_space<vmem>>
      %dma_wait3A_237 = tpu.memref_squeeze %dma_wait3A_236 : memref<1x5000xf32, #tpu.memory_space<vmem>> -> memref<5000xf32, #tpu.memory_space<vmem>>
      %dma_wait3A_238 = arith.constant 0 : i32
      %dma_wait3A_239 = tpu.memref_slice %arg2[%dma_wait3A_238] : memref<100096xf32, #tpu.memory_space<hbm>> -> memref<5000xf32, #tpu.memory_space<hbm>>
      %dma_wait3A_240 = arith.constant 0 : i32
      %dma_wait3A_241 = tpu.memref_slice %arg15[%dma_wait3A_234, %dma_wait3A_240] : memref<2x5000xf32, #tpu.memory_space<vmem>> -> memref<1x5000xf32, #tpu.memory_space<vmem>>
      %dma_wait3A_242 = tpu.memref_squeeze %dma_wait3A_241 : memref<1x5000xf32, #tpu.memory_space<vmem>> -> memref<5000xf32, #tpu.memory_space<vmem>>
      %dma_wait3A_243 = arith.constant 0 : i32
      %dma_wait3A_244 = tpu.memref_slice %arg2[%dma_wait3A_243] : memref<100096xf32, #tpu.memory_space<hbm>> -> memref<5000xf32, #tpu.memory_space<hbm>>
      tpu.wait_dma2 semaphore(%arg18 : memref<!tpu.dma_semaphore, #tpu.memory_space<semaphore_mem>>) src(%dma_wait3A_244 : memref<5000xf32, #tpu.memory_space<hbm>>) dst(%dma_wait3A_242 : memref<5000xf32, #tpu.memory_space<vmem>>)
      %dma_wait3A_245 = arith.constant 0 : i32
      %dma_wait3A_246 = arith.constant 0 : i32
      %dma_wait3A_247 = tpu.memref_slice %arg15[%dma_wait3A_245, %dma_wait3A_246] : memref<2x5000xf32, #tpu.memory_space<vmem>> -> memref<1x5000xf32, #tpu.memory_space<vmem>>
      %dma_wait3A_248 = tpu.memref_squeeze %dma_wait3A_247 : memref<1x5000xf32, #tpu.memory_space<vmem>> -> memref<5000xf32, #tpu.memory_space<vmem>>
      %dma_wait3A_249 = arith.constant 0 : i32
      %dma_wait3A_250 = tpu.memref_slice %arg2[%dma_wait3A_249] : memref<100096xf32, #tpu.memory_space<hbm>> -> memref<5000xf32, #tpu.memory_space<hbm>>
      %dma_wait3A_251 = arith.constant 0 : i32
      %dma_wait3A_252 = tpu.memref_slice %arg15[%dma_wait3A_245, %dma_wait3A_251] : memref<2x5000xf32, #tpu.memory_space<vmem>> -> memref<1x5000xf32, #tpu.memory_space<vmem>>
      %dma_wait3A_253 = tpu.memref_squeeze %dma_wait3A_252 : memref<1x5000xf32, #tpu.memory_space<vmem>> -> memref<5000xf32, #tpu.memory_space<vmem>>
      %dma_wait3A_254 = arith.constant 0 : i32
      %dma_wait3A_255 = tpu.memref_slice %arg2[%dma_wait3A_254] : memref<100096xf32, #tpu.memory_space<hbm>> -> memref<5000xf32, #tpu.memory_space<hbm>>
      tpu.wait_dma2 semaphore(%arg18 : memref<!tpu.dma_semaphore, #tpu.memory_space<semaphore_mem>>) src(%dma_wait3A_255 : memref<5000xf32, #tpu.memory_space<hbm>>) dst(%dma_wait3A_253 : memref<5000xf32, #tpu.memory_space<vmem>>)
      %gt3A_256 = arith.constant 0 : i32
      %gt3A_257 = arith.cmpi sgt, %scan3A_133, %gt3A_256 : i32
      %convert_element_type3A_258 = arith.extui %gt3A_257 : i1 to i32
      %cond3A_259 = arith.constant 0 : i32
      %cond3A_260 = arith.cmpi ne, %convert_element_type3A_258, %cond3A_259 : i32
      scf.if %cond3A_260 {
        %dma_wait3A_564 = arith.constant 0 : i32
        %dma_wait3A_565 = arith.constant 0 : i32
        %dma_wait3A_566 = tpu.memref_slice %arg15[%dma_wait3A_564, %dma_wait3A_565] : memref<2x5000xf32, #tpu.memory_space<vmem>> -> memref<1x5000xf32, #tpu.memory_space<vmem>>
        %dma_wait3A_567 = tpu.memref_squeeze %dma_wait3A_566 : memref<1x5000xf32, #tpu.memory_space<vmem>> -> memref<5000xf32, #tpu.memory_space<vmem>>
        %dma_wait3A_568 = arith.constant 0 : i32
        %dma_wait3A_569 = tpu.memref_slice %arg2[%dma_wait3A_568] : memref<100096xf32, #tpu.memory_space<hbm>> -> memref<5000xf32, #tpu.memory_space<hbm>>
        %dma_wait3A_570 = arith.constant 0 : i32
        %dma_wait3A_571 = tpu.memref_slice %arg15[%dma_wait3A_564, %dma_wait3A_570] : memref<2x5000xf32, #tpu.memory_space<vmem>> -> memref<1x5000xf32, #tpu.memory_space<vmem>>
        %dma_wait3A_572 = tpu.memref_squeeze %dma_wait3A_571 : memref<1x5000xf32, #tpu.memory_space<vmem>> -> memref<5000xf32, #tpu.memory_space<vmem>>
        %dma_wait3A_573 = arith.constant 0 : i32
        %dma_wait3A_574 = tpu.memref_slice %arg2[%dma_wait3A_573] : memref<100096xf32, #tpu.memory_space<hbm>> -> memref<5000xf32, #tpu.memory_space<hbm>>
        tpu.wait_dma2 semaphore(%arg24 : memref<!tpu.dma_semaphore, #tpu.memory_space<semaphore_mem>>) src(%dma_wait3A_574 : memref<5000xf32, #tpu.memory_space<hbm>>) dst(%dma_wait3A_572 : memref<5000xf32, #tpu.memory_space<vmem>>)
        %dma_wait3A_575 = arith.constant 0 : i32
        %dma_wait3A_576 = arith.constant 0 : i32
        %dma_wait3A_577 = tpu.memref_slice %arg15[%dma_wait3A_575, %dma_wait3A_576] : memref<2x5000xf32, #tpu.memory_space<vmem>> -> memref<1x5000xf32, #tpu.memory_space<vmem>>
        %dma_wait3A_578 = tpu.memref_squeeze %dma_wait3A_577 : memref<1x5000xf32, #tpu.memory_space<vmem>> -> memref<5000xf32, #tpu.memory_space<vmem>>
        %dma_wait3A_579 = arith.constant 0 : i32
        %dma_wait3A_580 = tpu.memref_slice %arg2[%dma_wait3A_579] : memref<100096xf32, #tpu.memory_space<hbm>> -> memref<5000xf32, #tpu.memory_space<hbm>>
        %dma_wait3A_581 = arith.constant 0 : i32
        %dma_wait3A_582 = tpu.memref_slice %arg15[%dma_wait3A_575, %dma_wait3A_581] : memref<2x5000xf32, #tpu.memory_space<vmem>> -> memref<1x5000xf32, #tpu.memory_space<vmem>>
        %dma_wait3A_583 = tpu.memref_squeeze %dma_wait3A_582 : memref<1x5000xf32, #tpu.memory_space<vmem>> -> memref<5000xf32, #tpu.memory_space<vmem>>
        %dma_wait3A_584 = arith.constant 0 : i32
        %dma_wait3A_585 = tpu.memref_slice %arg2[%dma_wait3A_584] : memref<100096xf32, #tpu.memory_space<hbm>> -> memref<5000xf32, #tpu.memory_space<hbm>>
        tpu.wait_dma2 semaphore(%arg24 : memref<!tpu.dma_semaphore, #tpu.memory_space<semaphore_mem>>) src(%dma_wait3A_585 : memref<5000xf32, #tpu.memory_space<hbm>>) dst(%dma_wait3A_583 : memref<5000xf32, #tpu.memory_space<vmem>>)
      } else {
      }
      %dma_start3A_261 = arith.constant 1 : i32
      %dma_start3A_262 = arith.constant 1 : i32
      %dma_start3A_263 = arith.constant 0 : i32
      %dma_start3A_264 = tpu.memref_slice %arg15[%dma_start3A_262, %dma_start3A_263] : memref<2x5000xf32, #tpu.memory_space<vmem>> -> memref<1x5000xf32, #tpu.memory_space<vmem>>
      %dma_start3A_265 = tpu.memref_squeeze %dma_start3A_264 : memref<1x5000xf32, #tpu.memory_space<vmem>> -> memref<5000xf32, #tpu.memory_space<vmem>>
      %dma_start3A_266 = arith.constant 0 : i32
      %dma_start3A_267 = tpu.memref_slice %arg13[%dma_start3A_261, %dma_start3A_266] : memref<4x5000xi32, #tpu.memory_space<vmem>> -> memref<1x5000xi32, #tpu.memory_space<vmem>>
      %dma_start3A_268 = tpu.memref_squeeze %dma_start3A_267 : memref<1x5000xi32, #tpu.memory_space<vmem>> -> memref<5000xi32, #tpu.memory_space<vmem>>
      %dma_start3A_269 = arith.constant 0 : i32
      %dma_start3A_270 = tpu.memref_slice %arg9[%dma_start3A_269] : memref<100096xf32, #tpu.memory_space<vmem_shared>> -> memref<100096xf32, #tpu.memory_space<vmem_shared>>
      tpu.enqueue_indirect_dma source(%dma_start3A_270 : memref<100096xf32, #tpu.memory_space<vmem_shared>>) target(%dma_start3A_265 : memref<5000xf32, #tpu.memory_space<vmem>>) offsets(%dma_start3A_268 : memref<5000xi32, #tpu.memory_space<vmem>>) semaphore(%arg22 : memref<!tpu.dma_semaphore, #tpu.memory_space<semaphore_mem>>)
      %dma_start3A_271 = arith.constant 1 : i32
      %dma_start3A_272 = arith.constant 1 : i32
      %dma_start3A_273 = arith.constant 0 : i32
      %dma_start3A_274 = tpu.memref_slice %arg16[%dma_start3A_272, %dma_start3A_273] : memref<2x5000xf32, #tpu.memory_space<vmem>> -> memref<1x5000xf32, #tpu.memory_space<vmem>>
      %dma_start3A_275 = tpu.memref_squeeze %dma_start3A_274 : memref<1x5000xf32, #tpu.memory_space<vmem>> -> memref<5000xf32, #tpu.memory_space<vmem>>
      %dma_start3A_276 = arith.constant 0 : i32
      %dma_start3A_277 = tpu.memref_slice %arg13[%dma_start3A_271, %dma_start3A_276] : memref<4x5000xi32, #tpu.memory_space<vmem>> -> memref<1x5000xi32, #tpu.memory_space<vmem>>
      %dma_start3A_278 = tpu.memref_squeeze %dma_start3A_277 : memref<1x5000xi32, #tpu.memory_space<vmem>> -> memref<5000xi32, #tpu.memory_space<vmem>>
      %dma_start3A_279 = arith.constant 0 : i32
      %dma_start3A_280 = tpu.memref_slice %arg10[%dma_start3A_279] : memref<100096xf32, #tpu.memory_space<vmem_shared>> -> memref<100096xf32, #tpu.memory_space<vmem_shared>>
      tpu.enqueue_indirect_dma source(%dma_start3A_280 : memref<100096xf32, #tpu.memory_space<vmem_shared>>) target(%dma_start3A_275 : memref<5000xf32, #tpu.memory_space<vmem>>) offsets(%dma_start3A_278 : memref<5000xi32, #tpu.memory_space<vmem>>) semaphore(%arg22 : memref<!tpu.dma_semaphore, #tpu.memory_space<semaphore_mem>>)
      %dma_wait3A_281 = arith.constant 0 : i32
      %dma_wait3A_282 = arith.constant 0 : i32
      %dma_wait3A_283 = tpu.memref_slice %arg15[%dma_wait3A_281, %dma_wait3A_282] : memref<2x5000xf32, #tpu.memory_space<vmem>> -> memref<1x5000xf32, #tpu.memory_space<vmem>>
      %dma_wait3A_284 = tpu.memref_squeeze %dma_wait3A_283 : memref<1x5000xf32, #tpu.memory_space<vmem>> -> memref<5000xf32, #tpu.memory_space<vmem>>
      %dma_wait3A_285 = arith.constant 0 : i32
      %dma_wait3A_286 = tpu.memref_slice %arg2[%dma_wait3A_285] : memref<100096xf32, #tpu.memory_space<hbm>> -> memref<5000xf32, #tpu.memory_space<hbm>>
      %dma_wait3A_287 = arith.constant 0 : i32
      %dma_wait3A_288 = tpu.memref_slice %arg15[%dma_wait3A_281, %dma_wait3A_287] : memref<2x5000xf32, #tpu.memory_space<vmem>> -> memref<1x5000xf32, #tpu.memory_space<vmem>>
      %dma_wait3A_289 = tpu.memref_squeeze %dma_wait3A_288 : memref<1x5000xf32, #tpu.memory_space<vmem>> -> memref<5000xf32, #tpu.memory_space<vmem>>
      %dma_wait3A_290 = arith.constant 0 : i32
      %dma_wait3A_291 = tpu.memref_slice %arg2[%dma_wait3A_290] : memref<100096xf32, #tpu.memory_space<hbm>> -> memref<5000xf32, #tpu.memory_space<hbm>>
      tpu.wait_dma2 semaphore(%arg22 : memref<!tpu.dma_semaphore, #tpu.memory_space<semaphore_mem>>) src(%dma_wait3A_291 : memref<5000xf32, #tpu.memory_space<hbm>>) dst(%dma_wait3A_289 : memref<5000xf32, #tpu.memory_space<vmem>>)
      %dma_wait3A_292 = arith.constant 0 : i32
      %dma_wait3A_293 = arith.constant 0 : i32
      %dma_wait3A_294 = tpu.memref_slice %arg15[%dma_wait3A_292, %dma_wait3A_293] : memref<2x5000xf32, #tpu.memory_space<vmem>> -> memref<1x5000xf32, #tpu.memory_space<vmem>>
      %dma_wait3A_295 = tpu.memref_squeeze %dma_wait3A_294 : memref<1x5000xf32, #tpu.memory_space<vmem>> -> memref<5000xf32, #tpu.memory_space<vmem>>
      %dma_wait3A_296 = arith.constant 0 : i32
      %dma_wait3A_297 = tpu.memref_slice %arg2[%dma_wait3A_296] : memref<100096xf32, #tpu.memory_space<hbm>> -> memref<5000xf32, #tpu.memory_space<hbm>>
      %dma_wait3A_298 = arith.constant 0 : i32
      %dma_wait3A_299 = tpu.memref_slice %arg15[%dma_wait3A_292, %dma_wait3A_298] : memref<2x5000xf32, #tpu.memory_space<vmem>> -> memref<1x5000xf32, #tpu.memory_space<vmem>>
      %dma_wait3A_300 = tpu.memref_squeeze %dma_wait3A_299 : memref<1x5000xf32, #tpu.memory_space<vmem>> -> memref<5000xf32, #tpu.memory_space<vmem>>
      %dma_wait3A_301 = arith.constant 0 : i32
      %dma_wait3A_302 = tpu.memref_slice %arg2[%dma_wait3A_301] : memref<100096xf32, #tpu.memory_space<hbm>> -> memref<5000xf32, #tpu.memory_space<hbm>>
      tpu.wait_dma2 semaphore(%arg22 : memref<!tpu.dma_semaphore, #tpu.memory_space<semaphore_mem>>) src(%dma_wait3A_302 : memref<5000xf32, #tpu.memory_space<hbm>>) dst(%dma_wait3A_300 : memref<5000xf32, #tpu.memory_space<vmem>>)
      %dma_start3A_303 = arith.constant 1 : i32
      %dma_start3A_304 = arith.constant 1 : i32
      %dma_start3A_305 = arith.constant 0 : i32
      %dma_start3A_306 = tpu.memref_slice %arg15[%dma_start3A_303, %dma_start3A_305] : memref<2x5000xf32, #tpu.memory_space<vmem>> -> memref<1x5000xf32, #tpu.memory_space<vmem>>
      %dma_start3A_307 = tpu.memref_squeeze %dma_start3A_306 : memref<1x5000xf32, #tpu.memory_space<vmem>> -> memref<5000xf32, #tpu.memory_space<vmem>>
      %dma_start3A_308 = arith.constant 0 : i32
      %dma_start3A_309 = tpu.memref_slice %arg14[%dma_start3A_304, %dma_start3A_308] : memref<4x5000xi32, #tpu.memory_space<vmem>> -> memref<1x5000xi32, #tpu.memory_space<vmem>>
      %dma_start3A_310 = tpu.memref_squeeze %dma_start3A_309 : memref<1x5000xi32, #tpu.memory_space<vmem>> -> memref<5000xi32, #tpu.memory_space<vmem>>
      %dma_start3A_311 = arith.constant 0 : i32
      %dma_start3A_312 = tpu.memref_slice %arg11[%dma_start3A_311] : memref<100096xf32, #tpu.memory_space<vmem_shared>> -> memref<100096xf32, #tpu.memory_space<vmem_shared>>
      tpu.enqueue_indirect_dma source(%dma_start3A_307 : memref<5000xf32, #tpu.memory_space<vmem>>) target(%dma_start3A_312 : memref<100096xf32, #tpu.memory_space<vmem_shared>>) offsets(%dma_start3A_310 : memref<5000xi32, #tpu.memory_space<vmem>>) semaphore(%arg24 : memref<!tpu.dma_semaphore, #tpu.memory_space<semaphore_mem>>) {add = true}
      %dma_start3A_313 = arith.constant 1 : i32
      %dma_start3A_314 = arith.constant 1 : i32
      %dma_start3A_315 = arith.constant 0 : i32
      %dma_start3A_316 = tpu.memref_slice %arg16[%dma_start3A_313, %dma_start3A_315] : memref<2x5000xf32, #tpu.memory_space<vmem>> -> memref<1x5000xf32, #tpu.memory_space<vmem>>
      %dma_start3A_317 = tpu.memref_squeeze %dma_start3A_316 : memref<1x5000xf32, #tpu.memory_space<vmem>> -> memref<5000xf32, #tpu.memory_space<vmem>>
      %dma_start3A_318 = arith.constant 0 : i32
      %dma_start3A_319 = tpu.memref_slice %arg14[%dma_start3A_314, %dma_start3A_318] : memref<4x5000xi32, #tpu.memory_space<vmem>> -> memref<1x5000xi32, #tpu.memory_space<vmem>>
      %dma_start3A_320 = tpu.memref_squeeze %dma_start3A_319 : memref<1x5000xi32, #tpu.memory_space<vmem>> -> memref<5000xi32, #tpu.memory_space<vmem>>
      %dma_start3A_321 = arith.constant 0 : i32
      %dma_start3A_322 = tpu.memref_slice %arg12[%dma_start3A_321] : memref<100096xf32, #tpu.memory_space<vmem_shared>> -> memref<100096xf32, #tpu.memory_space<vmem_shared>>
      tpu.enqueue_indirect_dma source(%dma_start3A_317 : memref<5000xf32, #tpu.memory_space<vmem>>) target(%dma_start3A_322 : memref<100096xf32, #tpu.memory_space<vmem_shared>>) offsets(%dma_start3A_320 : memref<5000xi32, #tpu.memory_space<vmem>>) semaphore(%arg24 : memref<!tpu.dma_semaphore, #tpu.memory_space<semaphore_mem>>) {add = true}
      %add3A_323 = arith.constant 2 : i32
      %add3A_324 = arith.addi %add3A_233, %add3A_323 : i32
      %lt3A_325 = arith.constant 40 : i32
      %lt3A_326 = arith.cmpi slt, %add3A_324, %lt3A_325 : i32
      %convert_element_type3A_327 = arith.extui %lt3A_326 : i1 to i32
      %cond3A_328 = arith.constant 0 : i32
      %cond3A_329 = arith.cmpi ne, %convert_element_type3A_327, %cond3A_328 : i32
      scf.if %cond3A_329 {
        %add3A_564 = arith.constant 2 : i32
        %add3A_565 = arith.addi %add3A_233, %add3A_564 : i32
        %mul3A_566 = arith.constant 5000 : i32
        %mul3A_567 = arith.muli %add3A_565, %mul3A_566 : i32
        %add3A_568 = arith.addi %mul3A_2, %mul3A_567 : i32
        %dma_start3A_569 = arith.constant 3 : i32
        %dma_start3A_570 = arith.constant 0 : i32
        %dma_start3A_571 = tpu.memref_slice %arg13[%dma_start3A_569, %dma_start3A_570] : memref<4x5000xi32, #tpu.memory_space<vmem>> -> memref<1x5000xi32, #tpu.memory_space<vmem>>
        %dma_start3A_572 = tpu.memref_squeeze %dma_start3A_571 : memref<1x5000xi32, #tpu.memory_space<vmem>> -> memref<5000xi32, #tpu.memory_space<vmem>>
        %dma_start3A_573 = tpu.memref_slice %arg5[%add3A_568] : memref<6400000xi32, #tpu.memory_space<hbm>> -> memref<5000xi32, #tpu.memory_space<hbm>>
        %dma_start3A_574 = arith.constant 0 : i32
        %dma_start3A_575 = tpu.memref_slice %arg13[%dma_start3A_569, %dma_start3A_574] : memref<4x5000xi32, #tpu.memory_space<vmem>> -> memref<1x5000xi32, #tpu.memory_space<vmem>>
        %dma_start3A_576 = tpu.memref_squeeze %dma_start3A_575 : memref<1x5000xi32, #tpu.memory_space<vmem>> -> memref<5000xi32, #tpu.memory_space<vmem>>
        %dma_start3A_577 = tpu.memref_slice %arg5[%add3A_568] : memref<6400000xi32, #tpu.memory_space<hbm>> -> memref<5000xi32, #tpu.memory_space<hbm>>
        tpu.enqueue_dma source(%dma_start3A_577 : memref<5000xi32, #tpu.memory_space<hbm>>) target(%dma_start3A_576 : memref<5000xi32, #tpu.memory_space<vmem>>) target_semaphore(%arg20 : memref<!tpu.dma_semaphore, #tpu.memory_space<semaphore_mem>>)
        %mul3A_578 = arith.constant 5000 : i32
        %mul3A_579 = arith.muli %add3A_565, %mul3A_578 : i32
        %add3A_580 = arith.addi %mul3A_2, %mul3A_579 : i32
        %dma_start3A_581 = arith.constant 3 : i32
        %dma_start3A_582 = arith.constant 0 : i32
        %dma_start3A_583 = tpu.memref_slice %arg14[%dma_start3A_581, %dma_start3A_582] : memref<4x5000xi32, #tpu.memory_space<vmem>> -> memref<1x5000xi32, #tpu.memory_space<vmem>>
        %dma_start3A_584 = tpu.memref_squeeze %dma_start3A_583 : memref<1x5000xi32, #tpu.memory_space<vmem>> -> memref<5000xi32, #tpu.memory_space<vmem>>
        %dma_start3A_585 = tpu.memref_slice %arg6[%add3A_580] : memref<6400000xi32, #tpu.memory_space<hbm>> -> memref<5000xi32, #tpu.memory_space<hbm>>
        %dma_start3A_586 = arith.constant 0 : i32
        %dma_start3A_587 = tpu.memref_slice %arg14[%dma_start3A_581, %dma_start3A_586] : memref<4x5000xi32, #tpu.memory_space<vmem>> -> memref<1x5000xi32, #tpu.memory_space<vmem>>
        %dma_start3A_588 = tpu.memref_squeeze %dma_start3A_587 : memref<1x5000xi32, #tpu.memory_space<vmem>> -> memref<5000xi32, #tpu.memory_space<vmem>>
        %dma_start3A_589 = tpu.memref_slice %arg6[%add3A_580] : memref<6400000xi32, #tpu.memory_space<hbm>> -> memref<5000xi32, #tpu.memory_space<hbm>>
        tpu.enqueue_dma source(%dma_start3A_589 : memref<5000xi32, #tpu.memory_space<hbm>>) target(%dma_start3A_588 : memref<5000xi32, #tpu.memory_space<vmem>>) target_semaphore(%arg20 : memref<!tpu.dma_semaphore, #tpu.memory_space<semaphore_mem>>)
      } else {
      }
      %mul3A_330 = arith.constant 4 : i32
      %mul3A_331 = arith.muli %scan3A_133, %mul3A_330 : i32
      %add3A_332 = arith.constant 2 : i32
      %add3A_333 = arith.addi %mul3A_331, %add3A_332 : i32
      %dma_wait3A_334 = arith.constant 0 : i32
      %dma_wait3A_335 = arith.constant 0 : i32
      %dma_wait3A_336 = tpu.memref_slice %arg15[%dma_wait3A_334, %dma_wait3A_335] : memref<2x5000xf32, #tpu.memory_space<vmem>> -> memref<1x5000xf32, #tpu.memory_space<vmem>>
      %dma_wait3A_337 = tpu.memref_squeeze %dma_wait3A_336 : memref<1x5000xf32, #tpu.memory_space<vmem>> -> memref<5000xf32, #tpu.memory_space<vmem>>
      %dma_wait3A_338 = arith.constant 0 : i32
      %dma_wait3A_339 = tpu.memref_slice %arg2[%dma_wait3A_338] : memref<100096xf32, #tpu.memory_space<hbm>> -> memref<5000xf32, #tpu.memory_space<hbm>>
      %dma_wait3A_340 = arith.constant 0 : i32
      %dma_wait3A_341 = tpu.memref_slice %arg15[%dma_wait3A_334, %dma_wait3A_340] : memref<2x5000xf32, #tpu.memory_space<vmem>> -> memref<1x5000xf32, #tpu.memory_space<vmem>>
      %dma_wait3A_342 = tpu.memref_squeeze %dma_wait3A_341 : memref<1x5000xf32, #tpu.memory_space<vmem>> -> memref<5000xf32, #tpu.memory_space<vmem>>
      %dma_wait3A_343 = arith.constant 0 : i32
      %dma_wait3A_344 = tpu.memref_slice %arg2[%dma_wait3A_343] : memref<100096xf32, #tpu.memory_space<hbm>> -> memref<5000xf32, #tpu.memory_space<hbm>>
      tpu.wait_dma2 semaphore(%arg19 : memref<!tpu.dma_semaphore, #tpu.memory_space<semaphore_mem>>) src(%dma_wait3A_344 : memref<5000xf32, #tpu.memory_space<hbm>>) dst(%dma_wait3A_342 : memref<5000xf32, #tpu.memory_space<vmem>>)
      %dma_wait3A_345 = arith.constant 0 : i32
      %dma_wait3A_346 = arith.constant 0 : i32
      %dma_wait3A_347 = tpu.memref_slice %arg15[%dma_wait3A_345, %dma_wait3A_346] : memref<2x5000xf32, #tpu.memory_space<vmem>> -> memref<1x5000xf32, #tpu.memory_space<vmem>>
      %dma_wait3A_348 = tpu.memref_squeeze %dma_wait3A_347 : memref<1x5000xf32, #tpu.memory_space<vmem>> -> memref<5000xf32, #tpu.memory_space<vmem>>
      %dma_wait3A_349 = arith.constant 0 : i32
      %dma_wait3A_350 = tpu.memref_slice %arg2[%dma_wait3A_349] : memref<100096xf32, #tpu.memory_space<hbm>> -> memref<5000xf32, #tpu.memory_space<hbm>>
      %dma_wait3A_351 = arith.constant 0 : i32
      %dma_wait3A_352 = tpu.memref_slice %arg15[%dma_wait3A_345, %dma_wait3A_351] : memref<2x5000xf32, #tpu.memory_space<vmem>> -> memref<1x5000xf32, #tpu.memory_space<vmem>>
      %dma_wait3A_353 = tpu.memref_squeeze %dma_wait3A_352 : memref<1x5000xf32, #tpu.memory_space<vmem>> -> memref<5000xf32, #tpu.memory_space<vmem>>
      %dma_wait3A_354 = arith.constant 0 : i32
      %dma_wait3A_355 = tpu.memref_slice %arg2[%dma_wait3A_354] : memref<100096xf32, #tpu.memory_space<hbm>> -> memref<5000xf32, #tpu.memory_space<hbm>>
      tpu.wait_dma2 semaphore(%arg19 : memref<!tpu.dma_semaphore, #tpu.memory_space<semaphore_mem>>) src(%dma_wait3A_355 : memref<5000xf32, #tpu.memory_space<hbm>>) dst(%dma_wait3A_353 : memref<5000xf32, #tpu.memory_space<vmem>>)
      %dma_wait3A_356 = arith.constant 0 : i32
      %dma_wait3A_357 = arith.constant 0 : i32
      %dma_wait3A_358 = tpu.memref_slice %arg15[%dma_wait3A_356, %dma_wait3A_357] : memref<2x5000xf32, #tpu.memory_space<vmem>> -> memref<1x5000xf32, #tpu.memory_space<vmem>>
      %dma_wait3A_359 = tpu.memref_squeeze %dma_wait3A_358 : memref<1x5000xf32, #tpu.memory_space<vmem>> -> memref<5000xf32, #tpu.memory_space<vmem>>
      %dma_wait3A_360 = arith.constant 0 : i32
      %dma_wait3A_361 = tpu.memref_slice %arg2[%dma_wait3A_360] : memref<100096xf32, #tpu.memory_space<hbm>> -> memref<5000xf32, #tpu.memory_space<hbm>>
      %dma_wait3A_362 = arith.constant 0 : i32
      %dma_wait3A_363 = tpu.memref_slice %arg15[%dma_wait3A_356, %dma_wait3A_362] : memref<2x5000xf32, #tpu.memory_space<vmem>> -> memref<1x5000xf32, #tpu.memory_space<vmem>>
      %dma_wait3A_364 = tpu.memref_squeeze %dma_wait3A_363 : memref<1x5000xf32, #tpu.memory_space<vmem>> -> memref<5000xf32, #tpu.memory_space<vmem>>
      %dma_wait3A_365 = arith.constant 0 : i32
      %dma_wait3A_366 = tpu.memref_slice %arg2[%dma_wait3A_365] : memref<100096xf32, #tpu.memory_space<hbm>> -> memref<5000xf32, #tpu.memory_space<hbm>>
      tpu.wait_dma2 semaphore(%arg23 : memref<!tpu.dma_semaphore, #tpu.memory_space<semaphore_mem>>) src(%dma_wait3A_366 : memref<5000xf32, #tpu.memory_space<hbm>>) dst(%dma_wait3A_364 : memref<5000xf32, #tpu.memory_space<vmem>>)
      %dma_wait3A_367 = arith.constant 0 : i32
      %dma_wait3A_368 = arith.constant 0 : i32
      %dma_wait3A_369 = tpu.memref_slice %arg15[%dma_wait3A_367, %dma_wait3A_368] : memref<2x5000xf32, #tpu.memory_space<vmem>> -> memref<1x5000xf32, #tpu.memory_space<vmem>>
      %dma_wait3A_370 = tpu.memref_squeeze %dma_wait3A_369 : memref<1x5000xf32, #tpu.memory_space<vmem>> -> memref<5000xf32, #tpu.memory_space<vmem>>
      %dma_wait3A_371 = arith.constant 0 : i32
      %dma_wait3A_372 = tpu.memref_slice %arg2[%dma_wait3A_371] : memref<100096xf32, #tpu.memory_space<hbm>> -> memref<5000xf32, #tpu.memory_space<hbm>>
      %dma_wait3A_373 = arith.constant 0 : i32
      %dma_wait3A_374 = tpu.memref_slice %arg15[%dma_wait3A_367, %dma_wait3A_373] : memref<2x5000xf32, #tpu.memory_space<vmem>> -> memref<1x5000xf32, #tpu.memory_space<vmem>>
      %dma_wait3A_375 = tpu.memref_squeeze %dma_wait3A_374 : memref<1x5000xf32, #tpu.memory_space<vmem>> -> memref<5000xf32, #tpu.memory_space<vmem>>
      %dma_wait3A_376 = arith.constant 0 : i32
      %dma_wait3A_377 = tpu.memref_slice %arg2[%dma_wait3A_376] : memref<100096xf32, #tpu.memory_space<hbm>> -> memref<5000xf32, #tpu.memory_space<hbm>>
      tpu.wait_dma2 semaphore(%arg23 : memref<!tpu.dma_semaphore, #tpu.memory_space<semaphore_mem>>) src(%dma_wait3A_377 : memref<5000xf32, #tpu.memory_space<hbm>>) dst(%dma_wait3A_375 : memref<5000xf32, #tpu.memory_space<vmem>>)
      %dma_start3A_378 = arith.constant 2 : i32
      %dma_start3A_379 = arith.constant 0 : i32
      %dma_start3A_380 = arith.constant 0 : i32
      %dma_start3A_381 = tpu.memref_slice %arg15[%dma_start3A_379, %dma_start3A_380] : memref<2x5000xf32, #tpu.memory_space<vmem>> -> memref<1x5000xf32, #tpu.memory_space<vmem>>
      %dma_start3A_382 = tpu.memref_squeeze %dma_start3A_381 : memref<1x5000xf32, #tpu.memory_space<vmem>> -> memref<5000xf32, #tpu.memory_space<vmem>>
      %dma_start3A_383 = arith.constant 0 : i32
      %dma_start3A_384 = tpu.memref_slice %arg13[%dma_start3A_378, %dma_start3A_383] : memref<4x5000xi32, #tpu.memory_space<vmem>> -> memref<1x5000xi32, #tpu.memory_space<vmem>>
      %dma_start3A_385 = tpu.memref_squeeze %dma_start3A_384 : memref<1x5000xi32, #tpu.memory_space<vmem>> -> memref<5000xi32, #tpu.memory_space<vmem>>
      %dma_start3A_386 = arith.constant 0 : i32
      %dma_start3A_387 = tpu.memref_slice %arg9[%dma_start3A_386] : memref<100096xf32, #tpu.memory_space<vmem_shared>> -> memref<100096xf32, #tpu.memory_space<vmem_shared>>
      tpu.enqueue_indirect_dma source(%dma_start3A_387 : memref<100096xf32, #tpu.memory_space<vmem_shared>>) target(%dma_start3A_382 : memref<5000xf32, #tpu.memory_space<vmem>>) offsets(%dma_start3A_385 : memref<5000xi32, #tpu.memory_space<vmem>>) semaphore(%arg21 : memref<!tpu.dma_semaphore, #tpu.memory_space<semaphore_mem>>)
      %dma_start3A_388 = arith.constant 2 : i32
      %dma_start3A_389 = arith.constant 0 : i32
      %dma_start3A_390 = arith.constant 0 : i32
      %dma_start3A_391 = tpu.memref_slice %arg16[%dma_start3A_389, %dma_start3A_390] : memref<2x5000xf32, #tpu.memory_space<vmem>> -> memref<1x5000xf32, #tpu.memory_space<vmem>>
      %dma_start3A_392 = tpu.memref_squeeze %dma_start3A_391 : memref<1x5000xf32, #tpu.memory_space<vmem>> -> memref<5000xf32, #tpu.memory_space<vmem>>
      %dma_start3A_393 = arith.constant 0 : i32
      %dma_start3A_394 = tpu.memref_slice %arg13[%dma_start3A_388, %dma_start3A_393] : memref<4x5000xi32, #tpu.memory_space<vmem>> -> memref<1x5000xi32, #tpu.memory_space<vmem>>
      %dma_start3A_395 = tpu.memref_squeeze %dma_start3A_394 : memref<1x5000xi32, #tpu.memory_space<vmem>> -> memref<5000xi32, #tpu.memory_space<vmem>>
      %dma_start3A_396 = arith.constant 0 : i32
      %dma_start3A_397 = tpu.memref_slice %arg10[%dma_start3A_396] : memref<100096xf32, #tpu.memory_space<vmem_shared>> -> memref<100096xf32, #tpu.memory_space<vmem_shared>>
      tpu.enqueue_indirect_dma source(%dma_start3A_397 : memref<100096xf32, #tpu.memory_space<vmem_shared>>) target(%dma_start3A_392 : memref<5000xf32, #tpu.memory_space<vmem>>) offsets(%dma_start3A_395 : memref<5000xi32, #tpu.memory_space<vmem>>) semaphore(%arg21 : memref<!tpu.dma_semaphore, #tpu.memory_space<semaphore_mem>>)
      %dma_wait3A_398 = arith.constant 0 : i32
      %dma_wait3A_399 = arith.constant 0 : i32
      %dma_wait3A_400 = tpu.memref_slice %arg15[%dma_wait3A_398, %dma_wait3A_399] : memref<2x5000xf32, #tpu.memory_space<vmem>> -> memref<1x5000xf32, #tpu.memory_space<vmem>>
      %dma_wait3A_401 = tpu.memref_squeeze %dma_wait3A_400 : memref<1x5000xf32, #tpu.memory_space<vmem>> -> memref<5000xf32, #tpu.memory_space<vmem>>
      %dma_wait3A_402 = arith.constant 0 : i32
      %dma_wait3A_403 = tpu.memref_slice %arg2[%dma_wait3A_402] : memref<100096xf32, #tpu.memory_space<hbm>> -> memref<5000xf32, #tpu.memory_space<hbm>>
      %dma_wait3A_404 = arith.constant 0 : i32
      %dma_wait3A_405 = tpu.memref_slice %arg15[%dma_wait3A_398, %dma_wait3A_404] : memref<2x5000xf32, #tpu.memory_space<vmem>> -> memref<1x5000xf32, #tpu.memory_space<vmem>>
      %dma_wait3A_406 = tpu.memref_squeeze %dma_wait3A_405 : memref<1x5000xf32, #tpu.memory_space<vmem>> -> memref<5000xf32, #tpu.memory_space<vmem>>
      %dma_wait3A_407 = arith.constant 0 : i32
      %dma_wait3A_408 = tpu.memref_slice %arg2[%dma_wait3A_407] : memref<100096xf32, #tpu.memory_space<hbm>> -> memref<5000xf32, #tpu.memory_space<hbm>>
      tpu.wait_dma2 semaphore(%arg21 : memref<!tpu.dma_semaphore, #tpu.memory_space<semaphore_mem>>) src(%dma_wait3A_408 : memref<5000xf32, #tpu.memory_space<hbm>>) dst(%dma_wait3A_406 : memref<5000xf32, #tpu.memory_space<vmem>>)
      %dma_wait3A_409 = arith.constant 0 : i32
      %dma_wait3A_410 = arith.constant 0 : i32
      %dma_wait3A_411 = tpu.memref_slice %arg15[%dma_wait3A_409, %dma_wait3A_410] : memref<2x5000xf32, #tpu.memory_space<vmem>> -> memref<1x5000xf32, #tpu.memory_space<vmem>>
      %dma_wait3A_412 = tpu.memref_squeeze %dma_wait3A_411 : memref<1x5000xf32, #tpu.memory_space<vmem>> -> memref<5000xf32, #tpu.memory_space<vmem>>
      %dma_wait3A_413 = arith.constant 0 : i32
      %dma_wait3A_414 = tpu.memref_slice %arg2[%dma_wait3A_413] : memref<100096xf32, #tpu.memory_space<hbm>> -> memref<5000xf32, #tpu.memory_space<hbm>>
      %dma_wait3A_415 = arith.constant 0 : i32
      %dma_wait3A_416 = tpu.memref_slice %arg15[%dma_wait3A_409, %dma_wait3A_415] : memref<2x5000xf32, #tpu.memory_space<vmem>> -> memref<1x5000xf32, #tpu.memory_space<vmem>>
      %dma_wait3A_417 = tpu.memref_squeeze %dma_wait3A_416 : memref<1x5000xf32, #tpu.memory_space<vmem>> -> memref<5000xf32, #tpu.memory_space<vmem>>
      %dma_wait3A_418 = arith.constant 0 : i32
      %dma_wait3A_419 = tpu.memref_slice %arg2[%dma_wait3A_418] : memref<100096xf32, #tpu.memory_space<hbm>> -> memref<5000xf32, #tpu.memory_space<hbm>>
      tpu.wait_dma2 semaphore(%arg21 : memref<!tpu.dma_semaphore, #tpu.memory_space<semaphore_mem>>) src(%dma_wait3A_419 : memref<5000xf32, #tpu.memory_space<hbm>>) dst(%dma_wait3A_417 : memref<5000xf32, #tpu.memory_space<vmem>>)
      %dma_start3A_420 = arith.constant 0 : i32
      %dma_start3A_421 = arith.constant 2 : i32
      %dma_start3A_422 = arith.constant 0 : i32
      %dma_start3A_423 = tpu.memref_slice %arg15[%dma_start3A_420, %dma_start3A_422] : memref<2x5000xf32, #tpu.memory_space<vmem>> -> memref<1x5000xf32, #tpu.memory_space<vmem>>
      %dma_start3A_424 = tpu.memref_squeeze %dma_start3A_423 : memref<1x5000xf32, #tpu.memory_space<vmem>> -> memref<5000xf32, #tpu.memory_space<vmem>>
      %dma_start3A_425 = arith.constant 0 : i32
      %dma_start3A_426 = tpu.memref_slice %arg14[%dma_start3A_421, %dma_start3A_425] : memref<4x5000xi32, #tpu.memory_space<vmem>> -> memref<1x5000xi32, #tpu.memory_space<vmem>>
      %dma_start3A_427 = tpu.memref_squeeze %dma_start3A_426 : memref<1x5000xi32, #tpu.memory_space<vmem>> -> memref<5000xi32, #tpu.memory_space<vmem>>
      %dma_start3A_428 = arith.constant 0 : i32
      %dma_start3A_429 = tpu.memref_slice %arg11[%dma_start3A_428] : memref<100096xf32, #tpu.memory_space<vmem_shared>> -> memref<100096xf32, #tpu.memory_space<vmem_shared>>
      tpu.enqueue_indirect_dma source(%dma_start3A_424 : memref<5000xf32, #tpu.memory_space<vmem>>) target(%dma_start3A_429 : memref<100096xf32, #tpu.memory_space<vmem_shared>>) offsets(%dma_start3A_427 : memref<5000xi32, #tpu.memory_space<vmem>>) semaphore(%arg23 : memref<!tpu.dma_semaphore, #tpu.memory_space<semaphore_mem>>) {add = true}
      %dma_start3A_430 = arith.constant 0 : i32
      %dma_start3A_431 = arith.constant 2 : i32
      %dma_start3A_432 = arith.constant 0 : i32
      %dma_start3A_433 = tpu.memref_slice %arg16[%dma_start3A_430, %dma_start3A_432] : memref<2x5000xf32, #tpu.memory_space<vmem>> -> memref<1x5000xf32, #tpu.memory_space<vmem>>
      %dma_start3A_434 = tpu.memref_squeeze %dma_start3A_433 : memref<1x5000xf32, #tpu.memory_space<vmem>> -> memref<5000xf32, #tpu.memory_space<vmem>>
      %dma_start3A_435 = arith.constant 0 : i32
      %dma_start3A_436 = tpu.memref_slice %arg14[%dma_start3A_431, %dma_start3A_435] : memref<4x5000xi32, #tpu.memory_space<vmem>> -> memref<1x5000xi32, #tpu.memory_space<vmem>>
      %dma_start3A_437 = tpu.memref_squeeze %dma_start3A_436 : memref<1x5000xi32, #tpu.memory_space<vmem>> -> memref<5000xi32, #tpu.memory_space<vmem>>
      %dma_start3A_438 = arith.constant 0 : i32
      %dma_start3A_439 = tpu.memref_slice %arg12[%dma_start3A_438] : memref<100096xf32, #tpu.memory_space<vmem_shared>> -> memref<100096xf32, #tpu.memory_space<vmem_shared>>
      tpu.enqueue_indirect_dma source(%dma_start3A_434 : memref<5000xf32, #tpu.memory_space<vmem>>) target(%dma_start3A_439 : memref<100096xf32, #tpu.memory_space<vmem_shared>>) offsets(%dma_start3A_437 : memref<5000xi32, #tpu.memory_space<vmem>>) semaphore(%arg23 : memref<!tpu.dma_semaphore, #tpu.memory_space<semaphore_mem>>) {add = true}
      %add3A_440 = arith.constant 2 : i32
      %add3A_441 = arith.addi %add3A_333, %add3A_440 : i32
      %lt3A_442 = arith.constant 40 : i32
      %lt3A_443 = arith.cmpi slt, %add3A_441, %lt3A_442 : i32
      %convert_element_type3A_444 = arith.extui %lt3A_443 : i1 to i32
      %cond3A_445 = arith.constant 0 : i32
      %cond3A_446 = arith.cmpi ne, %convert_element_type3A_444, %cond3A_445 : i32
      scf.if %cond3A_446 {
        %add3A_564 = arith.constant 2 : i32
        %add3A_565 = arith.addi %add3A_333, %add3A_564 : i32
        %mul3A_566 = arith.constant 5000 : i32
        %mul3A_567 = arith.muli %add3A_565, %mul3A_566 : i32
        %add3A_568 = arith.addi %mul3A_2, %mul3A_567 : i32
        %dma_start3A_569 = arith.constant 0 : i32
        %dma_start3A_570 = arith.constant 0 : i32
        %dma_start3A_571 = tpu.memref_slice %arg13[%dma_start3A_569, %dma_start3A_570] : memref<4x5000xi32, #tpu.memory_space<vmem>> -> memref<1x5000xi32, #tpu.memory_space<vmem>>
        %dma_start3A_572 = tpu.memref_squeeze %dma_start3A_571 : memref<1x5000xi32, #tpu.memory_space<vmem>> -> memref<5000xi32, #tpu.memory_space<vmem>>
        %dma_start3A_573 = tpu.memref_slice %arg5[%add3A_568] : memref<6400000xi32, #tpu.memory_space<hbm>> -> memref<5000xi32, #tpu.memory_space<hbm>>
        %dma_start3A_574 = arith.constant 0 : i32
        %dma_start3A_575 = tpu.memref_slice %arg13[%dma_start3A_569, %dma_start3A_574] : memref<4x5000xi32, #tpu.memory_space<vmem>> -> memref<1x5000xi32, #tpu.memory_space<vmem>>
        %dma_start3A_576 = tpu.memref_squeeze %dma_start3A_575 : memref<1x5000xi32, #tpu.memory_space<vmem>> -> memref<5000xi32, #tpu.memory_space<vmem>>
        %dma_start3A_577 = tpu.memref_slice %arg5[%add3A_568] : memref<6400000xi32, #tpu.memory_space<hbm>> -> memref<5000xi32, #tpu.memory_space<hbm>>
        tpu.enqueue_dma source(%dma_start3A_577 : memref<5000xi32, #tpu.memory_space<hbm>>) target(%dma_start3A_576 : memref<5000xi32, #tpu.memory_space<vmem>>) target_semaphore(%arg17 : memref<!tpu.dma_semaphore, #tpu.memory_space<semaphore_mem>>)
        %mul3A_578 = arith.constant 5000 : i32
        %mul3A_579 = arith.muli %add3A_565, %mul3A_578 : i32
        %add3A_580 = arith.addi %mul3A_2, %mul3A_579 : i32
        %dma_start3A_581 = arith.constant 0 : i32
        %dma_start3A_582 = arith.constant 0 : i32
        %dma_start3A_583 = tpu.memref_slice %arg14[%dma_start3A_581, %dma_start3A_582] : memref<4x5000xi32, #tpu.memory_space<vmem>> -> memref<1x5000xi32, #tpu.memory_space<vmem>>
        %dma_start3A_584 = tpu.memref_squeeze %dma_start3A_583 : memref<1x5000xi32, #tpu.memory_space<vmem>> -> memref<5000xi32, #tpu.memory_space<vmem>>
        %dma_start3A_585 = tpu.memref_slice %arg6[%add3A_580] : memref<6400000xi32, #tpu.memory_space<hbm>> -> memref<5000xi32, #tpu.memory_space<hbm>>
        %dma_start3A_586 = arith.constant 0 : i32
        %dma_start3A_587 = tpu.memref_slice %arg14[%dma_start3A_581, %dma_start3A_586] : memref<4x5000xi32, #tpu.memory_space<vmem>> -> memref<1x5000xi32, #tpu.memory_space<vmem>>
        %dma_start3A_588 = tpu.memref_squeeze %dma_start3A_587 : memref<1x5000xi32, #tpu.memory_space<vmem>> -> memref<5000xi32, #tpu.memory_space<vmem>>
        %dma_start3A_589 = tpu.memref_slice %arg6[%add3A_580] : memref<6400000xi32, #tpu.memory_space<hbm>> -> memref<5000xi32, #tpu.memory_space<hbm>>
        tpu.enqueue_dma source(%dma_start3A_589 : memref<5000xi32, #tpu.memory_space<hbm>>) target(%dma_start3A_588 : memref<5000xi32, #tpu.memory_space<vmem>>) target_semaphore(%arg17 : memref<!tpu.dma_semaphore, #tpu.memory_space<semaphore_mem>>)
      } else {
      }
      %mul3A_447 = arith.constant 4 : i32
      %mul3A_448 = arith.muli %scan3A_133, %mul3A_447 : i32
      %add3A_449 = arith.constant 3 : i32
      %add3A_450 = arith.addi %mul3A_448, %add3A_449 : i32
      %dma_wait3A_451 = arith.constant 0 : i32
      %dma_wait3A_452 = arith.constant 0 : i32
      %dma_wait3A_453 = tpu.memref_slice %arg15[%dma_wait3A_451, %dma_wait3A_452] : memref<2x5000xf32, #tpu.memory_space<vmem>> -> memref<1x5000xf32, #tpu.memory_space<vmem>>
      %dma_wait3A_454 = tpu.memref_squeeze %dma_wait3A_453 : memref<1x5000xf32, #tpu.memory_space<vmem>> -> memref<5000xf32, #tpu.memory_space<vmem>>
      %dma_wait3A_455 = arith.constant 0 : i32
      %dma_wait3A_456 = tpu.memref_slice %arg2[%dma_wait3A_455] : memref<100096xf32, #tpu.memory_space<hbm>> -> memref<5000xf32, #tpu.memory_space<hbm>>
      %dma_wait3A_457 = arith.constant 0 : i32
      %dma_wait3A_458 = tpu.memref_slice %arg15[%dma_wait3A_451, %dma_wait3A_457] : memref<2x5000xf32, #tpu.memory_space<vmem>> -> memref<1x5000xf32, #tpu.memory_space<vmem>>
      %dma_wait3A_459 = tpu.memref_squeeze %dma_wait3A_458 : memref<1x5000xf32, #tpu.memory_space<vmem>> -> memref<5000xf32, #tpu.memory_space<vmem>>
      %dma_wait3A_460 = arith.constant 0 : i32
      %dma_wait3A_461 = tpu.memref_slice %arg2[%dma_wait3A_460] : memref<100096xf32, #tpu.memory_space<hbm>> -> memref<5000xf32, #tpu.memory_space<hbm>>
      tpu.wait_dma2 semaphore(%arg20 : memref<!tpu.dma_semaphore, #tpu.memory_space<semaphore_mem>>) src(%dma_wait3A_461 : memref<5000xf32, #tpu.memory_space<hbm>>) dst(%dma_wait3A_459 : memref<5000xf32, #tpu.memory_space<vmem>>)
      %dma_wait3A_462 = arith.constant 0 : i32
      %dma_wait3A_463 = arith.constant 0 : i32
      %dma_wait3A_464 = tpu.memref_slice %arg15[%dma_wait3A_462, %dma_wait3A_463] : memref<2x5000xf32, #tpu.memory_space<vmem>> -> memref<1x5000xf32, #tpu.memory_space<vmem>>
      %dma_wait3A_465 = tpu.memref_squeeze %dma_wait3A_464 : memref<1x5000xf32, #tpu.memory_space<vmem>> -> memref<5000xf32, #tpu.memory_space<vmem>>
      %dma_wait3A_466 = arith.constant 0 : i32
      %dma_wait3A_467 = tpu.memref_slice %arg2[%dma_wait3A_466] : memref<100096xf32, #tpu.memory_space<hbm>> -> memref<5000xf32, #tpu.memory_space<hbm>>
      %dma_wait3A_468 = arith.constant 0 : i32
      %dma_wait3A_469 = tpu.memref_slice %arg15[%dma_wait3A_462, %dma_wait3A_468] : memref<2x5000xf32, #tpu.memory_space<vmem>> -> memref<1x5000xf32, #tpu.memory_space<vmem>>
      %dma_wait3A_470 = tpu.memref_squeeze %dma_wait3A_469 : memref<1x5000xf32, #tpu.memory_space<vmem>> -> memref<5000xf32, #tpu.memory_space<vmem>>
      %dma_wait3A_471 = arith.constant 0 : i32
      %dma_wait3A_472 = tpu.memref_slice %arg2[%dma_wait3A_471] : memref<100096xf32, #tpu.memory_space<hbm>> -> memref<5000xf32, #tpu.memory_space<hbm>>
      tpu.wait_dma2 semaphore(%arg20 : memref<!tpu.dma_semaphore, #tpu.memory_space<semaphore_mem>>) src(%dma_wait3A_472 : memref<5000xf32, #tpu.memory_space<hbm>>) dst(%dma_wait3A_470 : memref<5000xf32, #tpu.memory_space<vmem>>)
      %dma_wait3A_473 = arith.constant 0 : i32
      %dma_wait3A_474 = arith.constant 0 : i32
      %dma_wait3A_475 = tpu.memref_slice %arg15[%dma_wait3A_473, %dma_wait3A_474] : memref<2x5000xf32, #tpu.memory_space<vmem>> -> memref<1x5000xf32, #tpu.memory_space<vmem>>
      %dma_wait3A_476 = tpu.memref_squeeze %dma_wait3A_475 : memref<1x5000xf32, #tpu.memory_space<vmem>> -> memref<5000xf32, #tpu.memory_space<vmem>>
      %dma_wait3A_477 = arith.constant 0 : i32
      %dma_wait3A_478 = tpu.memref_slice %arg2[%dma_wait3A_477] : memref<100096xf32, #tpu.memory_space<hbm>> -> memref<5000xf32, #tpu.memory_space<hbm>>
      %dma_wait3A_479 = arith.constant 0 : i32
      %dma_wait3A_480 = tpu.memref_slice %arg15[%dma_wait3A_473, %dma_wait3A_479] : memref<2x5000xf32, #tpu.memory_space<vmem>> -> memref<1x5000xf32, #tpu.memory_space<vmem>>
      %dma_wait3A_481 = tpu.memref_squeeze %dma_wait3A_480 : memref<1x5000xf32, #tpu.memory_space<vmem>> -> memref<5000xf32, #tpu.memory_space<vmem>>
      %dma_wait3A_482 = arith.constant 0 : i32
      %dma_wait3A_483 = tpu.memref_slice %arg2[%dma_wait3A_482] : memref<100096xf32, #tpu.memory_space<hbm>> -> memref<5000xf32, #tpu.memory_space<hbm>>
      tpu.wait_dma2 semaphore(%arg24 : memref<!tpu.dma_semaphore, #tpu.memory_space<semaphore_mem>>) src(%dma_wait3A_483 : memref<5000xf32, #tpu.memory_space<hbm>>) dst(%dma_wait3A_481 : memref<5000xf32, #tpu.memory_space<vmem>>)
      %dma_wait3A_484 = arith.constant 0 : i32
      %dma_wait3A_485 = arith.constant 0 : i32
      %dma_wait3A_486 = tpu.memref_slice %arg15[%dma_wait3A_484, %dma_wait3A_485] : memref<2x5000xf32, #tpu.memory_space<vmem>> -> memref<1x5000xf32, #tpu.memory_space<vmem>>
      %dma_wait3A_487 = tpu.memref_squeeze %dma_wait3A_486 : memref<1x5000xf32, #tpu.memory_space<vmem>> -> memref<5000xf32, #tpu.memory_space<vmem>>
      %dma_wait3A_488 = arith.constant 0 : i32
      %dma_wait3A_489 = tpu.memref_slice %arg2[%dma_wait3A_488] : memref<100096xf32, #tpu.memory_space<hbm>> -> memref<5000xf32, #tpu.memory_space<hbm>>
      %dma_wait3A_490 = arith.constant 0 : i32
      %dma_wait3A_491 = tpu.memref_slice %arg15[%dma_wait3A_484, %dma_wait3A_490] : memref<2x5000xf32, #tpu.memory_space<vmem>> -> memref<1x5000xf32, #tpu.memory_space<vmem>>
      %dma_wait3A_492 = tpu.memref_squeeze %dma_wait3A_491 : memref<1x5000xf32, #tpu.memory_space<vmem>> -> memref<5000xf32, #tpu.memory_space<vmem>>
      %dma_wait3A_493 = arith.constant 0 : i32
      %dma_wait3A_494 = tpu.memref_slice %arg2[%dma_wait3A_493] : memref<100096xf32, #tpu.memory_space<hbm>> -> memref<5000xf32, #tpu.memory_space<hbm>>
      tpu.wait_dma2 semaphore(%arg24 : memref<!tpu.dma_semaphore, #tpu.memory_space<semaphore_mem>>) src(%dma_wait3A_494 : memref<5000xf32, #tpu.memory_space<hbm>>) dst(%dma_wait3A_492 : memref<5000xf32, #tpu.memory_space<vmem>>)
      %dma_start3A_495 = arith.constant 3 : i32
      %dma_start3A_496 = arith.constant 1 : i32
      %dma_start3A_497 = arith.constant 0 : i32
      %dma_start3A_498 = tpu.memref_slice %arg15[%dma_start3A_496, %dma_start3A_497] : memref<2x5000xf32, #tpu.memory_space<vmem>> -> memref<1x5000xf32, #tpu.memory_space<vmem>>
      %dma_start3A_499 = tpu.memref_squeeze %dma_start3A_498 : memref<1x5000xf32, #tpu.memory_space<vmem>> -> memref<5000xf32, #tpu.memory_space<vmem>>
      %dma_start3A_500 = arith.constant 0 : i32
      %dma_start3A_501 = tpu.memref_slice %arg13[%dma_start3A_495, %dma_start3A_500] : memref<4x5000xi32, #tpu.memory_space<vmem>> -> memref<1x5000xi32, #tpu.memory_space<vmem>>
      %dma_start3A_502 = tpu.memref_squeeze %dma_start3A_501 : memref<1x5000xi32, #tpu.memory_space<vmem>> -> memref<5000xi32, #tpu.memory_space<vmem>>
      %dma_start3A_503 = arith.constant 0 : i32
      %dma_start3A_504 = tpu.memref_slice %arg9[%dma_start3A_503] : memref<100096xf32, #tpu.memory_space<vmem_shared>> -> memref<100096xf32, #tpu.memory_space<vmem_shared>>
      tpu.enqueue_indirect_dma source(%dma_start3A_504 : memref<100096xf32, #tpu.memory_space<vmem_shared>>) target(%dma_start3A_499 : memref<5000xf32, #tpu.memory_space<vmem>>) offsets(%dma_start3A_502 : memref<5000xi32, #tpu.memory_space<vmem>>) semaphore(%arg22 : memref<!tpu.dma_semaphore, #tpu.memory_space<semaphore_mem>>)
      %dma_start3A_505 = arith.constant 3 : i32
      %dma_start3A_506 = arith.constant 1 : i32
      %dma_start3A_507 = arith.constant 0 : i32
      %dma_start3A_508 = tpu.memref_slice %arg16[%dma_start3A_506, %dma_start3A_507] : memref<2x5000xf32, #tpu.memory_space<vmem>> -> memref<1x5000xf32, #tpu.memory_space<vmem>>
      %dma_start3A_509 = tpu.memref_squeeze %dma_start3A_508 : memref<1x5000xf32, #tpu.memory_space<vmem>> -> memref<5000xf32, #tpu.memory_space<vmem>>
      %dma_start3A_510 = arith.constant 0 : i32
      %dma_start3A_511 = tpu.memref_slice %arg13[%dma_start3A_505, %dma_start3A_510] : memref<4x5000xi32, #tpu.memory_space<vmem>> -> memref<1x5000xi32, #tpu.memory_space<vmem>>
      %dma_start3A_512 = tpu.memref_squeeze %dma_start3A_511 : memref<1x5000xi32, #tpu.memory_space<vmem>> -> memref<5000xi32, #tpu.memory_space<vmem>>
      %dma_start3A_513 = arith.constant 0 : i32
      %dma_start3A_514 = tpu.memref_slice %arg10[%dma_start3A_513] : memref<100096xf32, #tpu.memory_space<vmem_shared>> -> memref<100096xf32, #tpu.memory_space<vmem_shared>>
      tpu.enqueue_indirect_dma source(%dma_start3A_514 : memref<100096xf32, #tpu.memory_space<vmem_shared>>) target(%dma_start3A_509 : memref<5000xf32, #tpu.memory_space<vmem>>) offsets(%dma_start3A_512 : memref<5000xi32, #tpu.memory_space<vmem>>) semaphore(%arg22 : memref<!tpu.dma_semaphore, #tpu.memory_space<semaphore_mem>>)
      %dma_wait3A_515 = arith.constant 0 : i32
      %dma_wait3A_516 = arith.constant 0 : i32
      %dma_wait3A_517 = tpu.memref_slice %arg15[%dma_wait3A_515, %dma_wait3A_516] : memref<2x5000xf32, #tpu.memory_space<vmem>> -> memref<1x5000xf32, #tpu.memory_space<vmem>>
      %dma_wait3A_518 = tpu.memref_squeeze %dma_wait3A_517 : memref<1x5000xf32, #tpu.memory_space<vmem>> -> memref<5000xf32, #tpu.memory_space<vmem>>
      %dma_wait3A_519 = arith.constant 0 : i32
      %dma_wait3A_520 = tpu.memref_slice %arg2[%dma_wait3A_519] : memref<100096xf32, #tpu.memory_space<hbm>> -> memref<5000xf32, #tpu.memory_space<hbm>>
      %dma_wait3A_521 = arith.constant 0 : i32
      %dma_wait3A_522 = tpu.memref_slice %arg15[%dma_wait3A_515, %dma_wait3A_521] : memref<2x5000xf32, #tpu.memory_space<vmem>> -> memref<1x5000xf32, #tpu.memory_space<vmem>>
      %dma_wait3A_523 = tpu.memref_squeeze %dma_wait3A_522 : memref<1x5000xf32, #tpu.memory_space<vmem>> -> memref<5000xf32, #tpu.memory_space<vmem>>
      %dma_wait3A_524 = arith.constant 0 : i32
      %dma_wait3A_525 = tpu.memref_slice %arg2[%dma_wait3A_524] : memref<100096xf32, #tpu.memory_space<hbm>> -> memref<5000xf32, #tpu.memory_space<hbm>>
      tpu.wait_dma2 semaphore(%arg22 : memref<!tpu.dma_semaphore, #tpu.memory_space<semaphore_mem>>) src(%dma_wait3A_525 : memref<5000xf32, #tpu.memory_space<hbm>>) dst(%dma_wait3A_523 : memref<5000xf32, #tpu.memory_space<vmem>>)
      %dma_wait3A_526 = arith.constant 0 : i32
      %dma_wait3A_527 = arith.constant 0 : i32
      %dma_wait3A_528 = tpu.memref_slice %arg15[%dma_wait3A_526, %dma_wait3A_527] : memref<2x5000xf32, #tpu.memory_space<vmem>> -> memref<1x5000xf32, #tpu.memory_space<vmem>>
      %dma_wait3A_529 = tpu.memref_squeeze %dma_wait3A_528 : memref<1x5000xf32, #tpu.memory_space<vmem>> -> memref<5000xf32, #tpu.memory_space<vmem>>
      %dma_wait3A_530 = arith.constant 0 : i32
      %dma_wait3A_531 = tpu.memref_slice %arg2[%dma_wait3A_530] : memref<100096xf32, #tpu.memory_space<hbm>> -> memref<5000xf32, #tpu.memory_space<hbm>>
      %dma_wait3A_532 = arith.constant 0 : i32
      %dma_wait3A_533 = tpu.memref_slice %arg15[%dma_wait3A_526, %dma_wait3A_532] : memref<2x5000xf32, #tpu.memory_space<vmem>> -> memref<1x5000xf32, #tpu.memory_space<vmem>>
      %dma_wait3A_534 = tpu.memref_squeeze %dma_wait3A_533 : memref<1x5000xf32, #tpu.memory_space<vmem>> -> memref<5000xf32, #tpu.memory_space<vmem>>
      %dma_wait3A_535 = arith.constant 0 : i32
      %dma_wait3A_536 = tpu.memref_slice %arg2[%dma_wait3A_535] : memref<100096xf32, #tpu.memory_space<hbm>> -> memref<5000xf32, #tpu.memory_space<hbm>>
      tpu.wait_dma2 semaphore(%arg22 : memref<!tpu.dma_semaphore, #tpu.memory_space<semaphore_mem>>) src(%dma_wait3A_536 : memref<5000xf32, #tpu.memory_space<hbm>>) dst(%dma_wait3A_534 : memref<5000xf32, #tpu.memory_space<vmem>>)
      %dma_start3A_537 = arith.constant 1 : i32
      %dma_start3A_538 = arith.constant 3 : i32
      %dma_start3A_539 = arith.constant 0 : i32
      %dma_start3A_540 = tpu.memref_slice %arg15[%dma_start3A_537, %dma_start3A_539] : memref<2x5000xf32, #tpu.memory_space<vmem>> -> memref<1x5000xf32, #tpu.memory_space<vmem>>
      %dma_start3A_541 = tpu.memref_squeeze %dma_start3A_540 : memref<1x5000xf32, #tpu.memory_space<vmem>> -> memref<5000xf32, #tpu.memory_space<vmem>>
      %dma_start3A_542 = arith.constant 0 : i32
      %dma_start3A_543 = tpu.memref_slice %arg14[%dma_start3A_538, %dma_start3A_542] : memref<4x5000xi32, #tpu.memory_space<vmem>> -> memref<1x5000xi32, #tpu.memory_space<vmem>>
      %dma_start3A_544 = tpu.memref_squeeze %dma_start3A_543 : memref<1x5000xi32, #tpu.memory_space<vmem>> -> memref<5000xi32, #tpu.memory_space<vmem>>
      %dma_start3A_545 = arith.constant 0 : i32
      %dma_start3A_546 = tpu.memref_slice %arg11[%dma_start3A_545] : memref<100096xf32, #tpu.memory_space<vmem_shared>> -> memref<100096xf32, #tpu.memory_space<vmem_shared>>
      tpu.enqueue_indirect_dma source(%dma_start3A_541 : memref<5000xf32, #tpu.memory_space<vmem>>) target(%dma_start3A_546 : memref<100096xf32, #tpu.memory_space<vmem_shared>>) offsets(%dma_start3A_544 : memref<5000xi32, #tpu.memory_space<vmem>>) semaphore(%arg24 : memref<!tpu.dma_semaphore, #tpu.memory_space<semaphore_mem>>) {add = true}
      %dma_start3A_547 = arith.constant 1 : i32
      %dma_start3A_548 = arith.constant 3 : i32
      %dma_start3A_549 = arith.constant 0 : i32
      %dma_start3A_550 = tpu.memref_slice %arg16[%dma_start3A_547, %dma_start3A_549] : memref<2x5000xf32, #tpu.memory_space<vmem>> -> memref<1x5000xf32, #tpu.memory_space<vmem>>
      %dma_start3A_551 = tpu.memref_squeeze %dma_start3A_550 : memref<1x5000xf32, #tpu.memory_space<vmem>> -> memref<5000xf32, #tpu.memory_space<vmem>>
      %dma_start3A_552 = arith.constant 0 : i32
      %dma_start3A_553 = tpu.memref_slice %arg14[%dma_start3A_548, %dma_start3A_552] : memref<4x5000xi32, #tpu.memory_space<vmem>> -> memref<1x5000xi32, #tpu.memory_space<vmem>>
      %dma_start3A_554 = tpu.memref_squeeze %dma_start3A_553 : memref<1x5000xi32, #tpu.memory_space<vmem>> -> memref<5000xi32, #tpu.memory_space<vmem>>
      %dma_start3A_555 = arith.constant 0 : i32
      %dma_start3A_556 = tpu.memref_slice %arg12[%dma_start3A_555] : memref<100096xf32, #tpu.memory_space<vmem_shared>> -> memref<100096xf32, #tpu.memory_space<vmem_shared>>
      tpu.enqueue_indirect_dma source(%dma_start3A_551 : memref<5000xf32, #tpu.memory_space<vmem>>) target(%dma_start3A_556 : memref<100096xf32, #tpu.memory_space<vmem_shared>>) offsets(%dma_start3A_554 : memref<5000xi32, #tpu.memory_space<vmem>>) semaphore(%arg24 : memref<!tpu.dma_semaphore, #tpu.memory_space<semaphore_mem>>) {add = true}
      %add3A_557 = arith.constant 2 : i32
      %add3A_558 = arith.addi %add3A_450, %add3A_557 : i32
      %lt3A_559 = arith.constant 40 : i32
      %lt3A_560 = arith.cmpi slt, %add3A_558, %lt3A_559 : i32
      %convert_element_type3A_561 = arith.extui %lt3A_560 : i1 to i32
      %cond3A_562 = arith.constant 0 : i32
      %cond3A_563 = arith.cmpi ne, %convert_element_type3A_561, %cond3A_562 : i32
      scf.if %cond3A_563 {
        %add3A_564 = arith.constant 2 : i32
        %add3A_565 = arith.addi %add3A_450, %add3A_564 : i32
        %mul3A_566 = arith.constant 5000 : i32
        %mul3A_567 = arith.muli %add3A_565, %mul3A_566 : i32
        %add3A_568 = arith.addi %mul3A_2, %mul3A_567 : i32
        %dma_start3A_569 = arith.constant 1 : i32
        %dma_start3A_570 = arith.constant 0 : i32
        %dma_start3A_571 = tpu.memref_slice %arg13[%dma_start3A_569, %dma_start3A_570] : memref<4x5000xi32, #tpu.memory_space<vmem>> -> memref<1x5000xi32, #tpu.memory_space<vmem>>
        %dma_start3A_572 = tpu.memref_squeeze %dma_start3A_571 : memref<1x5000xi32, #tpu.memory_space<vmem>> -> memref<5000xi32, #tpu.memory_space<vmem>>
        %dma_start3A_573 = tpu.memref_slice %arg5[%add3A_568] : memref<6400000xi32, #tpu.memory_space<hbm>> -> memref<5000xi32, #tpu.memory_space<hbm>>
        %dma_start3A_574 = arith.constant 0 : i32
        %dma_start3A_575 = tpu.memref_slice %arg13[%dma_start3A_569, %dma_start3A_574] : memref<4x5000xi32, #tpu.memory_space<vmem>> -> memref<1x5000xi32, #tpu.memory_space<vmem>>
        %dma_start3A_576 = tpu.memref_squeeze %dma_start3A_575 : memref<1x5000xi32, #tpu.memory_space<vmem>> -> memref<5000xi32, #tpu.memory_space<vmem>>
        %dma_start3A_577 = tpu.memref_slice %arg5[%add3A_568] : memref<6400000xi32, #tpu.memory_space<hbm>> -> memref<5000xi32, #tpu.memory_space<hbm>>
        tpu.enqueue_dma source(%dma_start3A_577 : memref<5000xi32, #tpu.memory_space<hbm>>) target(%dma_start3A_576 : memref<5000xi32, #tpu.memory_space<vmem>>) target_semaphore(%arg18 : memref<!tpu.dma_semaphore, #tpu.memory_space<semaphore_mem>>)
        %mul3A_578 = arith.constant 5000 : i32
        %mul3A_579 = arith.muli %add3A_565, %mul3A_578 : i32
        %add3A_580 = arith.addi %mul3A_2, %mul3A_579 : i32
        %dma_start3A_581 = arith.constant 1 : i32
        %dma_start3A_582 = arith.constant 0 : i32
        %dma_start3A_583 = tpu.memref_slice %arg14[%dma_start3A_581, %dma_start3A_582] : memref<4x5000xi32, #tpu.memory_space<vmem>> -> memref<1x5000xi32, #tpu.memory_space<vmem>>
        %dma_start3A_584 = tpu.memref_squeeze %dma_start3A_583 : memref<1x5000xi32, #tpu.memory_space<vmem>> -> memref<5000xi32, #tpu.memory_space<vmem>>
        %dma_start3A_585 = tpu.memref_slice %arg6[%add3A_580] : memref<6400000xi32, #tpu.memory_space<hbm>> -> memref<5000xi32, #tpu.memory_space<hbm>>
        %dma_start3A_586 = arith.constant 0 : i32
        %dma_start3A_587 = tpu.memref_slice %arg14[%dma_start3A_581, %dma_start3A_586] : memref<4x5000xi32, #tpu.memory_space<vmem>> -> memref<1x5000xi32, #tpu.memory_space<vmem>>
        %dma_start3A_588 = tpu.memref_squeeze %dma_start3A_587 : memref<1x5000xi32, #tpu.memory_space<vmem>> -> memref<5000xi32, #tpu.memory_space<vmem>>
        %dma_start3A_589 = tpu.memref_slice %arg6[%add3A_580] : memref<6400000xi32, #tpu.memory_space<hbm>> -> memref<5000xi32, #tpu.memory_space<hbm>>
        tpu.enqueue_dma source(%dma_start3A_589 : memref<5000xi32, #tpu.memory_space<hbm>>) target(%dma_start3A_588 : memref<5000xi32, #tpu.memory_space<vmem>>) target_semaphore(%arg18 : memref<!tpu.dma_semaphore, #tpu.memory_space<semaphore_mem>>)
      } else {
      }
    }
    %scan3A_67 = arith.constant 10 : i32
    %dma_wait3A_68 = arith.constant 0 : i32
    %dma_wait3A_69 = arith.constant 0 : i32
    %dma_wait3A_70 = tpu.memref_slice %arg15[%dma_wait3A_68, %dma_wait3A_69] : memref<2x5000xf32, #tpu.memory_space<vmem>> -> memref<1x5000xf32, #tpu.memory_space<vmem>>
    %dma_wait3A_71 = tpu.memref_squeeze %dma_wait3A_70 : memref<1x5000xf32, #tpu.memory_space<vmem>> -> memref<5000xf32, #tpu.memory_space<vmem>>
    %dma_wait3A_72 = arith.constant 0 : i32
    %dma_wait3A_73 = tpu.memref_slice %arg2[%dma_wait3A_72] : memref<100096xf32, #tpu.memory_space<hbm>> -> memref<5000xf32, #tpu.memory_space<hbm>>
    %dma_wait3A_74 = arith.constant 0 : i32
    %dma_wait3A_75 = tpu.memref_slice %arg15[%dma_wait3A_68, %dma_wait3A_74] : memref<2x5000xf32, #tpu.memory_space<vmem>> -> memref<1x5000xf32, #tpu.memory_space<vmem>>
    %dma_wait3A_76 = tpu.memref_squeeze %dma_wait3A_75 : memref<1x5000xf32, #tpu.memory_space<vmem>> -> memref<5000xf32, #tpu.memory_space<vmem>>
    %dma_wait3A_77 = arith.constant 0 : i32
    %dma_wait3A_78 = tpu.memref_slice %arg2[%dma_wait3A_77] : memref<100096xf32, #tpu.memory_space<hbm>> -> memref<5000xf32, #tpu.memory_space<hbm>>
    tpu.wait_dma2 semaphore(%arg23 : memref<!tpu.dma_semaphore, #tpu.memory_space<semaphore_mem>>) src(%dma_wait3A_78 : memref<5000xf32, #tpu.memory_space<hbm>>) dst(%dma_wait3A_76 : memref<5000xf32, #tpu.memory_space<vmem>>)
    %dma_wait3A_79 = arith.constant 0 : i32
    %dma_wait3A_80 = arith.constant 0 : i32
    %dma_wait3A_81 = tpu.memref_slice %arg15[%dma_wait3A_79, %dma_wait3A_80] : memref<2x5000xf32, #tpu.memory_space<vmem>> -> memref<1x5000xf32, #tpu.memory_space<vmem>>
    %dma_wait3A_82 = tpu.memref_squeeze %dma_wait3A_81 : memref<1x5000xf32, #tpu.memory_space<vmem>> -> memref<5000xf32, #tpu.memory_space<vmem>>
    %dma_wait3A_83 = arith.constant 0 : i32
    %dma_wait3A_84 = tpu.memref_slice %arg2[%dma_wait3A_83] : memref<100096xf32, #tpu.memory_space<hbm>> -> memref<5000xf32, #tpu.memory_space<hbm>>
    %dma_wait3A_85 = arith.constant 0 : i32
    %dma_wait3A_86 = tpu.memref_slice %arg15[%dma_wait3A_79, %dma_wait3A_85] : memref<2x5000xf32, #tpu.memory_space<vmem>> -> memref<1x5000xf32, #tpu.memory_space<vmem>>
    %dma_wait3A_87 = tpu.memref_squeeze %dma_wait3A_86 : memref<1x5000xf32, #tpu.memory_space<vmem>> -> memref<5000xf32, #tpu.memory_space<vmem>>
    %dma_wait3A_88 = arith.constant 0 : i32
    %dma_wait3A_89 = tpu.memref_slice %arg2[%dma_wait3A_88] : memref<100096xf32, #tpu.memory_space<hbm>> -> memref<5000xf32, #tpu.memory_space<hbm>>
    tpu.wait_dma2 semaphore(%arg23 : memref<!tpu.dma_semaphore, #tpu.memory_space<semaphore_mem>>) src(%dma_wait3A_89 : memref<5000xf32, #tpu.memory_space<hbm>>) dst(%dma_wait3A_87 : memref<5000xf32, #tpu.memory_space<vmem>>)
    %dma_wait3A_90 = arith.constant 0 : i32
    %dma_wait3A_91 = arith.constant 0 : i32
    %dma_wait3A_92 = tpu.memref_slice %arg15[%dma_wait3A_90, %dma_wait3A_91] : memref<2x5000xf32, #tpu.memory_space<vmem>> -> memref<1x5000xf32, #tpu.memory_space<vmem>>
    %dma_wait3A_93 = tpu.memref_squeeze %dma_wait3A_92 : memref<1x5000xf32, #tpu.memory_space<vmem>> -> memref<5000xf32, #tpu.memory_space<vmem>>
    %dma_wait3A_94 = arith.constant 0 : i32
    %dma_wait3A_95 = tpu.memref_slice %arg2[%dma_wait3A_94] : memref<100096xf32, #tpu.memory_space<hbm>> -> memref<5000xf32, #tpu.memory_space<hbm>>
    %dma_wait3A_96 = arith.constant 0 : i32
    %dma_wait3A_97 = tpu.memref_slice %arg15[%dma_wait3A_90, %dma_wait3A_96] : memref<2x5000xf32, #tpu.memory_space<vmem>> -> memref<1x5000xf32, #tpu.memory_space<vmem>>
    %dma_wait3A_98 = tpu.memref_squeeze %dma_wait3A_97 : memref<1x5000xf32, #tpu.memory_space<vmem>> -> memref<5000xf32, #tpu.memory_space<vmem>>
    %dma_wait3A_99 = arith.constant 0 : i32
    %dma_wait3A_100 = tpu.memref_slice %arg2[%dma_wait3A_99] : memref<100096xf32, #tpu.memory_space<hbm>> -> memref<5000xf32, #tpu.memory_space<hbm>>
    tpu.wait_dma2 semaphore(%arg24 : memref<!tpu.dma_semaphore, #tpu.memory_space<semaphore_mem>>) src(%dma_wait3A_100 : memref<5000xf32, #tpu.memory_space<hbm>>) dst(%dma_wait3A_98 : memref<5000xf32, #tpu.memory_space<vmem>>)
    %dma_wait3A_101 = arith.constant 0 : i32
    %dma_wait3A_102 = arith.constant 0 : i32
    %dma_wait3A_103 = tpu.memref_slice %arg15[%dma_wait3A_101, %dma_wait3A_102] : memref<2x5000xf32, #tpu.memory_space<vmem>> -> memref<1x5000xf32, #tpu.memory_space<vmem>>
    %dma_wait3A_104 = tpu.memref_squeeze %dma_wait3A_103 : memref<1x5000xf32, #tpu.memory_space<vmem>> -> memref<5000xf32, #tpu.memory_space<vmem>>
    %dma_wait3A_105 = arith.constant 0 : i32
    %dma_wait3A_106 = tpu.memref_slice %arg2[%dma_wait3A_105] : memref<100096xf32, #tpu.memory_space<hbm>> -> memref<5000xf32, #tpu.memory_space<hbm>>
    %dma_wait3A_107 = arith.constant 0 : i32
    %dma_wait3A_108 = tpu.memref_slice %arg15[%dma_wait3A_101, %dma_wait3A_107] : memref<2x5000xf32, #tpu.memory_space<vmem>> -> memref<1x5000xf32, #tpu.memory_space<vmem>>
    %dma_wait3A_109 = tpu.memref_squeeze %dma_wait3A_108 : memref<1x5000xf32, #tpu.memory_space<vmem>> -> memref<5000xf32, #tpu.memory_space<vmem>>
    %dma_wait3A_110 = arith.constant 0 : i32
    %dma_wait3A_111 = tpu.memref_slice %arg2[%dma_wait3A_110] : memref<100096xf32, #tpu.memory_space<hbm>> -> memref<5000xf32, #tpu.memory_space<hbm>>
    tpu.wait_dma2 semaphore(%arg24 : memref<!tpu.dma_semaphore, #tpu.memory_space<semaphore_mem>>) src(%dma_wait3A_111 : memref<5000xf32, #tpu.memory_space<hbm>>) dst(%dma_wait3A_109 : memref<5000xf32, #tpu.memory_space<vmem>>)
    %barrier3A_112 = arith.constant 0 : index
    tpu.barrier barrier_id(%barrier3A_112)
    %dma_start3A_113 = arith.constant 0 : i32
    %dma_start3A_114 = tpu.memref_slice %arg7[%arg0, %dma_start3A_113] : memref<2x100096xf32, #tpu.memory_space<hbm>> -> memref<1x100096xf32, #tpu.memory_space<hbm>>
    %dma_start3A_115 = tpu.memref_squeeze %dma_start3A_114 : memref<1x100096xf32, #tpu.memory_space<hbm>> -> memref<100096xf32, #tpu.memory_space<hbm>>
    %dma_start3A_116 = tpu.memref_slice %dma_start3A_115[%mul3A_47] : memref<100096xf32, #tpu.memory_space<hbm>> -> memref<6256xf32, #tpu.memory_space<hbm>>
    %dma_start3A_117 = tpu.memref_slice %arg11[%mul3A_47] : memref<100096xf32, #tpu.memory_space<vmem_shared>> -> memref<6256xf32, #tpu.memory_space<vmem_shared>>
    tpu.enqueue_dma source(%dma_start3A_117 : memref<6256xf32, #tpu.memory_space<vmem_shared>>) target(%dma_start3A_116 : memref<6256xf32, #tpu.memory_space<hbm>>) target_semaphore(%arg21 : memref<!tpu.dma_semaphore, #tpu.memory_space<semaphore_mem>>)
    %dma_start3A_118 = arith.constant 0 : i32
    %dma_start3A_119 = tpu.memref_slice %arg8[%arg0, %dma_start3A_118] : memref<2x100096xf32, #tpu.memory_space<hbm>> -> memref<1x100096xf32, #tpu.memory_space<hbm>>
    %dma_start3A_120 = tpu.memref_squeeze %dma_start3A_119 : memref<1x100096xf32, #tpu.memory_space<hbm>> -> memref<100096xf32, #tpu.memory_space<hbm>>
    %dma_start3A_121 = tpu.memref_slice %dma_start3A_120[%mul3A_47] : memref<100096xf32, #tpu.memory_space<hbm>> -> memref<6256xf32, #tpu.memory_space<hbm>>
    %dma_start3A_122 = tpu.memref_slice %arg12[%mul3A_47] : memref<100096xf32, #tpu.memory_space<vmem_shared>> -> memref<6256xf32, #tpu.memory_space<vmem_shared>>
    tpu.enqueue_dma source(%dma_start3A_122 : memref<6256xf32, #tpu.memory_space<vmem_shared>>) target(%dma_start3A_121 : memref<6256xf32, #tpu.memory_space<hbm>>) target_semaphore(%arg21 : memref<!tpu.dma_semaphore, #tpu.memory_space<semaphore_mem>>)
    %dma_wait3A_123 = arith.constant 0 : i32
    %dma_wait3A_124 = tpu.memref_slice %arg7[%arg0, %dma_wait3A_123] : memref<2x100096xf32, #tpu.memory_space<hbm>> -> memref<1x100096xf32, #tpu.memory_space<hbm>>
    %dma_wait3A_125 = tpu.memref_squeeze %dma_wait3A_124 : memref<1x100096xf32, #tpu.memory_space<hbm>> -> memref<100096xf32, #tpu.memory_space<hbm>>
    %dma_wait3A_126 = tpu.memref_slice %dma_wait3A_125[%mul3A_47] : memref<100096xf32, #tpu.memory_space<hbm>> -> memref<6256xf32, #tpu.memory_space<hbm>>
    %dma_wait3A_127 = tpu.memref_slice %arg11[%mul3A_47] : memref<100096xf32, #tpu.memory_space<vmem_shared>> -> memref<6256xf32, #tpu.memory_space<vmem_shared>>
    tpu.wait_dma2 semaphore(%arg21 : memref<!tpu.dma_semaphore, #tpu.memory_space<semaphore_mem>>) src(%dma_wait3A_127 : memref<6256xf32, #tpu.memory_space<vmem_shared>>) dst(%dma_wait3A_126 : memref<6256xf32, #tpu.memory_space<hbm>>)
    %dma_wait3A_128 = arith.constant 0 : i32
    %dma_wait3A_129 = tpu.memref_slice %arg7[%arg0, %dma_wait3A_128] : memref<2x100096xf32, #tpu.memory_space<hbm>> -> memref<1x100096xf32, #tpu.memory_space<hbm>>
    %dma_wait3A_130 = tpu.memref_squeeze %dma_wait3A_129 : memref<1x100096xf32, #tpu.memory_space<hbm>> -> memref<100096xf32, #tpu.memory_space<hbm>>
    %dma_wait3A_131 = tpu.memref_slice %dma_wait3A_130[%mul3A_47] : memref<100096xf32, #tpu.memory_space<hbm>> -> memref<6256xf32, #tpu.memory_space<hbm>>
    %dma_wait3A_132 = tpu.memref_slice %arg11[%mul3A_47] : memref<100096xf32, #tpu.memory_space<vmem_shared>> -> memref<6256xf32, #tpu.memory_space<vmem_shared>>
    tpu.wait_dma2 semaphore(%arg21 : memref<!tpu.dma_semaphore, #tpu.memory_space<semaphore_mem>>) src(%dma_wait3A_132 : memref<6256xf32, #tpu.memory_space<vmem_shared>>) dst(%dma_wait3A_131 : memref<6256xf32, #tpu.memory_space<hbm>>)
    return
  }
}

#map = affine_map<(d0, d1) -> (0)>
#map1 = affine_map<(d0, d1) -> (0, 0)>
module attributes {stable_mosaic.version = 14 : i64} {
  func.func @_propagate(%arg0: i32, %arg1: i32, %arg2: memref<100096xf32, #tpu.memory_space<hbm>>, %arg3: memref<100096xf32, #tpu.memory_space<hbm>>, %arg4: memref<100096xf32, #tpu.memory_space<hbm>>, %arg5: memref<6400000xi32, #tpu.memory_space<hbm>>, %arg6: memref<6400000xi32, #tpu.memory_space<hbm>>, %arg7: memref<2x100096xf32, #tpu.memory_space<hbm>>, %arg8: memref<2x100096xf32, #tpu.memory_space<hbm>>, %arg9: memref<100096xf32, #tpu.memory_space<vmem_shared>>, %arg10: memref<100096xf32, #tpu.memory_space<vmem_shared>>, %arg11: memref<100096xf32, #tpu.memory_space<vmem_shared>>, %arg12: memref<100096xf32, #tpu.memory_space<vmem_shared>>, %arg13: memref<4x5000xi32, #tpu.memory_space<vmem>>, %arg14: memref<4x5000xi32, #tpu.memory_space<vmem>>, %arg15: memref<2x5000xf32, #tpu.memory_space<vmem>>, %arg16: memref<2x5000xf32, #tpu.memory_space<vmem>>, %arg17: memref<!tpu.dma_semaphore, #tpu.memory_space<semaphore_mem>>, %arg18: memref<!tpu.dma_semaphore, #tpu.memory_space<semaphore_mem>>, %arg19: memref<!tpu.dma_semaphore, #tpu.memory_space<semaphore_mem>>, %arg20: memref<!tpu.dma_semaphore, #tpu.memory_space<semaphore_mem>>, %arg21: memref<!tpu.dma_semaphore, #tpu.memory_space<semaphore_mem>>, %arg22: memref<!tpu.dma_semaphore, #tpu.memory_space<semaphore_mem>>, %arg23: memref<!tpu.dma_semaphore, #tpu.memory_space<semaphore_mem>>, %arg24: memref<!tpu.dma_semaphore, #tpu.memory_space<semaphore_mem>>) attributes {dimension_semantics = [#tpu.dimension_semantics<core_parallel>, #tpu.dimension_semantics<subcore_parallel>], iteration_bounds = array<i64: 2, 16>, scalar_prefetch = 0 : i64, scratch_operands = 16 : i64, tpu.core_type = #tpu.core_type<sc_vector_subcore>, window_params = [{transform_indices = #map}, {transform_indices = #map}, {transform_indices = #map}, {transform_indices = #map}, {transform_indices = #map}, {transform_indices = #map1}, {transform_indices = #map1}]} {
    %mul3A = arith.constant 2 : i32
    %mul3A_0 = arith.muli %arg1, %mul3A : i32
    %add3A = arith.addi %mul3A_0, %arg0 : i32
    %mul3A_1 = arith.constant 200000 : i32
    %mul3A_2 = arith.muli %add3A, %mul3A_1 : i32
    %add3A_3 = arith.constant 0 : i32
    %add3A_4 = arith.addi %mul3A_2, %add3A_3 : i32
    %dma_start3A = arith.constant 0 : i32
    %dma_start3A_5 = arith.constant 0 : i32
    %dma_start3A_6 = tpu.memref_slice %arg13[%dma_start3A, %dma_start3A_5] : memref<4x5000xi32, #tpu.memory_space<vmem>> -> memref<1x5000xi32, #tpu.memory_space<vmem>>
    %dma_start3A_7 = tpu.memref_squeeze %dma_start3A_6 : memref<1x5000xi32, #tpu.memory_space<vmem>> -> memref<5000xi32, #tpu.memory_space<vmem>>
    %dma_start3A_8 = tpu.memref_slice %arg5[%add3A_4] : memref<6400000xi32, #tpu.memory_space<hbm>> -> memref<5000xi32, #tpu.memory_space<hbm>>
    %dma_start3A_9 = arith.constant 0 : i32
    %dma_start3A_10 = tpu.memref_slice %arg13[%dma_start3A, %dma_start3A_9] : memref<4x5000xi32, #tpu.memory_space<vmem>> -> memref<1x5000xi32, #tpu.memory_space<vmem>>
    %dma_start3A_11 = tpu.memref_squeeze %dma_start3A_10 : memref<1x5000xi32, #tpu.memory_space<vmem>> -> memref<5000xi32, #tpu.memory_space<vmem>>
    %dma_start3A_12 = tpu.memref_slice %arg5[%add3A_4] : memref<6400000xi32, #tpu.memory_space<hbm>> -> memref<5000xi32, #tpu.memory_space<hbm>>
    tpu.enqueue_dma source(%dma_start3A_12 : memref<5000xi32, #tpu.memory_space<hbm>>) target(%dma_start3A_11 : memref<5000xi32, #tpu.memory_space<vmem>>) target_semaphore(%arg17 : memref<!tpu.dma_semaphore, #tpu.memory_space<semaphore_mem>>)
    %add3A_13 = arith.constant 0 : i32
    %add3A_14 = arith.addi %mul3A_2, %add3A_13 : i32
    %dma_start3A_15 = arith.constant 0 : i32
    %dma_start3A_16 = arith.constant 0 : i32
    %dma_start3A_17 = tpu.memref_slice %arg14[%dma_start3A_15, %dma_start3A_16] : memref<4x5000xi32, #tpu.memory_space<vmem>> -> memref<1x5000xi32, #tpu.memory_space<vmem>>
    %dma_start3A_18 = tpu.memref_squeeze %dma_start3A_17 : memref<1x5000xi32, #tpu.memory_space<vmem>> -> memref<5000xi32, #tpu.memory_space<vmem>>
    %dma_start3A_19 = tpu.memref_slice %arg6[%add3A_14] : memref<6400000xi32, #tpu.memory_space<hbm>> -> memref<5000xi32, #tpu.memory_space<hbm>>
    %dma_start3A_20 = arith.constant 0 : i32
    %dma_start3A_21 = tpu.memref_slice %arg14[%dma_start3A_15, %dma_start3A_20] : memref<4x5000xi32, #tpu.memory_space<vmem>> -> memref<1x5000xi32, #tpu.memory_space<vmem>>
    %dma_start3A_22 = tpu.memref_squeeze %dma_start3A_21 : memref<1x5000xi32, #tpu.memory_space<vmem>> -> memref<5000xi32, #tpu.memory_space<vmem>>
    %dma_start3A_23 = tpu.memref_slice %arg6[%add3A_14] : memref<6400000xi32, #tpu.memory_space<hbm>> -> memref<5000xi32, #tpu.memory_space<hbm>>
    tpu.enqueue_dma source(%dma_start3A_23 : memref<5000xi32, #tpu.memory_space<hbm>>) target(%dma_start3A_22 : memref<5000xi32, #tpu.memory_space<vmem>>) target_semaphore(%arg17 : memref<!tpu.dma_semaphore, #tpu.memory_space<semaphore_mem>>)
    %add3A_24 = arith.constant 5000 : i32
    %add3A_25 = arith.addi %mul3A_2, %add3A_24 : i32
    %dma_start3A_26 = arith.constant 1 : i32
    %dma_start3A_27 = arith.constant 0 : i32
    %dma_start3A_28 = tpu.memref_slice %arg13[%dma_start3A_26, %dma_start3A_27] : memref<4x5000xi32, #tpu.memory_space<vmem>> -> memref<1x5000xi32, #tpu.memory_space<vmem>>
    %dma_start3A_29 = tpu.memref_squeeze %dma_start3A_28 : memref<1x5000xi32, #tpu.memory_space<vmem>> -> memref<5000xi32, #tpu.memory_space<vmem>>
    %dma_start3A_30 = tpu.memref_slice %arg5[%add3A_25] : memref<6400000xi32, #tpu.memory_space<hbm>> -> memref<5000xi32, #tpu.memory_space<hbm>>
    %dma_start3A_31 = arith.constant 0 : i32
    %dma_start3A_32 = tpu.memref_slice %arg13[%dma_start3A_26, %dma_start3A_31] : memref<4x5000xi32, #tpu.memory_space<vmem>> -> memref<1x5000xi32, #tpu.memory_space<vmem>>
    %dma_start3A_33 = tpu.memref_squeeze %dma_start3A_32 : memref<1x5000xi32, #tpu.memory_space<vmem>> -> memref<5000xi32, #tpu.memory_space<vmem>>
    %dma_start3A_34 = tpu.memref_slice %arg5[%add3A_25] : memref<6400000xi32, #tpu.memory_space<hbm>> -> memref<5000xi32, #tpu.memory_space<hbm>>
    tpu.enqueue_dma source(%dma_start3A_34 : memref<5000xi32, #tpu.memory_space<hbm>>) target(%dma_start3A_33 : memref<5000xi32, #tpu.memory_space<vmem>>) target_semaphore(%arg18 : memref<!tpu.dma_semaphore, #tpu.memory_space<semaphore_mem>>)
    %add3A_35 = arith.constant 5000 : i32
    %add3A_36 = arith.addi %mul3A_2, %add3A_35 : i32
    %dma_start3A_37 = arith.constant 1 : i32
    %dma_start3A_38 = arith.constant 0 : i32
    %dma_start3A_39 = tpu.memref_slice %arg14[%dma_start3A_37, %dma_start3A_38] : memref<4x5000xi32, #tpu.memory_space<vmem>> -> memref<1x5000xi32, #tpu.memory_space<vmem>>
    %dma_start3A_40 = tpu.memref_squeeze %dma_start3A_39 : memref<1x5000xi32, #tpu.memory_space<vmem>> -> memref<5000xi32, #tpu.memory_space<vmem>>
    %dma_start3A_41 = tpu.memref_slice %arg6[%add3A_36] : memref<6400000xi32, #tpu.memory_space<hbm>> -> memref<5000xi32, #tpu.memory_space<hbm>>
    %dma_start3A_42 = arith.constant 0 : i32
    %dma_start3A_43 = tpu.memref_slice %arg14[%dma_start3A_37, %dma_start3A_42] : memref<4x5000xi32, #tpu.memory_space<vmem>> -> memref<1x5000xi32, #tpu.memory_space<vmem>>
    %dma_start3A_44 = tpu.memref_squeeze %dma_start3A_43 : memref<1x5000xi32, #tpu.memory_space<vmem>> -> memref<5000xi32, #tpu.memory_space<vmem>>
    %dma_start3A_45 = tpu.memref_slice %arg6[%add3A_36] : memref<6400000xi32, #tpu.memory_space<hbm>> -> memref<5000xi32, #tpu.memory_space<hbm>>
    tpu.enqueue_dma source(%dma_start3A_45 : memref<5000xi32, #tpu.memory_space<hbm>>) target(%dma_start3A_44 : memref<5000xi32, #tpu.memory_space<vmem>>) target_semaphore(%arg18 : memref<!tpu.dma_semaphore, #tpu.memory_space<semaphore_mem>>)
    %mul3A_46 = arith.constant 6256 : i32
    %mul3A_47 = arith.muli %arg1, %mul3A_46 : i32
    %dma_start3A_48 = tpu.memref_slice %arg9[%mul3A_47] : memref<100096xf32, #tpu.memory_space<vmem_shared>> -> memref<6256xf32, #tpu.memory_space<vmem_shared>>
    %dma_start3A_49 = tpu.memref_slice %arg2[%mul3A_47] : memref<100096xf32, #tpu.memory_space<hbm>> -> memref<6256xf32, #tpu.memory_space<hbm>>
    tpu.enqueue_dma source(%dma_start3A_49 : memref<6256xf32, #tpu.memory_space<hbm>>) target(%dma_start3A_48 : memref<6256xf32, #tpu.memory_space<vmem_shared>>) target_semaphore(%arg21 : memref<!tpu.dma_semaphore, #tpu.memory_space<semaphore_mem>>)
    %dma_start3A_50 = tpu.memref_slice %arg10[%mul3A_47] : memref<100096xf32, #tpu.memory_space<vmem_shared>> -> memref<6256xf32, #tpu.memory_space<vmem_shared>>
    %dma_start3A_51 = tpu.memref_slice %arg3[%mul3A_47] : memref<100096xf32, #tpu.memory_space<hbm>> -> memref<6256xf32, #tpu.memory_space<hbm>>
    tpu.enqueue_dma source(%dma_start3A_51 : memref<6256xf32, #tpu.memory_space<hbm>>) target(%dma_start3A_50 : memref<6256xf32, #tpu.memory_space<vmem_shared>>) target_semaphore(%arg21 : memref<!tpu.dma_semaphore, #tpu.memory_space<semaphore_mem>>)
    %dma_start3A_52 = tpu.memref_slice %arg11[%mul3A_47] : memref<100096xf32, #tpu.memory_space<vmem_shared>> -> memref<6256xf32, #tpu.memory_space<vmem_shared>>
    %dma_start3A_53 = tpu.memref_slice %arg4[%mul3A_47] : memref<100096xf32, #tpu.memory_space<hbm>> -> memref<6256xf32, #tpu.memory_space<hbm>>
    tpu.enqueue_dma source(%dma_start3A_53 : memref<6256xf32, #tpu.memory_space<hbm>>) target(%dma_start3A_52 : memref<6256xf32, #tpu.memory_space<vmem_shared>>) target_semaphore(%arg21 : memref<!tpu.dma_semaphore, #tpu.memory_space<semaphore_mem>>)
    %dma_start3A_54 = tpu.memref_slice %arg12[%mul3A_47] : memref<100096xf32, #tpu.memory_space<vmem_shared>> -> memref<6256xf32, #tpu.memory_space<vmem_shared>>
    %dma_start3A_55 = tpu.memref_slice %arg4[%mul3A_47] : memref<100096xf32, #tpu.memory_space<hbm>> -> memref<6256xf32, #tpu.memory_space<hbm>>
    tpu.enqueue_dma source(%dma_start3A_55 : memref<6256xf32, #tpu.memory_space<hbm>>) target(%dma_start3A_54 : memref<6256xf32, #tpu.memory_space<vmem_shared>>) target_semaphore(%arg21 : memref<!tpu.dma_semaphore, #tpu.memory_space<semaphore_mem>>)
    %dma_wait3A = tpu.memref_slice %arg9[%mul3A_47] : memref<100096xf32, #tpu.memory_space<vmem_shared>> -> memref<6256xf32, #tpu.memory_space<vmem_shared>>
    %dma_wait3A_56 = tpu.memref_slice %arg2[%mul3A_47] : memref<100096xf32, #tpu.memory_space<hbm>> -> memref<6256xf32, #tpu.memory_space<hbm>>
    tpu.wait_dma2 semaphore(%arg21 : memref<!tpu.dma_semaphore, #tpu.memory_space<semaphore_mem>>) src(%dma_wait3A_56 : memref<6256xf32, #tpu.memory_space<hbm>>) dst(%dma_wait3A : memref<6256xf32, #tpu.memory_space<vmem_shared>>)
    %dma_wait3A_57 = tpu.memref_slice %arg9[%mul3A_47] : memref<100096xf32, #tpu.memory_space<vmem_shared>> -> memref<6256xf32, #tpu.memory_space<vmem_shared>>
    %dma_wait3A_58 = tpu.memref_slice %arg2[%mul3A_47] : memref<100096xf32, #tpu.memory_space<hbm>> -> memref<6256xf32, #tpu.memory_space<hbm>>
    tpu.wait_dma2 semaphore(%arg21 : memref<!tpu.dma_semaphore, #tpu.memory_space<semaphore_mem>>) src(%dma_wait3A_58 : memref<6256xf32, #tpu.memory_space<hbm>>) dst(%dma_wait3A_57 : memref<6256xf32, #tpu.memory_space<vmem_shared>>)
    %dma_wait3A_59 = tpu.memref_slice %arg9[%mul3A_47] : memref<100096xf32, #tpu.memory_space<vmem_shared>> -> memref<6256xf32, #tpu.memory_space<vmem_shared>>
    %dma_wait3A_60 = tpu.memref_slice %arg2[%mul3A_47] : memref<100096xf32, #tpu.memory_space<hbm>> -> memref<6256xf32, #tpu.memory_space<hbm>>
    tpu.wait_dma2 semaphore(%arg21 : memref<!tpu.dma_semaphore, #tpu.memory_space<semaphore_mem>>) src(%dma_wait3A_60 : memref<6256xf32, #tpu.memory_space<hbm>>) dst(%dma_wait3A_59 : memref<6256xf32, #tpu.memory_space<vmem_shared>>)
    %dma_wait3A_61 = tpu.memref_slice %arg9[%mul3A_47] : memref<100096xf32, #tpu.memory_space<vmem_shared>> -> memref<6256xf32, #tpu.memory_space<vmem_shared>>
    %dma_wait3A_62 = tpu.memref_slice %arg2[%mul3A_47] : memref<100096xf32, #tpu.memory_space<hbm>> -> memref<6256xf32, #tpu.memory_space<hbm>>
    tpu.wait_dma2 semaphore(%arg21 : memref<!tpu.dma_semaphore, #tpu.memory_space<semaphore_mem>>) src(%dma_wait3A_62 : memref<6256xf32, #tpu.memory_space<hbm>>) dst(%dma_wait3A_61 : memref<6256xf32, #tpu.memory_space<vmem_shared>>)
    %barrier3A = arith.constant 0 : index
    tpu.barrier barrier_id(%barrier3A)
    %scan3A = arith.constant 0 : i32
    %scan3A_63 = arith.constant 0 : i32
    %scan3A_64 = arith.constant 10 : i32
    %scan3A_65 = arith.addi %scan3A_63, %scan3A_64 : i32
    %scan3A_66 = arith.constant 1 : i32
    scf.for %scan3A_133 = %scan3A_63 to %scan3A_65 step %scan3A_66  : i32 {
      %mul3A_134 = arith.constant 4 : i32
      %mul3A_135 = arith.muli %scan3A_133, %mul3A_134 : i32
      %add3A_136 = arith.constant 0 : i32
      %add3A_137 = arith.addi %mul3A_135, %add3A_136 : i32
      %dma_wait3A_138 = arith.constant 0 : i32
      %dma_wait3A_139 = arith.constant 0 : i32
      %dma_wait3A_140 = tpu.memref_slice %arg15[%dma_wait3A_138, %dma_wait3A_139] : memref<2x5000xf32, #tpu.memory_space<vmem>> -> memref<1x5000xf32, #tpu.memory_space<vmem>>
      %dma_wait3A_141 = tpu.memref_squeeze %dma_wait3A_140 : memref<1x5000xf32, #tpu.memory_space<vmem>> -> memref<5000xf32, #tpu.memory_space<vmem>>
      %dma_wait3A_142 = arith.constant 0 : i32
      %dma_wait3A_143 = tpu.memref_slice %arg2[%dma_wait3A_142] : memref<100096xf32, #tpu.memory_space<hbm>> -> memref<5000xf32, #tpu.memory_space<hbm>>
      %dma_wait3A_144 = arith.constant 0 : i32
      %dma_wait3A_145 = tpu.memref_slice %arg15[%dma_wait3A_138, %dma_wait3A_144] : memref<2x5000xf32, #tpu.memory_space<vmem>> -> memref<1x5000xf32, #tpu.memory_space<vmem>>
      %dma_wait3A_146 = tpu.memref_squeeze %dma_wait3A_145 : memref<1x5000xf32, #tpu.memory_space<vmem>> -> memref<5000xf32, #tpu.memory_space<vmem>>
      %dma_wait3A_147 = arith.constant 0 : i32
      %dma_wait3A_148 = tpu.memref_slice %arg2[%dma_wait3A_147] : memref<100096xf32, #tpu.memory_space<hbm>> -> memref<5000xf32, #tpu.memory_space<hbm>>
      tpu.wait_dma2 semaphore(%arg17 : memref<!tpu.dma_semaphore, #tpu.memory_space<semaphore_mem>>) src(%dma_wait3A_148 : memref<5000xf32, #tpu.memory_space<hbm>>) dst(%dma_wait3A_146 : memref<5000xf32, #tpu.memory_space<vmem>>)
      %dma_wait3A_149 = arith.constant 0 : i32
      %dma_wait3A_150 = arith.constant 0 : i32
      %dma_wait3A_151 = tpu.memref_slice %arg15[%dma_wait3A_149, %dma_wait3A_150] : memref<2x5000xf32, #tpu.memory_space<vmem>> -> memref<1x5000xf32, #tpu.memory_space<vmem>>
      %dma_wait3A_152 = tpu.memref_squeeze %dma_wait3A_151 : memref<1x5000xf32, #tpu.memory_space<vmem>> -> memref<5000xf32, #tpu.memory_space<vmem>>
      %dma_wait3A_153 = arith.constant 0 : i32
      %dma_wait3A_154 = tpu.memref_slice %arg2[%dma_wait3A_153] : memref<100096xf32, #tpu.memory_space<hbm>> -> memref<5000xf32, #tpu.memory_space<hbm>>
      %dma_wait3A_155 = arith.constant 0 : i32
      %dma_wait3A_156 = tpu.memref_slice %arg15[%dma_wait3A_149, %dma_wait3A_155] : memref<2x5000xf32, #tpu.memory_space<vmem>> -> memref<1x5000xf32, #tpu.memory_space<vmem>>
      %dma_wait3A_157 = tpu.memref_squeeze %dma_wait3A_156 : memref<1x5000xf32, #tpu.memory_space<vmem>> -> memref<5000xf32, #tpu.memory_space<vmem>>
      %dma_wait3A_158 = arith.constant 0 : i32
      %dma_wait3A_159 = tpu.memref_slice %arg2[%dma_wait3A_158] : memref<100096xf32, #tpu.memory_space<hbm>> -> memref<5000xf32, #tpu.memory_space<hbm>>
      tpu.wait_dma2 semaphore(%arg17 : memref<!tpu.dma_semaphore, #tpu.memory_space<semaphore_mem>>) src(%dma_wait3A_159 : memref<5000xf32, #tpu.memory_space<hbm>>) dst(%dma_wait3A_157 : memref<5000xf32, #tpu.memory_space<vmem>>)
      %gt3A = arith.constant 0 : i32
      %gt3A_160 = arith.cmpi sgt, %scan3A_133, %gt3A : i32
      %convert_element_type3A = arith.extui %gt3A_160 : i1 to i32
      %cond3A = arith.constant 0 : i32
      %cond3A_161 = arith.cmpi ne, %convert_element_type3A, %cond3A : i32
      scf.if %cond3A_161 {
        %dma_wait3A_564 = arith.constant 0 : i32
        %dma_wait3A_565 = arith.constant 0 : i32
        %dma_wait3A_566 = tpu.memref_slice %arg15[%dma_wait3A_564, %dma_wait3A_565] : memref<2x5000xf32, #tpu.memory_space<vmem>> -> memref<1x5000xf32, #tpu.memory_space<vmem>>
        %dma_wait3A_567 = tpu.memref_squeeze %dma_wait3A_566 : memref<1x5000xf32, #tpu.memory_space<vmem>> -> memref<5000xf32, #tpu.memory_space<vmem>>
        %dma_wait3A_568 = arith.constant 0 : i32
        %dma_wait3A_569 = tpu.memref_slice %arg2[%dma_wait3A_568] : memref<100096xf32, #tpu.memory_space<hbm>> -> memref<5000xf32, #tpu.memory_space<hbm>>
        %dma_wait3A_570 = arith.constant 0 : i32
        %dma_wait3A_571 = tpu.memref_slice %arg15[%dma_wait3A_564, %dma_wait3A_570] : memref<2x5000xf32, #tpu.memory_space<vmem>> -> memref<1x5000xf32, #tpu.memory_space<vmem>>
        %dma_wait3A_572 = tpu.memref_squeeze %dma_wait3A_571 : memref<1x5000xf32, #tpu.memory_space<vmem>> -> memref<5000xf32, #tpu.memory_space<vmem>>
        %dma_wait3A_573 = arith.constant 0 : i32
        %dma_wait3A_574 = tpu.memref_slice %arg2[%dma_wait3A_573] : memref<100096xf32, #tpu.memory_space<hbm>> -> memref<5000xf32, #tpu.memory_space<hbm>>
        tpu.wait_dma2 semaphore(%arg23 : memref<!tpu.dma_semaphore, #tpu.memory_space<semaphore_mem>>) src(%dma_wait3A_574 : memref<5000xf32, #tpu.memory_space<hbm>>) dst(%dma_wait3A_572 : memref<5000xf32, #tpu.memory_space<vmem>>)
        %dma_wait3A_575 = arith.constant 0 : i32
        %dma_wait3A_576 = arith.constant 0 : i32
        %dma_wait3A_577 = tpu.memref_slice %arg15[%dma_wait3A_575, %dma_wait3A_576] : memref<2x5000xf32, #tpu.memory_space<vmem>> -> memref<1x5000xf32, #tpu.memory_space<vmem>>
        %dma_wait3A_578 = tpu.memref_squeeze %dma_wait3A_577 : memref<1x5000xf32, #tpu.memory_space<vmem>> -> memref<5000xf32, #tpu.memory_space<vmem>>
        %dma_wait3A_579 = arith.constant 0 : i32
        %dma_wait3A_580 = tpu.memref_slice %arg2[%dma_wait3A_579] : memref<100096xf32, #tpu.memory_space<hbm>> -> memref<5000xf32, #tpu.memory_space<hbm>>
        %dma_wait3A_581 = arith.constant 0 : i32
        %dma_wait3A_582 = tpu.memref_slice %arg15[%dma_wait3A_575, %dma_wait3A_581] : memref<2x5000xf32, #tpu.memory_space<vmem>> -> memref<1x5000xf32, #tpu.memory_space<vmem>>
        %dma_wait3A_583 = tpu.memref_squeeze %dma_wait3A_582 : memref<1x5000xf32, #tpu.memory_space<vmem>> -> memref<5000xf32, #tpu.memory_space<vmem>>
        %dma_wait3A_584 = arith.constant 0 : i32
        %dma_wait3A_585 = tpu.memref_slice %arg2[%dma_wait3A_584] : memref<100096xf32, #tpu.memory_space<hbm>> -> memref<5000xf32, #tpu.memory_space<hbm>>
        tpu.wait_dma2 semaphore(%arg23 : memref<!tpu.dma_semaphore, #tpu.memory_space<semaphore_mem>>) src(%dma_wait3A_585 : memref<5000xf32, #tpu.memory_space<hbm>>) dst(%dma_wait3A_583 : memref<5000xf32, #tpu.memory_space<vmem>>)
      } else {
      }
      %dma_start3A_162 = arith.constant 0 : i32
      %dma_start3A_163 = arith.constant 0 : i32
      %dma_start3A_164 = arith.constant 0 : i32
      %dma_start3A_165 = tpu.memref_slice %arg15[%dma_start3A_163, %dma_start3A_164] : memref<2x5000xf32, #tpu.memory_space<vmem>> -> memref<1x5000xf32, #tpu.memory_space<vmem>>
      %dma_start3A_166 = tpu.memref_squeeze %dma_start3A_165 : memref<1x5000xf32, #tpu.memory_space<vmem>> -> memref<5000xf32, #tpu.memory_space<vmem>>
      %dma_start3A_167 = arith.constant 0 : i32
      %dma_start3A_168 = tpu.memref_slice %arg13[%dma_start3A_162, %dma_start3A_167] : memref<4x5000xi32, #tpu.memory_space<vmem>> -> memref<1x5000xi32, #tpu.memory_space<vmem>>
      %dma_start3A_169 = tpu.memref_squeeze %dma_start3A_168 : memref<1x5000xi32, #tpu.memory_space<vmem>> -> memref<5000xi32, #tpu.memory_space<vmem>>
      %dma_start3A_170 = arith.constant 0 : i32
      %dma_start3A_171 = tpu.memref_slice %arg9[%dma_start3A_170] : memref<100096xf32, #tpu.memory_space<vmem_shared>> -> memref<100096xf32, #tpu.memory_space<vmem_shared>>
      tpu.enqueue_indirect_dma source(%dma_start3A_171 : memref<100096xf32, #tpu.memory_space<vmem_shared>>) target(%dma_start3A_166 : memref<5000xf32, #tpu.memory_space<vmem>>) offsets(%dma_start3A_169 : memref<5000xi32, #tpu.memory_space<vmem>>) semaphore(%arg21 : memref<!tpu.dma_semaphore, #tpu.memory_space<semaphore_mem>>)
      %dma_start3A_172 = arith.constant 0 : i32
      %dma_start3A_173 = arith.constant 0 : i32
      %dma_start3A_174 = arith.constant 0 : i32
      %dma_start3A_175 = tpu.memref_slice %arg16[%dma_start3A_173, %dma_start3A_174] : memref<2x5000xf32, #tpu.memory_space<vmem>> -> memref<1x5000xf32, #tpu.memory_space<vmem>>
      %dma_start3A_176 = tpu.memref_squeeze %dma_start3A_175 : memref<1x5000xf32, #tpu.memory_space<vmem>> -> memref<5000xf32, #tpu.memory_space<vmem>>
      %dma_start3A_177 = arith.constant 0 : i32
      %dma_start3A_178 = tpu.memref_slice %arg13[%dma_start3A_172, %dma_start3A_177] : memref<4x5000xi32, #tpu.memory_space<vmem>> -> memref<1x5000xi32, #tpu.memory_space<vmem>>
      %dma_start3A_179 = tpu.memref_squeeze %dma_start3A_178 : memref<1x5000xi32, #tpu.memory_space<vmem>> -> memref<5000xi32, #tpu.memory_space<vmem>>
      %dma_start3A_180 = arith.constant 0 : i32
      %dma_start3A_181 = tpu.memref_slice %arg10[%dma_start3A_180] : memref<100096xf32, #tpu.memory_space<vmem_shared>> -> memref<100096xf32, #tpu.memory_space<vmem_shared>>
      tpu.enqueue_indirect_dma source(%dma_start3A_181 : memref<100096xf32, #tpu.memory_space<vmem_shared>>) target(%dma_start3A_176 : memref<5000xf32, #tpu.memory_space<vmem>>) offsets(%dma_start3A_179 : memref<5000xi32, #tpu.memory_space<vmem>>) semaphore(%arg21 : memref<!tpu.dma_semaphore, #tpu.memory_space<semaphore_mem>>)
      %dma_wait3A_182 = arith.constant 0 : i32
      %dma_wait3A_183 = arith.constant 0 : i32
      %dma_wait3A_184 = tpu.memref_slice %arg15[%dma_wait3A_182, %dma_wait3A_183] : memref<2x5000xf32, #tpu.memory_space<vmem>> -> memref<1x5000xf32, #tpu.memory_space<vmem>>
      %dma_wait3A_185 = tpu.memref_squeeze %dma_wait3A_184 : memref<1x5000xf32, #tpu.memory_space<vmem>> -> memref<5000xf32, #tpu.memory_space<vmem>>
      %dma_wait3A_186 = arith.constant 0 : i32
      %dma_wait3A_187 = tpu.memref_slice %arg2[%dma_wait3A_186] : memref<100096xf32, #tpu.memory_space<hbm>> -> memref<5000xf32, #tpu.memory_space<hbm>>
      %dma_wait3A_188 = arith.constant 0 : i32
      %dma_wait3A_189 = tpu.memref_slice %arg15[%dma_wait3A_182, %dma_wait3A_188] : memref<2x5000xf32, #tpu.memory_space<vmem>> -> memref<1x5000xf32, #tpu.memory_space<vmem>>
      %dma_wait3A_190 = tpu.memref_squeeze %dma_wait3A_189 : memref<1x5000xf32, #tpu.memory_space<vmem>> -> memref<5000xf32, #tpu.memory_space<vmem>>
      %dma_wait3A_191 = arith.constant 0 : i32
      %dma_wait3A_192 = tpu.memref_slice %arg2[%dma_wait3A_191] : memref<100096xf32, #tpu.memory_space<hbm>> -> memref<5000xf32, #tpu.memory_space<hbm>>
      tpu.wait_dma2 semaphore(%arg21 : memref<!tpu.dma_semaphore, #tpu.memory_space<semaphore_mem>>) src(%dma_wait3A_192 : memref<5000xf32, #tpu.memory_space<hbm>>) dst(%dma_wait3A_190 : memref<5000xf32, #tpu.memory_space<vmem>>)
      %dma_wait3A_193 = arith.constant 0 : i32
      %dma_wait3A_194 = arith.constant 0 : i32
      %dma_wait3A_195 = tpu.memref_slice %arg15[%dma_wait3A_193, %dma_wait3A_194] : memref<2x5000xf32, #tpu.memory_space<vmem>> -> memref<1x5000xf32, #tpu.memory_space<vmem>>
      %dma_wait3A_196 = tpu.memref_squeeze %dma_wait3A_195 : memref<1x5000xf32, #tpu.memory_space<vmem>> -> memref<5000xf32, #tpu.memory_space<vmem>>
      %dma_wait3A_197 = arith.constant 0 : i32
      %dma_wait3A_198 = tpu.memref_slice %arg2[%dma_wait3A_197] : memref<100096xf32, #tpu.memory_space<hbm>> -> memref<5000xf32, #tpu.memory_space<hbm>>
      %dma_wait3A_199 = arith.constant 0 : i32
      %dma_wait3A_200 = tpu.memref_slice %arg15[%dma_wait3A_193, %dma_wait3A_199] : memref<2x5000xf32, #tpu.memory_space<vmem>> -> memref<1x5000xf32, #tpu.memory_space<vmem>>
      %dma_wait3A_201 = tpu.memref_squeeze %dma_wait3A_200 : memref<1x5000xf32, #tpu.memory_space<vmem>> -> memref<5000xf32, #tpu.memory_space<vmem>>
      %dma_wait3A_202 = arith.constant 0 : i32
      %dma_wait3A_203 = tpu.memref_slice %arg2[%dma_wait3A_202] : memref<100096xf32, #tpu.memory_space<hbm>> -> memref<5000xf32, #tpu.memory_space<hbm>>
      tpu.wait_dma2 semaphore(%arg21 : memref<!tpu.dma_semaphore, #tpu.memory_space<semaphore_mem>>) src(%dma_wait3A_203 : memref<5000xf32, #tpu.memory_space<hbm>>) dst(%dma_wait3A_201 : memref<5000xf32, #tpu.memory_space<vmem>>)
      %dma_start3A_204 = arith.constant 0 : i32
      %dma_start3A_205 = arith.constant 0 : i32
      %dma_start3A_206 = arith.constant 0 : i32
      %dma_start3A_207 = tpu.memref_slice %arg15[%dma_start3A_204, %dma_start3A_206] : memref<2x5000xf32, #tpu.memory_space<vmem>> -> memref<1x5000xf32, #tpu.memory_space<vmem>>
      %dma_start3A_208 = tpu.memref_squeeze %dma_start3A_207 : memref<1x5000xf32, #tpu.memory_space<vmem>> -> memref<5000xf32, #tpu.memory_space<vmem>>
      %dma_start3A_209 = arith.constant 0 : i32
      %dma_start3A_210 = tpu.memref_slice %arg14[%dma_start3A_205, %dma_start3A_209] : memref<4x5000xi32, #tpu.memory_space<vmem>> -> memref<1x5000xi32, #tpu.memory_space<vmem>>
      %dma_start3A_211 = tpu.memref_squeeze %dma_start3A_210 : memref<1x5000xi32, #tpu.memory_space<vmem>> -> memref<5000xi32, #tpu.memory_space<vmem>>
      %dma_start3A_212 = arith.constant 0 : i32
      %dma_start3A_213 = tpu.memref_slice %arg11[%dma_start3A_212] : memref<100096xf32, #tpu.memory_space<vmem_shared>> -> memref<100096xf32, #tpu.memory_space<vmem_shared>>
      tpu.enqueue_indirect_dma source(%dma_start3A_208 : memref<5000xf32, #tpu.memory_space<vmem>>) target(%dma_start3A_213 : memref<100096xf32, #tpu.memory_space<vmem_shared>>) offsets(%dma_start3A_211 : memref<5000xi32, #tpu.memory_space<vmem>>) semaphore(%arg23 : memref<!tpu.dma_semaphore, #tpu.memory_space<semaphore_mem>>) {add = true}
      %dma_start3A_214 = arith.constant 0 : i32
      %dma_start3A_215 = arith.constant 0 : i32
      %dma_start3A_216 = arith.constant 0 : i32
      %dma_start3A_217 = tpu.memref_slice %arg16[%dma_start3A_214, %dma_start3A_216] : memref<2x5000xf32, #tpu.memory_space<vmem>> -> memref<1x5000xf32, #tpu.memory_space<vmem>>
      %dma_start3A_218 = tpu.memref_squeeze %dma_start3A_217 : memref<1x5000xf32, #tpu.memory_space<vmem>> -> memref<5000xf32, #tpu.memory_space<vmem>>
      %dma_start3A_219 = arith.constant 0 : i32
      %dma_start3A_220 = tpu.memref_slice %arg14[%dma_start3A_215, %dma_start3A_219] : memref<4x5000xi32, #tpu.memory_space<vmem>> -> memref<1x5000xi32, #tpu.memory_space<vmem>>
      %dma_start3A_221 = tpu.memref_squeeze %dma_start3A_220 : memref<1x5000xi32, #tpu.memory_space<vmem>> -> memref<5000xi32, #tpu.memory_space<vmem>>
      %dma_start3A_222 = arith.constant 0 : i32
      %dma_start3A_223 = tpu.memref_slice %arg12[%dma_start3A_222] : memref<100096xf32, #tpu.memory_space<vmem_shared>> -> memref<100096xf32, #tpu.memory_space<vmem_shared>>
      tpu.enqueue_indirect_dma source(%dma_start3A_218 : memref<5000xf32, #tpu.memory_space<vmem>>) target(%dma_start3A_223 : memref<100096xf32, #tpu.memory_space<vmem_shared>>) offsets(%dma_start3A_221 : memref<5000xi32, #tpu.memory_space<vmem>>) semaphore(%arg23 : memref<!tpu.dma_semaphore, #tpu.memory_space<semaphore_mem>>) {add = true}
      %add3A_224 = arith.constant 2 : i32
      %add3A_225 = arith.addi %add3A_137, %add3A_224 : i32
      %lt3A = arith.constant 40 : i32
      %lt3A_226 = arith.cmpi slt, %add3A_225, %lt3A : i32
      %convert_element_type3A_227 = arith.extui %lt3A_226 : i1 to i32
      %cond3A_228 = arith.constant 0 : i32
      %cond3A_229 = arith.cmpi ne, %convert_element_type3A_227, %cond3A_228 : i32
      scf.if %cond3A_229 {
        %add3A_564 = arith.constant 2 : i32
        %add3A_565 = arith.addi %add3A_137, %add3A_564 : i32
        %mul3A_566 = arith.constant 5000 : i32
        %mul3A_567 = arith.muli %add3A_565, %mul3A_566 : i32
        %add3A_568 = arith.addi %mul3A_2, %mul3A_567 : i32
        %dma_start3A_569 = arith.constant 2 : i32
        %dma_start3A_570 = arith.constant 0 : i32
        %dma_start3A_571 = tpu.memref_slice %arg13[%dma_start3A_569, %dma_start3A_570] : memref<4x5000xi32, #tpu.memory_space<vmem>> -> memref<1x5000xi32, #tpu.memory_space<vmem>>
        %dma_start3A_572 = tpu.memref_squeeze %dma_start3A_571 : memref<1x5000xi32, #tpu.memory_space<vmem>> -> memref<5000xi32, #tpu.memory_space<vmem>>
        %dma_start3A_573 = tpu.memref_slice %arg5[%add3A_568] : memref<6400000xi32, #tpu.memory_space<hbm>> -> memref<5000xi32, #tpu.memory_space<hbm>>
        %dma_start3A_574 = arith.constant 0 : i32
        %dma_start3A_575 = tpu.memref_slice %arg13[%dma_start3A_569, %dma_start3A_574] : memref<4x5000xi32, #tpu.memory_space<vmem>> -> memref<1x5000xi32, #tpu.memory_space<vmem>>
        %dma_start3A_576 = tpu.memref_squeeze %dma_start3A_575 : memref<1x5000xi32, #tpu.memory_space<vmem>> -> memref<5000xi32, #tpu.memory_space<vmem>>
        %dma_start3A_577 = tpu.memref_slice %arg5[%add3A_568] : memref<6400000xi32, #tpu.memory_space<hbm>> -> memref<5000xi32, #tpu.memory_space<hbm>>
        tpu.enqueue_dma source(%dma_start3A_577 : memref<5000xi32, #tpu.memory_space<hbm>>) target(%dma_start3A_576 : memref<5000xi32, #tpu.memory_space<vmem>>) target_semaphore(%arg19 : memref<!tpu.dma_semaphore, #tpu.memory_space<semaphore_mem>>)
        %mul3A_578 = arith.constant 5000 : i32
        %mul3A_579 = arith.muli %add3A_565, %mul3A_578 : i32
        %add3A_580 = arith.addi %mul3A_2, %mul3A_579 : i32
        %dma_start3A_581 = arith.constant 2 : i32
        %dma_start3A_582 = arith.constant 0 : i32
        %dma_start3A_583 = tpu.memref_slice %arg14[%dma_start3A_581, %dma_start3A_582] : memref<4x5000xi32, #tpu.memory_space<vmem>> -> memref<1x5000xi32, #tpu.memory_space<vmem>>
        %dma_start3A_584 = tpu.memref_squeeze %dma_start3A_583 : memref<1x5000xi32, #tpu.memory_space<vmem>> -> memref<5000xi32, #tpu.memory_space<vmem>>
        %dma_start3A_585 = tpu.memref_slice %arg6[%add3A_580] : memref<6400000xi32, #tpu.memory_space<hbm>> -> memref<5000xi32, #tpu.memory_space<hbm>>
        %dma_start3A_586 = arith.constant 0 : i32
        %dma_start3A_587 = tpu.memref_slice %arg14[%dma_start3A_581, %dma_start3A_586] : memref<4x5000xi32, #tpu.memory_space<vmem>> -> memref<1x5000xi32, #tpu.memory_space<vmem>>
        %dma_start3A_588 = tpu.memref_squeeze %dma_start3A_587 : memref<1x5000xi32, #tpu.memory_space<vmem>> -> memref<5000xi32, #tpu.memory_space<vmem>>
        %dma_start3A_589 = tpu.memref_slice %arg6[%add3A_580] : memref<6400000xi32, #tpu.memory_space<hbm>> -> memref<5000xi32, #tpu.memory_space<hbm>>
        tpu.enqueue_dma source(%dma_start3A_589 : memref<5000xi32, #tpu.memory_space<hbm>>) target(%dma_start3A_588 : memref<5000xi32, #tpu.memory_space<vmem>>) target_semaphore(%arg19 : memref<!tpu.dma_semaphore, #tpu.memory_space<semaphore_mem>>)
      } else {
      }
      %mul3A_230 = arith.constant 4 : i32
      %mul3A_231 = arith.muli %scan3A_133, %mul3A_230 : i32
      %add3A_232 = arith.constant 1 : i32
      %add3A_233 = arith.addi %mul3A_231, %add3A_232 : i32
      %dma_wait3A_234 = arith.constant 0 : i32
      %dma_wait3A_235 = arith.constant 0 : i32
      %dma_wait3A_236 = tpu.memref_slice %arg15[%dma_wait3A_234, %dma_wait3A_235] : memref<2x5000xf32, #tpu.memory_space<vmem>> -> memref<1x5000xf32, #tpu.memory_space<vmem>>
      %dma_wait3A_237 = tpu.memref_squeeze %dma_wait3A_236 : memref<1x5000xf32, #tpu.memory_space<vmem>> -> memref<5000xf32, #tpu.memory_space<vmem>>
      %dma_wait3A_238 = arith.constant 0 : i32
      %dma_wait3A_239 = tpu.memref_slice %arg2[%dma_wait3A_238] : memref<100096xf32, #tpu.memory_space<hbm>> -> memref<5000xf32, #tpu.memory_space<hbm>>
      %dma_wait3A_240 = arith.constant 0 : i32
      %dma_wait3A_241 = tpu.memref_slice %arg15[%dma_wait3A_234, %dma_wait3A_240] : memref<2x5000xf32, #tpu.memory_space<vmem>> -> memref<1x5000xf32, #tpu.memory_space<vmem>>
      %dma_wait3A_242 = tpu.memref_squeeze %dma_wait3A_241 : memref<1x5000xf32, #tpu.memory_space<vmem>> -> memref<5000xf32, #tpu.memory_space<vmem>>
      %dma_wait3A_243 = arith.constant 0 : i32
      %dma_wait3A_244 = tpu.memref_slice %arg2[%dma_wait3A_243] : memref<100096xf32, #tpu.memory_space<hbm>> -> memref<5000xf32, #tpu.memory_space<hbm>>
      tpu.wait_dma2 semaphore(%arg18 : memref<!tpu.dma_semaphore, #tpu.memory_space<semaphore_mem>>) src(%dma_wait3A_244 : memref<5000xf32, #tpu.memory_space<hbm>>) dst(%dma_wait3A_242 : memref<5000xf32, #tpu.memory_space<vmem>>)
      %dma_wait3A_245 = arith.constant 0 : i32
      %dma_wait3A_246 = arith.constant 0 : i32
      %dma_wait3A_247 = tpu.memref_slice %arg15[%dma_wait3A_245, %dma_wait3A_246] : memref<2x5000xf32, #tpu.memory_space<vmem>> -> memref<1x5000xf32, #tpu.memory_space<vmem>>
      %dma_wait3A_248 = tpu.memref_squeeze %dma_wait3A_247 : memref<1x5000xf32, #tpu.memory_space<vmem>> -> memref<5000xf32, #tpu.memory_space<vmem>>
      %dma_wait3A_249 = arith.constant 0 : i32
      %dma_wait3A_250 = tpu.memref_slice %arg2[%dma_wait3A_249] : memref<100096xf32, #tpu.memory_space<hbm>> -> memref<5000xf32, #tpu.memory_space<hbm>>
      %dma_wait3A_251 = arith.constant 0 : i32
      %dma_wait3A_252 = tpu.memref_slice %arg15[%dma_wait3A_245, %dma_wait3A_251] : memref<2x5000xf32, #tpu.memory_space<vmem>> -> memref<1x5000xf32, #tpu.memory_space<vmem>>
      %dma_wait3A_253 = tpu.memref_squeeze %dma_wait3A_252 : memref<1x5000xf32, #tpu.memory_space<vmem>> -> memref<5000xf32, #tpu.memory_space<vmem>>
      %dma_wait3A_254 = arith.constant 0 : i32
      %dma_wait3A_255 = tpu.memref_slice %arg2[%dma_wait3A_254] : memref<100096xf32, #tpu.memory_space<hbm>> -> memref<5000xf32, #tpu.memory_space<hbm>>
      tpu.wait_dma2 semaphore(%arg18 : memref<!tpu.dma_semaphore, #tpu.memory_space<semaphore_mem>>) src(%dma_wait3A_255 : memref<5000xf32, #tpu.memory_space<hbm>>) dst(%dma_wait3A_253 : memref<5000xf32, #tpu.memory_space<vmem>>)
      %gt3A_256 = arith.constant 0 : i32
      %gt3A_257 = arith.cmpi sgt, %scan3A_133, %gt3A_256 : i32
      %convert_element_type3A_258 = arith.extui %gt3A_257 : i1 to i32
      %cond3A_259 = arith.constant 0 : i32
      %cond3A_260 = arith.cmpi ne, %convert_element_type3A_258, %cond3A_259 : i32
      scf.if %cond3A_260 {
        %dma_wait3A_564 = arith.constant 0 : i32
        %dma_wait3A_565 = arith.constant 0 : i32
        %dma_wait3A_566 = tpu.memref_slice %arg15[%dma_wait3A_564, %dma_wait3A_565] : memref<2x5000xf32, #tpu.memory_space<vmem>> -> memref<1x5000xf32, #tpu.memory_space<vmem>>
        %dma_wait3A_567 = tpu.memref_squeeze %dma_wait3A_566 : memref<1x5000xf32, #tpu.memory_space<vmem>> -> memref<5000xf32, #tpu.memory_space<vmem>>
        %dma_wait3A_568 = arith.constant 0 : i32
        %dma_wait3A_569 = tpu.memref_slice %arg2[%dma_wait3A_568] : memref<100096xf32, #tpu.memory_space<hbm>> -> memref<5000xf32, #tpu.memory_space<hbm>>
        %dma_wait3A_570 = arith.constant 0 : i32
        %dma_wait3A_571 = tpu.memref_slice %arg15[%dma_wait3A_564, %dma_wait3A_570] : memref<2x5000xf32, #tpu.memory_space<vmem>> -> memref<1x5000xf32, #tpu.memory_space<vmem>>
        %dma_wait3A_572 = tpu.memref_squeeze %dma_wait3A_571 : memref<1x5000xf32, #tpu.memory_space<vmem>> -> memref<5000xf32, #tpu.memory_space<vmem>>
        %dma_wait3A_573 = arith.constant 0 : i32
        %dma_wait3A_574 = tpu.memref_slice %arg2[%dma_wait3A_573] : memref<100096xf32, #tpu.memory_space<hbm>> -> memref<5000xf32, #tpu.memory_space<hbm>>
        tpu.wait_dma2 semaphore(%arg24 : memref<!tpu.dma_semaphore, #tpu.memory_space<semaphore_mem>>) src(%dma_wait3A_574 : memref<5000xf32, #tpu.memory_space<hbm>>) dst(%dma_wait3A_572 : memref<5000xf32, #tpu.memory_space<vmem>>)
        %dma_wait3A_575 = arith.constant 0 : i32
        %dma_wait3A_576 = arith.constant 0 : i32
        %dma_wait3A_577 = tpu.memref_slice %arg15[%dma_wait3A_575, %dma_wait3A_576] : memref<2x5000xf32, #tpu.memory_space<vmem>> -> memref<1x5000xf32, #tpu.memory_space<vmem>>
        %dma_wait3A_578 = tpu.memref_squeeze %dma_wait3A_577 : memref<1x5000xf32, #tpu.memory_space<vmem>> -> memref<5000xf32, #tpu.memory_space<vmem>>
        %dma_wait3A_579 = arith.constant 0 : i32
        %dma_wait3A_580 = tpu.memref_slice %arg2[%dma_wait3A_579] : memref<100096xf32, #tpu.memory_space<hbm>> -> memref<5000xf32, #tpu.memory_space<hbm>>
        %dma_wait3A_581 = arith.constant 0 : i32
        %dma_wait3A_582 = tpu.memref_slice %arg15[%dma_wait3A_575, %dma_wait3A_581] : memref<2x5000xf32, #tpu.memory_space<vmem>> -> memref<1x5000xf32, #tpu.memory_space<vmem>>
        %dma_wait3A_583 = tpu.memref_squeeze %dma_wait3A_582 : memref<1x5000xf32, #tpu.memory_space<vmem>> -> memref<5000xf32, #tpu.memory_space<vmem>>
        %dma_wait3A_584 = arith.constant 0 : i32
        %dma_wait3A_585 = tpu.memref_slice %arg2[%dma_wait3A_584] : memref<100096xf32, #tpu.memory_space<hbm>> -> memref<5000xf32, #tpu.memory_space<hbm>>
        tpu.wait_dma2 semaphore(%arg24 : memref<!tpu.dma_semaphore, #tpu.memory_space<semaphore_mem>>) src(%dma_wait3A_585 : memref<5000xf32, #tpu.memory_space<hbm>>) dst(%dma_wait3A_583 : memref<5000xf32, #tpu.memory_space<vmem>>)
      } else {
      }
      %dma_start3A_261 = arith.constant 1 : i32
      %dma_start3A_262 = arith.constant 1 : i32
      %dma_start3A_263 = arith.constant 0 : i32
      %dma_start3A_264 = tpu.memref_slice %arg15[%dma_start3A_262, %dma_start3A_263] : memref<2x5000xf32, #tpu.memory_space<vmem>> -> memref<1x5000xf32, #tpu.memory_space<vmem>>
      %dma_start3A_265 = tpu.memref_squeeze %dma_start3A_264 : memref<1x5000xf32, #tpu.memory_space<vmem>> -> memref<5000xf32, #tpu.memory_space<vmem>>
      %dma_start3A_266 = arith.constant 0 : i32
      %dma_start3A_267 = tpu.memref_slice %arg13[%dma_start3A_261, %dma_start3A_266] : memref<4x5000xi32, #tpu.memory_space<vmem>> -> memref<1x5000xi32, #tpu.memory_space<vmem>>
      %dma_start3A_268 = tpu.memref_squeeze %dma_start3A_267 : memref<1x5000xi32, #tpu.memory_space<vmem>> -> memref<5000xi32, #tpu.memory_space<vmem>>
      %dma_start3A_269 = arith.constant 0 : i32
      %dma_start3A_270 = tpu.memref_slice %arg9[%dma_start3A_269] : memref<100096xf32, #tpu.memory_space<vmem_shared>> -> memref<100096xf32, #tpu.memory_space<vmem_shared>>
      tpu.enqueue_indirect_dma source(%dma_start3A_270 : memref<100096xf32, #tpu.memory_space<vmem_shared>>) target(%dma_start3A_265 : memref<5000xf32, #tpu.memory_space<vmem>>) offsets(%dma_start3A_268 : memref<5000xi32, #tpu.memory_space<vmem>>) semaphore(%arg22 : memref<!tpu.dma_semaphore, #tpu.memory_space<semaphore_mem>>)
      %dma_start3A_271 = arith.constant 1 : i32
      %dma_start3A_272 = arith.constant 1 : i32
      %dma_start3A_273 = arith.constant 0 : i32
      %dma_start3A_274 = tpu.memref_slice %arg16[%dma_start3A_272, %dma_start3A_273] : memref<2x5000xf32, #tpu.memory_space<vmem>> -> memref<1x5000xf32, #tpu.memory_space<vmem>>
      %dma_start3A_275 = tpu.memref_squeeze %dma_start3A_274 : memref<1x5000xf32, #tpu.memory_space<vmem>> -> memref<5000xf32, #tpu.memory_space<vmem>>
      %dma_start3A_276 = arith.constant 0 : i32
      %dma_start3A_277 = tpu.memref_slice %arg13[%dma_start3A_271, %dma_start3A_276] : memref<4x5000xi32, #tpu.memory_space<vmem>> -> memref<1x5000xi32, #tpu.memory_space<vmem>>
      %dma_start3A_278 = tpu.memref_squeeze %dma_start3A_277 : memref<1x5000xi32, #tpu.memory_space<vmem>> -> memref<5000xi32, #tpu.memory_space<vmem>>
      %dma_start3A_279 = arith.constant 0 : i32
      %dma_start3A_280 = tpu.memref_slice %arg10[%dma_start3A_279] : memref<100096xf32, #tpu.memory_space<vmem_shared>> -> memref<100096xf32, #tpu.memory_space<vmem_shared>>
      tpu.enqueue_indirect_dma source(%dma_start3A_280 : memref<100096xf32, #tpu.memory_space<vmem_shared>>) target(%dma_start3A_275 : memref<5000xf32, #tpu.memory_space<vmem>>) offsets(%dma_start3A_278 : memref<5000xi32, #tpu.memory_space<vmem>>) semaphore(%arg22 : memref<!tpu.dma_semaphore, #tpu.memory_space<semaphore_mem>>)
      %dma_wait3A_281 = arith.constant 0 : i32
      %dma_wait3A_282 = arith.constant 0 : i32
      %dma_wait3A_283 = tpu.memref_slice %arg15[%dma_wait3A_281, %dma_wait3A_282] : memref<2x5000xf32, #tpu.memory_space<vmem>> -> memref<1x5000xf32, #tpu.memory_space<vmem>>
      %dma_wait3A_284 = tpu.memref_squeeze %dma_wait3A_283 : memref<1x5000xf32, #tpu.memory_space<vmem>> -> memref<5000xf32, #tpu.memory_space<vmem>>
      %dma_wait3A_285 = arith.constant 0 : i32
      %dma_wait3A_286 = tpu.memref_slice %arg2[%dma_wait3A_285] : memref<100096xf32, #tpu.memory_space<hbm>> -> memref<5000xf32, #tpu.memory_space<hbm>>
      %dma_wait3A_287 = arith.constant 0 : i32
      %dma_wait3A_288 = tpu.memref_slice %arg15[%dma_wait3A_281, %dma_wait3A_287] : memref<2x5000xf32, #tpu.memory_space<vmem>> -> memref<1x5000xf32, #tpu.memory_space<vmem>>
      %dma_wait3A_289 = tpu.memref_squeeze %dma_wait3A_288 : memref<1x5000xf32, #tpu.memory_space<vmem>> -> memref<5000xf32, #tpu.memory_space<vmem>>
      %dma_wait3A_290 = arith.constant 0 : i32
      %dma_wait3A_291 = tpu.memref_slice %arg2[%dma_wait3A_290] : memref<100096xf32, #tpu.memory_space<hbm>> -> memref<5000xf32, #tpu.memory_space<hbm>>
      tpu.wait_dma2 semaphore(%arg22 : memref<!tpu.dma_semaphore, #tpu.memory_space<semaphore_mem>>) src(%dma_wait3A_291 : memref<5000xf32, #tpu.memory_space<hbm>>) dst(%dma_wait3A_289 : memref<5000xf32, #tpu.memory_space<vmem>>)
      %dma_wait3A_292 = arith.constant 0 : i32
      %dma_wait3A_293 = arith.constant 0 : i32
      %dma_wait3A_294 = tpu.memref_slice %arg15[%dma_wait3A_292, %dma_wait3A_293] : memref<2x5000xf32, #tpu.memory_space<vmem>> -> memref<1x5000xf32, #tpu.memory_space<vmem>>
      %dma_wait3A_295 = tpu.memref_squeeze %dma_wait3A_294 : memref<1x5000xf32, #tpu.memory_space<vmem>> -> memref<5000xf32, #tpu.memory_space<vmem>>
      %dma_wait3A_296 = arith.constant 0 : i32
      %dma_wait3A_297 = tpu.memref_slice %arg2[%dma_wait3A_296] : memref<100096xf32, #tpu.memory_space<hbm>> -> memref<5000xf32, #tpu.memory_space<hbm>>
      %dma_wait3A_298 = arith.constant 0 : i32
      %dma_wait3A_299 = tpu.memref_slice %arg15[%dma_wait3A_292, %dma_wait3A_298] : memref<2x5000xf32, #tpu.memory_space<vmem>> -> memref<1x5000xf32, #tpu.memory_space<vmem>>
      %dma_wait3A_300 = tpu.memref_squeeze %dma_wait3A_299 : memref<1x5000xf32, #tpu.memory_space<vmem>> -> memref<5000xf32, #tpu.memory_space<vmem>>
      %dma_wait3A_301 = arith.constant 0 : i32
      %dma_wait3A_302 = tpu.memref_slice %arg2[%dma_wait3A_301] : memref<100096xf32, #tpu.memory_space<hbm>> -> memref<5000xf32, #tpu.memory_space<hbm>>
      tpu.wait_dma2 semaphore(%arg22 : memref<!tpu.dma_semaphore, #tpu.memory_space<semaphore_mem>>) src(%dma_wait3A_302 : memref<5000xf32, #tpu.memory_space<hbm>>) dst(%dma_wait3A_300 : memref<5000xf32, #tpu.memory_space<vmem>>)
      %dma_start3A_303 = arith.constant 1 : i32
      %dma_start3A_304 = arith.constant 1 : i32
      %dma_start3A_305 = arith.constant 0 : i32
      %dma_start3A_306 = tpu.memref_slice %arg15[%dma_start3A_303, %dma_start3A_305] : memref<2x5000xf32, #tpu.memory_space<vmem>> -> memref<1x5000xf32, #tpu.memory_space<vmem>>
      %dma_start3A_307 = tpu.memref_squeeze %dma_start3A_306 : memref<1x5000xf32, #tpu.memory_space<vmem>> -> memref<5000xf32, #tpu.memory_space<vmem>>
      %dma_start3A_308 = arith.constant 0 : i32
      %dma_start3A_309 = tpu.memref_slice %arg14[%dma_start3A_304, %dma_start3A_308] : memref<4x5000xi32, #tpu.memory_space<vmem>> -> memref<1x5000xi32, #tpu.memory_space<vmem>>
      %dma_start3A_310 = tpu.memref_squeeze %dma_start3A_309 : memref<1x5000xi32, #tpu.memory_space<vmem>> -> memref<5000xi32, #tpu.memory_space<vmem>>
      %dma_start3A_311 = arith.constant 0 : i32
      %dma_start3A_312 = tpu.memref_slice %arg11[%dma_start3A_311] : memref<100096xf32, #tpu.memory_space<vmem_shared>> -> memref<100096xf32, #tpu.memory_space<vmem_shared>>
      tpu.enqueue_indirect_dma source(%dma_start3A_307 : memref<5000xf32, #tpu.memory_space<vmem>>) target(%dma_start3A_312 : memref<100096xf32, #tpu.memory_space<vmem_shared>>) offsets(%dma_start3A_310 : memref<5000xi32, #tpu.memory_space<vmem>>) semaphore(%arg24 : memref<!tpu.dma_semaphore, #tpu.memory_space<semaphore_mem>>) {add = true}
      %dma_start3A_313 = arith.constant 1 : i32
      %dma_start3A_314 = arith.constant 1 : i32
      %dma_start3A_315 = arith.constant 0 : i32
      %dma_start3A_316 = tpu.memref_slice %arg16[%dma_start3A_313, %dma_start3A_315] : memref<2x5000xf32, #tpu.memory_space<vmem>> -> memref<1x5000xf32, #tpu.memory_space<vmem>>
      %dma_start3A_317 = tpu.memref_squeeze %dma_start3A_316 : memref<1x5000xf32, #tpu.memory_space<vmem>> -> memref<5000xf32, #tpu.memory_space<vmem>>
      %dma_start3A_318 = arith.constant 0 : i32
      %dma_start3A_319 = tpu.memref_slice %arg14[%dma_start3A_314, %dma_start3A_318] : memref<4x5000xi32, #tpu.memory_space<vmem>> -> memref<1x5000xi32, #tpu.memory_space<vmem>>
      %dma_start3A_320 = tpu.memref_squeeze %dma_start3A_319 : memref<1x5000xi32, #tpu.memory_space<vmem>> -> memref<5000xi32, #tpu.memory_space<vmem>>
      %dma_start3A_321 = arith.constant 0 : i32
      %dma_start3A_322 = tpu.memref_slice %arg12[%dma_start3A_321] : memref<100096xf32, #tpu.memory_space<vmem_shared>> -> memref<100096xf32, #tpu.memory_space<vmem_shared>>
      tpu.enqueue_indirect_dma source(%dma_start3A_317 : memref<5000xf32, #tpu.memory_space<vmem>>) target(%dma_start3A_322 : memref<100096xf32, #tpu.memory_space<vmem_shared>>) offsets(%dma_start3A_320 : memref<5000xi32, #tpu.memory_space<vmem>>) semaphore(%arg24 : memref<!tpu.dma_semaphore, #tpu.memory_space<semaphore_mem>>) {add = true}
      %add3A_323 = arith.constant 2 : i32
      %add3A_324 = arith.addi %add3A_233, %add3A_323 : i32
      %lt3A_325 = arith.constant 40 : i32
      %lt3A_326 = arith.cmpi slt, %add3A_324, %lt3A_325 : i32
      %convert_element_type3A_327 = arith.extui %lt3A_326 : i1 to i32
      %cond3A_328 = arith.constant 0 : i32
      %cond3A_329 = arith.cmpi ne, %convert_element_type3A_327, %cond3A_328 : i32
      scf.if %cond3A_329 {
        %add3A_564 = arith.constant 2 : i32
        %add3A_565 = arith.addi %add3A_233, %add3A_564 : i32
        %mul3A_566 = arith.constant 5000 : i32
        %mul3A_567 = arith.muli %add3A_565, %mul3A_566 : i32
        %add3A_568 = arith.addi %mul3A_2, %mul3A_567 : i32
        %dma_start3A_569 = arith.constant 3 : i32
        %dma_start3A_570 = arith.constant 0 : i32
        %dma_start3A_571 = tpu.memref_slice %arg13[%dma_start3A_569, %dma_start3A_570] : memref<4x5000xi32, #tpu.memory_space<vmem>> -> memref<1x5000xi32, #tpu.memory_space<vmem>>
        %dma_start3A_572 = tpu.memref_squeeze %dma_start3A_571 : memref<1x5000xi32, #tpu.memory_space<vmem>> -> memref<5000xi32, #tpu.memory_space<vmem>>
        %dma_start3A_573 = tpu.memref_slice %arg5[%add3A_568] : memref<6400000xi32, #tpu.memory_space<hbm>> -> memref<5000xi32, #tpu.memory_space<hbm>>
        %dma_start3A_574 = arith.constant 0 : i32
        %dma_start3A_575 = tpu.memref_slice %arg13[%dma_start3A_569, %dma_start3A_574] : memref<4x5000xi32, #tpu.memory_space<vmem>> -> memref<1x5000xi32, #tpu.memory_space<vmem>>
        %dma_start3A_576 = tpu.memref_squeeze %dma_start3A_575 : memref<1x5000xi32, #tpu.memory_space<vmem>> -> memref<5000xi32, #tpu.memory_space<vmem>>
        %dma_start3A_577 = tpu.memref_slice %arg5[%add3A_568] : memref<6400000xi32, #tpu.memory_space<hbm>> -> memref<5000xi32, #tpu.memory_space<hbm>>
        tpu.enqueue_dma source(%dma_start3A_577 : memref<5000xi32, #tpu.memory_space<hbm>>) target(%dma_start3A_576 : memref<5000xi32, #tpu.memory_space<vmem>>) target_semaphore(%arg20 : memref<!tpu.dma_semaphore, #tpu.memory_space<semaphore_mem>>)
        %mul3A_578 = arith.constant 5000 : i32
        %mul3A_579 = arith.muli %add3A_565, %mul3A_578 : i32
        %add3A_580 = arith.addi %mul3A_2, %mul3A_579 : i32
        %dma_start3A_581 = arith.constant 3 : i32
        %dma_start3A_582 = arith.constant 0 : i32
        %dma_start3A_583 = tpu.memref_slice %arg14[%dma_start3A_581, %dma_start3A_582] : memref<4x5000xi32, #tpu.memory_space<vmem>> -> memref<1x5000xi32, #tpu.memory_space<vmem>>
        %dma_start3A_584 = tpu.memref_squeeze %dma_start3A_583 : memref<1x5000xi32, #tpu.memory_space<vmem>> -> memref<5000xi32, #tpu.memory_space<vmem>>
        %dma_start3A_585 = tpu.memref_slice %arg6[%add3A_580] : memref<6400000xi32, #tpu.memory_space<hbm>> -> memref<5000xi32, #tpu.memory_space<hbm>>
        %dma_start3A_586 = arith.constant 0 : i32
        %dma_start3A_587 = tpu.memref_slice %arg14[%dma_start3A_581, %dma_start3A_586] : memref<4x5000xi32, #tpu.memory_space<vmem>> -> memref<1x5000xi32, #tpu.memory_space<vmem>>
        %dma_start3A_588 = tpu.memref_squeeze %dma_start3A_587 : memref<1x5000xi32, #tpu.memory_space<vmem>> -> memref<5000xi32, #tpu.memory_space<vmem>>
        %dma_start3A_589 = tpu.memref_slice %arg6[%add3A_580] : memref<6400000xi32, #tpu.memory_space<hbm>> -> memref<5000xi32, #tpu.memory_space<hbm>>
        tpu.enqueue_dma source(%dma_start3A_589 : memref<5000xi32, #tpu.memory_space<hbm>>) target(%dma_start3A_588 : memref<5000xi32, #tpu.memory_space<vmem>>) target_semaphore(%arg20 : memref<!tpu.dma_semaphore, #tpu.memory_space<semaphore_mem>>)
      } else {
      }
      %mul3A_330 = arith.constant 4 : i32
      %mul3A_331 = arith.muli %scan3A_133, %mul3A_330 : i32
      %add3A_332 = arith.constant 2 : i32
      %add3A_333 = arith.addi %mul3A_331, %add3A_332 : i32
      %dma_wait3A_334 = arith.constant 0 : i32
      %dma_wait3A_335 = arith.constant 0 : i32
      %dma_wait3A_336 = tpu.memref_slice %arg15[%dma_wait3A_334, %dma_wait3A_335] : memref<2x5000xf32, #tpu.memory_space<vmem>> -> memref<1x5000xf32, #tpu.memory_space<vmem>>
      %dma_wait3A_337 = tpu.memref_squeeze %dma_wait3A_336 : memref<1x5000xf32, #tpu.memory_space<vmem>> -> memref<5000xf32, #tpu.memory_space<vmem>>
      %dma_wait3A_338 = arith.constant 0 : i32
      %dma_wait3A_339 = tpu.memref_slice %arg2[%dma_wait3A_338] : memref<100096xf32, #tpu.memory_space<hbm>> -> memref<5000xf32, #tpu.memory_space<hbm>>
      %dma_wait3A_340 = arith.constant 0 : i32
      %dma_wait3A_341 = tpu.memref_slice %arg15[%dma_wait3A_334, %dma_wait3A_340] : memref<2x5000xf32, #tpu.memory_space<vmem>> -> memref<1x5000xf32, #tpu.memory_space<vmem>>
      %dma_wait3A_342 = tpu.memref_squeeze %dma_wait3A_341 : memref<1x5000xf32, #tpu.memory_space<vmem>> -> memref<5000xf32, #tpu.memory_space<vmem>>
      %dma_wait3A_343 = arith.constant 0 : i32
      %dma_wait3A_344 = tpu.memref_slice %arg2[%dma_wait3A_343] : memref<100096xf32, #tpu.memory_space<hbm>> -> memref<5000xf32, #tpu.memory_space<hbm>>
      tpu.wait_dma2 semaphore(%arg19 : memref<!tpu.dma_semaphore, #tpu.memory_space<semaphore_mem>>) src(%dma_wait3A_344 : memref<5000xf32, #tpu.memory_space<hbm>>) dst(%dma_wait3A_342 : memref<5000xf32, #tpu.memory_space<vmem>>)
      %dma_wait3A_345 = arith.constant 0 : i32
      %dma_wait3A_346 = arith.constant 0 : i32
      %dma_wait3A_347 = tpu.memref_slice %arg15[%dma_wait3A_345, %dma_wait3A_346] : memref<2x5000xf32, #tpu.memory_space<vmem>> -> memref<1x5000xf32, #tpu.memory_space<vmem>>
      %dma_wait3A_348 = tpu.memref_squeeze %dma_wait3A_347 : memref<1x5000xf32, #tpu.memory_space<vmem>> -> memref<5000xf32, #tpu.memory_space<vmem>>
      %dma_wait3A_349 = arith.constant 0 : i32
      %dma_wait3A_350 = tpu.memref_slice %arg2[%dma_wait3A_349] : memref<100096xf32, #tpu.memory_space<hbm>> -> memref<5000xf32, #tpu.memory_space<hbm>>
      %dma_wait3A_351 = arith.constant 0 : i32
      %dma_wait3A_352 = tpu.memref_slice %arg15[%dma_wait3A_345, %dma_wait3A_351] : memref<2x5000xf32, #tpu.memory_space<vmem>> -> memref<1x5000xf32, #tpu.memory_space<vmem>>
      %dma_wait3A_353 = tpu.memref_squeeze %dma_wait3A_352 : memref<1x5000xf32, #tpu.memory_space<vmem>> -> memref<5000xf32, #tpu.memory_space<vmem>>
      %dma_wait3A_354 = arith.constant 0 : i32
      %dma_wait3A_355 = tpu.memref_slice %arg2[%dma_wait3A_354] : memref<100096xf32, #tpu.memory_space<hbm>> -> memref<5000xf32, #tpu.memory_space<hbm>>
      tpu.wait_dma2 semaphore(%arg19 : memref<!tpu.dma_semaphore, #tpu.memory_space<semaphore_mem>>) src(%dma_wait3A_355 : memref<5000xf32, #tpu.memory_space<hbm>>) dst(%dma_wait3A_353 : memref<5000xf32, #tpu.memory_space<vmem>>)
      %dma_wait3A_356 = arith.constant 0 : i32
      %dma_wait3A_357 = arith.constant 0 : i32
      %dma_wait3A_358 = tpu.memref_slice %arg15[%dma_wait3A_356, %dma_wait3A_357] : memref<2x5000xf32, #tpu.memory_space<vmem>> -> memref<1x5000xf32, #tpu.memory_space<vmem>>
      %dma_wait3A_359 = tpu.memref_squeeze %dma_wait3A_358 : memref<1x5000xf32, #tpu.memory_space<vmem>> -> memref<5000xf32, #tpu.memory_space<vmem>>
      %dma_wait3A_360 = arith.constant 0 : i32
      %dma_wait3A_361 = tpu.memref_slice %arg2[%dma_wait3A_360] : memref<100096xf32, #tpu.memory_space<hbm>> -> memref<5000xf32, #tpu.memory_space<hbm>>
      %dma_wait3A_362 = arith.constant 0 : i32
      %dma_wait3A_363 = tpu.memref_slice %arg15[%dma_wait3A_356, %dma_wait3A_362] : memref<2x5000xf32, #tpu.memory_space<vmem>> -> memref<1x5000xf32, #tpu.memory_space<vmem>>
      %dma_wait3A_364 = tpu.memref_squeeze %dma_wait3A_363 : memref<1x5000xf32, #tpu.memory_space<vmem>> -> memref<5000xf32, #tpu.memory_space<vmem>>
      %dma_wait3A_365 = arith.constant 0 : i32
      %dma_wait3A_366 = tpu.memref_slice %arg2[%dma_wait3A_365] : memref<100096xf32, #tpu.memory_space<hbm>> -> memref<5000xf32, #tpu.memory_space<hbm>>
      tpu.wait_dma2 semaphore(%arg23 : memref<!tpu.dma_semaphore, #tpu.memory_space<semaphore_mem>>) src(%dma_wait3A_366 : memref<5000xf32, #tpu.memory_space<hbm>>) dst(%dma_wait3A_364 : memref<5000xf32, #tpu.memory_space<vmem>>)
      %dma_wait3A_367 = arith.constant 0 : i32
      %dma_wait3A_368 = arith.constant 0 : i32
      %dma_wait3A_369 = tpu.memref_slice %arg15[%dma_wait3A_367, %dma_wait3A_368] : memref<2x5000xf32, #tpu.memory_space<vmem>> -> memref<1x5000xf32, #tpu.memory_space<vmem>>
      %dma_wait3A_370 = tpu.memref_squeeze %dma_wait3A_369 : memref<1x5000xf32, #tpu.memory_space<vmem>> -> memref<5000xf32, #tpu.memory_space<vmem>>
      %dma_wait3A_371 = arith.constant 0 : i32
      %dma_wait3A_372 = tpu.memref_slice %arg2[%dma_wait3A_371] : memref<100096xf32, #tpu.memory_space<hbm>> -> memref<5000xf32, #tpu.memory_space<hbm>>
      %dma_wait3A_373 = arith.constant 0 : i32
      %dma_wait3A_374 = tpu.memref_slice %arg15[%dma_wait3A_367, %dma_wait3A_373] : memref<2x5000xf32, #tpu.memory_space<vmem>> -> memref<1x5000xf32, #tpu.memory_space<vmem>>
      %dma_wait3A_375 = tpu.memref_squeeze %dma_wait3A_374 : memref<1x5000xf32, #tpu.memory_space<vmem>> -> memref<5000xf32, #tpu.memory_space<vmem>>
      %dma_wait3A_376 = arith.constant 0 : i32
      %dma_wait3A_377 = tpu.memref_slice %arg2[%dma_wait3A_376] : memref<100096xf32, #tpu.memory_space<hbm>> -> memref<5000xf32, #tpu.memory_space<hbm>>
      tpu.wait_dma2 semaphore(%arg23 : memref<!tpu.dma_semaphore, #tpu.memory_space<semaphore_mem>>) src(%dma_wait3A_377 : memref<5000xf32, #tpu.memory_space<hbm>>) dst(%dma_wait3A_375 : memref<5000xf32, #tpu.memory_space<vmem>>)
      %dma_start3A_378 = arith.constant 2 : i32
      %dma_start3A_379 = arith.constant 0 : i32
      %dma_start3A_380 = arith.constant 0 : i32
      %dma_start3A_381 = tpu.memref_slice %arg15[%dma_start3A_379, %dma_start3A_380] : memref<2x5000xf32, #tpu.memory_space<vmem>> -> memref<1x5000xf32, #tpu.memory_space<vmem>>
      %dma_start3A_382 = tpu.memref_squeeze %dma_start3A_381 : memref<1x5000xf32, #tpu.memory_space<vmem>> -> memref<5000xf32, #tpu.memory_space<vmem>>
      %dma_start3A_383 = arith.constant 0 : i32
      %dma_start3A_384 = tpu.memref_slice %arg13[%dma_start3A_378, %dma_start3A_383] : memref<4x5000xi32, #tpu.memory_space<vmem>> -> memref<1x5000xi32, #tpu.memory_space<vmem>>
      %dma_start3A_385 = tpu.memref_squeeze %dma_start3A_384 : memref<1x5000xi32, #tpu.memory_space<vmem>> -> memref<5000xi32, #tpu.memory_space<vmem>>
      %dma_start3A_386 = arith.constant 0 : i32
      %dma_start3A_387 = tpu.memref_slice %arg9[%dma_start3A_386] : memref<100096xf32, #tpu.memory_space<vmem_shared>> -> memref<100096xf32, #tpu.memory_space<vmem_shared>>
      tpu.enqueue_indirect_dma source(%dma_start3A_387 : memref<100096xf32, #tpu.memory_space<vmem_shared>>) target(%dma_start3A_382 : memref<5000xf32, #tpu.memory_space<vmem>>) offsets(%dma_start3A_385 : memref<5000xi32, #tpu.memory_space<vmem>>) semaphore(%arg21 : memref<!tpu.dma_semaphore, #tpu.memory_space<semaphore_mem>>)
      %dma_start3A_388 = arith.constant 2 : i32
      %dma_start3A_389 = arith.constant 0 : i32
      %dma_start3A_390 = arith.constant 0 : i32
      %dma_start3A_391 = tpu.memref_slice %arg16[%dma_start3A_389, %dma_start3A_390] : memref<2x5000xf32, #tpu.memory_space<vmem>> -> memref<1x5000xf32, #tpu.memory_space<vmem>>
      %dma_start3A_392 = tpu.memref_squeeze %dma_start3A_391 : memref<1x5000xf32, #tpu.memory_space<vmem>> -> memref<5000xf32, #tpu.memory_space<vmem>>
      %dma_start3A_393 = arith.constant 0 : i32
      %dma_start3A_394 = tpu.memref_slice %arg13[%dma_start3A_388, %dma_start3A_393] : memref<4x5000xi32, #tpu.memory_space<vmem>> -> memref<1x5000xi32, #tpu.memory_space<vmem>>
      %dma_start3A_395 = tpu.memref_squeeze %dma_start3A_394 : memref<1x5000xi32, #tpu.memory_space<vmem>> -> memref<5000xi32, #tpu.memory_space<vmem>>
      %dma_start3A_396 = arith.constant 0 : i32
      %dma_start3A_397 = tpu.memref_slice %arg10[%dma_start3A_396] : memref<100096xf32, #tpu.memory_space<vmem_shared>> -> memref<100096xf32, #tpu.memory_space<vmem_shared>>
      tpu.enqueue_indirect_dma source(%dma_start3A_397 : memref<100096xf32, #tpu.memory_space<vmem_shared>>) target(%dma_start3A_392 : memref<5000xf32, #tpu.memory_space<vmem>>) offsets(%dma_start3A_395 : memref<5000xi32, #tpu.memory_space<vmem>>) semaphore(%arg21 : memref<!tpu.dma_semaphore, #tpu.memory_space<semaphore_mem>>)
      %dma_wait3A_398 = arith.constant 0 : i32
      %dma_wait3A_399 = arith.constant 0 : i32
      %dma_wait3A_400 = tpu.memref_slice %arg15[%dma_wait3A_398, %dma_wait3A_399] : memref<2x5000xf32, #tpu.memory_space<vmem>> -> memref<1x5000xf32, #tpu.memory_space<vmem>>
      %dma_wait3A_401 = tpu.memref_squeeze %dma_wait3A_400 : memref<1x5000xf32, #tpu.memory_space<vmem>> -> memref<5000xf32, #tpu.memory_space<vmem>>
      %dma_wait3A_402 = arith.constant 0 : i32
      %dma_wait3A_403 = tpu.memref_slice %arg2[%dma_wait3A_402] : memref<100096xf32, #tpu.memory_space<hbm>> -> memref<5000xf32, #tpu.memory_space<hbm>>
      %dma_wait3A_404 = arith.constant 0 : i32
      %dma_wait3A_405 = tpu.memref_slice %arg15[%dma_wait3A_398, %dma_wait3A_404] : memref<2x5000xf32, #tpu.memory_space<vmem>> -> memref<1x5000xf32, #tpu.memory_space<vmem>>
      %dma_wait3A_406 = tpu.memref_squeeze %dma_wait3A_405 : memref<1x5000xf32, #tpu.memory_space<vmem>> -> memref<5000xf32, #tpu.memory_space<vmem>>
      %dma_wait3A_407 = arith.constant 0 : i32
      %dma_wait3A_408 = tpu.memref_slice %arg2[%dma_wait3A_407] : memref<100096xf32, #tpu.memory_space<hbm>> -> memref<5000xf32, #tpu.memory_space<hbm>>
      tpu.wait_dma2 semaphore(%arg21 : memref<!tpu.dma_semaphore, #tpu.memory_space<semaphore_mem>>) src(%dma_wait3A_408 : memref<5000xf32, #tpu.memory_space<hbm>>) dst(%dma_wait3A_406 : memref<5000xf32, #tpu.memory_space<vmem>>)
      %dma_wait3A_409 = arith.constant 0 : i32
      %dma_wait3A_410 = arith.constant 0 : i32
      %dma_wait3A_411 = tpu.memref_slice %arg15[%dma_wait3A_409, %dma_wait3A_410] : memref<2x5000xf32, #tpu.memory_space<vmem>> -> memref<1x5000xf32, #tpu.memory_space<vmem>>
      %dma_wait3A_412 = tpu.memref_squeeze %dma_wait3A_411 : memref<1x5000xf32, #tpu.memory_space<vmem>> -> memref<5000xf32, #tpu.memory_space<vmem>>
      %dma_wait3A_413 = arith.constant 0 : i32
      %dma_wait3A_414 = tpu.memref_slice %arg2[%dma_wait3A_413] : memref<100096xf32, #tpu.memory_space<hbm>> -> memref<5000xf32, #tpu.memory_space<hbm>>
      %dma_wait3A_415 = arith.constant 0 : i32
      %dma_wait3A_416 = tpu.memref_slice %arg15[%dma_wait3A_409, %dma_wait3A_415] : memref<2x5000xf32, #tpu.memory_space<vmem>> -> memref<1x5000xf32, #tpu.memory_space<vmem>>
      %dma_wait3A_417 = tpu.memref_squeeze %dma_wait3A_416 : memref<1x5000xf32, #tpu.memory_space<vmem>> -> memref<5000xf32, #tpu.memory_space<vmem>>
      %dma_wait3A_418 = arith.constant 0 : i32
      %dma_wait3A_419 = tpu.memref_slice %arg2[%dma_wait3A_418] : memref<100096xf32, #tpu.memory_space<hbm>> -> memref<5000xf32, #tpu.memory_space<hbm>>
      tpu.wait_dma2 semaphore(%arg21 : memref<!tpu.dma_semaphore, #tpu.memory_space<semaphore_mem>>) src(%dma_wait3A_419 : memref<5000xf32, #tpu.memory_space<hbm>>) dst(%dma_wait3A_417 : memref<5000xf32, #tpu.memory_space<vmem>>)
      %dma_start3A_420 = arith.constant 0 : i32
      %dma_start3A_421 = arith.constant 2 : i32
      %dma_start3A_422 = arith.constant 0 : i32
      %dma_start3A_423 = tpu.memref_slice %arg15[%dma_start3A_420, %dma_start3A_422] : memref<2x5000xf32, #tpu.memory_space<vmem>> -> memref<1x5000xf32, #tpu.memory_space<vmem>>
      %dma_start3A_424 = tpu.memref_squeeze %dma_start3A_423 : memref<1x5000xf32, #tpu.memory_space<vmem>> -> memref<5000xf32, #tpu.memory_space<vmem>>
      %dma_start3A_425 = arith.constant 0 : i32
      %dma_start3A_426 = tpu.memref_slice %arg14[%dma_start3A_421, %dma_start3A_425] : memref<4x5000xi32, #tpu.memory_space<vmem>> -> memref<1x5000xi32, #tpu.memory_space<vmem>>
      %dma_start3A_427 = tpu.memref_squeeze %dma_start3A_426 : memref<1x5000xi32, #tpu.memory_space<vmem>> -> memref<5000xi32, #tpu.memory_space<vmem>>
      %dma_start3A_428 = arith.constant 0 : i32
      %dma_start3A_429 = tpu.memref_slice %arg11[%dma_start3A_428] : memref<100096xf32, #tpu.memory_space<vmem_shared>> -> memref<100096xf32, #tpu.memory_space<vmem_shared>>
      tpu.enqueue_indirect_dma source(%dma_start3A_424 : memref<5000xf32, #tpu.memory_space<vmem>>) target(%dma_start3A_429 : memref<100096xf32, #tpu.memory_space<vmem_shared>>) offsets(%dma_start3A_427 : memref<5000xi32, #tpu.memory_space<vmem>>) semaphore(%arg23 : memref<!tpu.dma_semaphore, #tpu.memory_space<semaphore_mem>>) {add = true}
      %dma_start3A_430 = arith.constant 0 : i32
      %dma_start3A_431 = arith.constant 2 : i32
      %dma_start3A_432 = arith.constant 0 : i32
      %dma_start3A_433 = tpu.memref_slice %arg16[%dma_start3A_430, %dma_start3A_432] : memref<2x5000xf32, #tpu.memory_space<vmem>> -> memref<1x5000xf32, #tpu.memory_space<vmem>>
      %dma_start3A_434 = tpu.memref_squeeze %dma_start3A_433 : memref<1x5000xf32, #tpu.memory_space<vmem>> -> memref<5000xf32, #tpu.memory_space<vmem>>
      %dma_start3A_435 = arith.constant 0 : i32
      %dma_start3A_436 = tpu.memref_slice %arg14[%dma_start3A_431, %dma_start3A_435] : memref<4x5000xi32, #tpu.memory_space<vmem>> -> memref<1x5000xi32, #tpu.memory_space<vmem>>
      %dma_start3A_437 = tpu.memref_squeeze %dma_start3A_436 : memref<1x5000xi32, #tpu.memory_space<vmem>> -> memref<5000xi32, #tpu.memory_space<vmem>>
      %dma_start3A_438 = arith.constant 0 : i32
      %dma_start3A_439 = tpu.memref_slice %arg12[%dma_start3A_438] : memref<100096xf32, #tpu.memory_space<vmem_shared>> -> memref<100096xf32, #tpu.memory_space<vmem_shared>>
      tpu.enqueue_indirect_dma source(%dma_start3A_434 : memref<5000xf32, #tpu.memory_space<vmem>>) target(%dma_start3A_439 : memref<100096xf32, #tpu.memory_space<vmem_shared>>) offsets(%dma_start3A_437 : memref<5000xi32, #tpu.memory_space<vmem>>) semaphore(%arg23 : memref<!tpu.dma_semaphore, #tpu.memory_space<semaphore_mem>>) {add = true}
      %add3A_440 = arith.constant 2 : i32
      %add3A_441 = arith.addi %add3A_333, %add3A_440 : i32
      %lt3A_442 = arith.constant 40 : i32
      %lt3A_443 = arith.cmpi slt, %add3A_441, %lt3A_442 : i32
      %convert_element_type3A_444 = arith.extui %lt3A_443 : i1 to i32
      %cond3A_445 = arith.constant 0 : i32
      %cond3A_446 = arith.cmpi ne, %convert_element_type3A_444, %cond3A_445 : i32
      scf.if %cond3A_446 {
        %add3A_564 = arith.constant 2 : i32
        %add3A_565 = arith.addi %add3A_333, %add3A_564 : i32
        %mul3A_566 = arith.constant 5000 : i32
        %mul3A_567 = arith.muli %add3A_565, %mul3A_566 : i32
        %add3A_568 = arith.addi %mul3A_2, %mul3A_567 : i32
        %dma_start3A_569 = arith.constant 0 : i32
        %dma_start3A_570 = arith.constant 0 : i32
        %dma_start3A_571 = tpu.memref_slice %arg13[%dma_start3A_569, %dma_start3A_570] : memref<4x5000xi32, #tpu.memory_space<vmem>> -> memref<1x5000xi32, #tpu.memory_space<vmem>>
        %dma_start3A_572 = tpu.memref_squeeze %dma_start3A_571 : memref<1x5000xi32, #tpu.memory_space<vmem>> -> memref<5000xi32, #tpu.memory_space<vmem>>
        %dma_start3A_573 = tpu.memref_slice %arg5[%add3A_568] : memref<6400000xi32, #tpu.memory_space<hbm>> -> memref<5000xi32, #tpu.memory_space<hbm>>
        %dma_start3A_574 = arith.constant 0 : i32
        %dma_start3A_575 = tpu.memref_slice %arg13[%dma_start3A_569, %dma_start3A_574] : memref<4x5000xi32, #tpu.memory_space<vmem>> -> memref<1x5000xi32, #tpu.memory_space<vmem>>
        %dma_start3A_576 = tpu.memref_squeeze %dma_start3A_575 : memref<1x5000xi32, #tpu.memory_space<vmem>> -> memref<5000xi32, #tpu.memory_space<vmem>>
        %dma_start3A_577 = tpu.memref_slice %arg5[%add3A_568] : memref<6400000xi32, #tpu.memory_space<hbm>> -> memref<5000xi32, #tpu.memory_space<hbm>>
        tpu.enqueue_dma source(%dma_start3A_577 : memref<5000xi32, #tpu.memory_space<hbm>>) target(%dma_start3A_576 : memref<5000xi32, #tpu.memory_space<vmem>>) target_semaphore(%arg17 : memref<!tpu.dma_semaphore, #tpu.memory_space<semaphore_mem>>)
        %mul3A_578 = arith.constant 5000 : i32
        %mul3A_579 = arith.muli %add3A_565, %mul3A_578 : i32
        %add3A_580 = arith.addi %mul3A_2, %mul3A_579 : i32
        %dma_start3A_581 = arith.constant 0 : i32
        %dma_start3A_582 = arith.constant 0 : i32
        %dma_start3A_583 = tpu.memref_slice %arg14[%dma_start3A_581, %dma_start3A_582] : memref<4x5000xi32, #tpu.memory_space<vmem>> -> memref<1x5000xi32, #tpu.memory_space<vmem>>
        %dma_start3A_584 = tpu.memref_squeeze %dma_start3A_583 : memref<1x5000xi32, #tpu.memory_space<vmem>> -> memref<5000xi32, #tpu.memory_space<vmem>>
        %dma_start3A_585 = tpu.memref_slice %arg6[%add3A_580] : memref<6400000xi32, #tpu.memory_space<hbm>> -> memref<5000xi32, #tpu.memory_space<hbm>>
        %dma_start3A_586 = arith.constant 0 : i32
        %dma_start3A_587 = tpu.memref_slice %arg14[%dma_start3A_581, %dma_start3A_586] : memref<4x5000xi32, #tpu.memory_space<vmem>> -> memref<1x5000xi32, #tpu.memory_space<vmem>>
        %dma_start3A_588 = tpu.memref_squeeze %dma_start3A_587 : memref<1x5000xi32, #tpu.memory_space<vmem>> -> memref<5000xi32, #tpu.memory_space<vmem>>
        %dma_start3A_589 = tpu.memref_slice %arg6[%add3A_580] : memref<6400000xi32, #tpu.memory_space<hbm>> -> memref<5000xi32, #tpu.memory_space<hbm>>
        tpu.enqueue_dma source(%dma_start3A_589 : memref<5000xi32, #tpu.memory_space<hbm>>) target(%dma_start3A_588 : memref<5000xi32, #tpu.memory_space<vmem>>) target_semaphore(%arg17 : memref<!tpu.dma_semaphore, #tpu.memory_space<semaphore_mem>>)
      } else {
      }
      %mul3A_447 = arith.constant 4 : i32
      %mul3A_448 = arith.muli %scan3A_133, %mul3A_447 : i32
      %add3A_449 = arith.constant 3 : i32
      %add3A_450 = arith.addi %mul3A_448, %add3A_449 : i32
      %dma_wait3A_451 = arith.constant 0 : i32
      %dma_wait3A_452 = arith.constant 0 : i32
      %dma_wait3A_453 = tpu.memref_slice %arg15[%dma_wait3A_451, %dma_wait3A_452] : memref<2x5000xf32, #tpu.memory_space<vmem>> -> memref<1x5000xf32, #tpu.memory_space<vmem>>
      %dma_wait3A_454 = tpu.memref_squeeze %dma_wait3A_453 : memref<1x5000xf32, #tpu.memory_space<vmem>> -> memref<5000xf32, #tpu.memory_space<vmem>>
      %dma_wait3A_455 = arith.constant 0 : i32
      %dma_wait3A_456 = tpu.memref_slice %arg2[%dma_wait3A_455] : memref<100096xf32, #tpu.memory_space<hbm>> -> memref<5000xf32, #tpu.memory_space<hbm>>
      %dma_wait3A_457 = arith.constant 0 : i32
      %dma_wait3A_458 = tpu.memref_slice %arg15[%dma_wait3A_451, %dma_wait3A_457] : memref<2x5000xf32, #tpu.memory_space<vmem>> -> memref<1x5000xf32, #tpu.memory_space<vmem>>
      %dma_wait3A_459 = tpu.memref_squeeze %dma_wait3A_458 : memref<1x5000xf32, #tpu.memory_space<vmem>> -> memref<5000xf32, #tpu.memory_space<vmem>>
      %dma_wait3A_460 = arith.constant 0 : i32
      %dma_wait3A_461 = tpu.memref_slice %arg2[%dma_wait3A_460] : memref<100096xf32, #tpu.memory_space<hbm>> -> memref<5000xf32, #tpu.memory_space<hbm>>
      tpu.wait_dma2 semaphore(%arg20 : memref<!tpu.dma_semaphore, #tpu.memory_space<semaphore_mem>>) src(%dma_wait3A_461 : memref<5000xf32, #tpu.memory_space<hbm>>) dst(%dma_wait3A_459 : memref<5000xf32, #tpu.memory_space<vmem>>)
      %dma_wait3A_462 = arith.constant 0 : i32
      %dma_wait3A_463 = arith.constant 0 : i32
      %dma_wait3A_464 = tpu.memref_slice %arg15[%dma_wait3A_462, %dma_wait3A_463] : memref<2x5000xf32, #tpu.memory_space<vmem>> -> memref<1x5000xf32, #tpu.memory_space<vmem>>
      %dma_wait3A_465 = tpu.memref_squeeze %dma_wait3A_464 : memref<1x5000xf32, #tpu.memory_space<vmem>> -> memref<5000xf32, #tpu.memory_space<vmem>>
      %dma_wait3A_466 = arith.constant 0 : i32
      %dma_wait3A_467 = tpu.memref_slice %arg2[%dma_wait3A_466] : memref<100096xf32, #tpu.memory_space<hbm>> -> memref<5000xf32, #tpu.memory_space<hbm>>
      %dma_wait3A_468 = arith.constant 0 : i32
      %dma_wait3A_469 = tpu.memref_slice %arg15[%dma_wait3A_462, %dma_wait3A_468] : memref<2x5000xf32, #tpu.memory_space<vmem>> -> memref<1x5000xf32, #tpu.memory_space<vmem>>
      %dma_wait3A_470 = tpu.memref_squeeze %dma_wait3A_469 : memref<1x5000xf32, #tpu.memory_space<vmem>> -> memref<5000xf32, #tpu.memory_space<vmem>>
      %dma_wait3A_471 = arith.constant 0 : i32
      %dma_wait3A_472 = tpu.memref_slice %arg2[%dma_wait3A_471] : memref<100096xf32, #tpu.memory_space<hbm>> -> memref<5000xf32, #tpu.memory_space<hbm>>
      tpu.wait_dma2 semaphore(%arg20 : memref<!tpu.dma_semaphore, #tpu.memory_space<semaphore_mem>>) src(%dma_wait3A_472 : memref<5000xf32, #tpu.memory_space<hbm>>) dst(%dma_wait3A_470 : memref<5000xf32, #tpu.memory_space<vmem>>)
      %dma_wait3A_473 = arith.constant 0 : i32
      %dma_wait3A_474 = arith.constant 0 : i32
      %dma_wait3A_475 = tpu.memref_slice %arg15[%dma_wait3A_473, %dma_wait3A_474] : memref<2x5000xf32, #tpu.memory_space<vmem>> -> memref<1x5000xf32, #tpu.memory_space<vmem>>
      %dma_wait3A_476 = tpu.memref_squeeze %dma_wait3A_475 : memref<1x5000xf32, #tpu.memory_space<vmem>> -> memref<5000xf32, #tpu.memory_space<vmem>>
      %dma_wait3A_477 = arith.constant 0 : i32
      %dma_wait3A_478 = tpu.memref_slice %arg2[%dma_wait3A_477] : memref<100096xf32, #tpu.memory_space<hbm>> -> memref<5000xf32, #tpu.memory_space<hbm>>
      %dma_wait3A_479 = arith.constant 0 : i32
      %dma_wait3A_480 = tpu.memref_slice %arg15[%dma_wait3A_473, %dma_wait3A_479] : memref<2x5000xf32, #tpu.memory_space<vmem>> -> memref<1x5000xf32, #tpu.memory_space<vmem>>
      %dma_wait3A_481 = tpu.memref_squeeze %dma_wait3A_480 : memref<1x5000xf32, #tpu.memory_space<vmem>> -> memref<5000xf32, #tpu.memory_space<vmem>>
      %dma_wait3A_482 = arith.constant 0 : i32
      %dma_wait3A_483 = tpu.memref_slice %arg2[%dma_wait3A_482] : memref<100096xf32, #tpu.memory_space<hbm>> -> memref<5000xf32, #tpu.memory_space<hbm>>
      tpu.wait_dma2 semaphore(%arg24 : memref<!tpu.dma_semaphore, #tpu.memory_space<semaphore_mem>>) src(%dma_wait3A_483 : memref<5000xf32, #tpu.memory_space<hbm>>) dst(%dma_wait3A_481 : memref<5000xf32, #tpu.memory_space<vmem>>)
      %dma_wait3A_484 = arith.constant 0 : i32
      %dma_wait3A_485 = arith.constant 0 : i32
      %dma_wait3A_486 = tpu.memref_slice %arg15[%dma_wait3A_484, %dma_wait3A_485] : memref<2x5000xf32, #tpu.memory_space<vmem>> -> memref<1x5000xf32, #tpu.memory_space<vmem>>
      %dma_wait3A_487 = tpu.memref_squeeze %dma_wait3A_486 : memref<1x5000xf32, #tpu.memory_space<vmem>> -> memref<5000xf32, #tpu.memory_space<vmem>>
      %dma_wait3A_488 = arith.constant 0 : i32
      %dma_wait3A_489 = tpu.memref_slice %arg2[%dma_wait3A_488] : memref<100096xf32, #tpu.memory_space<hbm>> -> memref<5000xf32, #tpu.memory_space<hbm>>
      %dma_wait3A_490 = arith.constant 0 : i32
      %dma_wait3A_491 = tpu.memref_slice %arg15[%dma_wait3A_484, %dma_wait3A_490] : memref<2x5000xf32, #tpu.memory_space<vmem>> -> memref<1x5000xf32, #tpu.memory_space<vmem>>
      %dma_wait3A_492 = tpu.memref_squeeze %dma_wait3A_491 : memref<1x5000xf32, #tpu.memory_space<vmem>> -> memref<5000xf32, #tpu.memory_space<vmem>>
      %dma_wait3A_493 = arith.constant 0 : i32
      %dma_wait3A_494 = tpu.memref_slice %arg2[%dma_wait3A_493] : memref<100096xf32, #tpu.memory_space<hbm>> -> memref<5000xf32, #tpu.memory_space<hbm>>
      tpu.wait_dma2 semaphore(%arg24 : memref<!tpu.dma_semaphore, #tpu.memory_space<semaphore_mem>>) src(%dma_wait3A_494 : memref<5000xf32, #tpu.memory_space<hbm>>) dst(%dma_wait3A_492 : memref<5000xf32, #tpu.memory_space<vmem>>)
      %dma_start3A_495 = arith.constant 3 : i32
      %dma_start3A_496 = arith.constant 1 : i32
      %dma_start3A_497 = arith.constant 0 : i32
      %dma_start3A_498 = tpu.memref_slice %arg15[%dma_start3A_496, %dma_start3A_497] : memref<2x5000xf32, #tpu.memory_space<vmem>> -> memref<1x5000xf32, #tpu.memory_space<vmem>>
      %dma_start3A_499 = tpu.memref_squeeze %dma_start3A_498 : memref<1x5000xf32, #tpu.memory_space<vmem>> -> memref<5000xf32, #tpu.memory_space<vmem>>
      %dma_start3A_500 = arith.constant 0 : i32
      %dma_start3A_501 = tpu.memref_slice %arg13[%dma_start3A_495, %dma_start3A_500] : memref<4x5000xi32, #tpu.memory_space<vmem>> -> memref<1x5000xi32, #tpu.memory_space<vmem>>
      %dma_start3A_502 = tpu.memref_squeeze %dma_start3A_501 : memref<1x5000xi32, #tpu.memory_space<vmem>> -> memref<5000xi32, #tpu.memory_space<vmem>>
      %dma_start3A_503 = arith.constant 0 : i32
      %dma_start3A_504 = tpu.memref_slice %arg9[%dma_start3A_503] : memref<100096xf32, #tpu.memory_space<vmem_shared>> -> memref<100096xf32, #tpu.memory_space<vmem_shared>>
      tpu.enqueue_indirect_dma source(%dma_start3A_504 : memref<100096xf32, #tpu.memory_space<vmem_shared>>) target(%dma_start3A_499 : memref<5000xf32, #tpu.memory_space<vmem>>) offsets(%dma_start3A_502 : memref<5000xi32, #tpu.memory_space<vmem>>) semaphore(%arg22 : memref<!tpu.dma_semaphore, #tpu.memory_space<semaphore_mem>>)
      %dma_start3A_505 = arith.constant 3 : i32
      %dma_start3A_506 = arith.constant 1 : i32
      %dma_start3A_507 = arith.constant 0 : i32
      %dma_start3A_508 = tpu.memref_slice %arg16[%dma_start3A_506, %dma_start3A_507] : memref<2x5000xf32, #tpu.memory_space<vmem>> -> memref<1x5000xf32, #tpu.memory_space<vmem>>
      %dma_start3A_509 = tpu.memref_squeeze %dma_start3A_508 : memref<1x5000xf32, #tpu.memory_space<vmem>> -> memref<5000xf32, #tpu.memory_space<vmem>>
      %dma_start3A_510 = arith.constant 0 : i32
      %dma_start3A_511 = tpu.memref_slice %arg13[%dma_start3A_505, %dma_start3A_510] : memref<4x5000xi32, #tpu.memory_space<vmem>> -> memref<1x5000xi32, #tpu.memory_space<vmem>>
      %dma_start3A_512 = tpu.memref_squeeze %dma_start3A_511 : memref<1x5000xi32, #tpu.memory_space<vmem>> -> memref<5000xi32, #tpu.memory_space<vmem>>
      %dma_start3A_513 = arith.constant 0 : i32
      %dma_start3A_514 = tpu.memref_slice %arg10[%dma_start3A_513] : memref<100096xf32, #tpu.memory_space<vmem_shared>> -> memref<100096xf32, #tpu.memory_space<vmem_shared>>
      tpu.enqueue_indirect_dma source(%dma_start3A_514 : memref<100096xf32, #tpu.memory_space<vmem_shared>>) target(%dma_start3A_509 : memref<5000xf32, #tpu.memory_space<vmem>>) offsets(%dma_start3A_512 : memref<5000xi32, #tpu.memory_space<vmem>>) semaphore(%arg22 : memref<!tpu.dma_semaphore, #tpu.memory_space<semaphore_mem>>)
      %dma_wait3A_515 = arith.constant 0 : i32
      %dma_wait3A_516 = arith.constant 0 : i32
      %dma_wait3A_517 = tpu.memref_slice %arg15[%dma_wait3A_515, %dma_wait3A_516] : memref<2x5000xf32, #tpu.memory_space<vmem>> -> memref<1x5000xf32, #tpu.memory_space<vmem>>
      %dma_wait3A_518 = tpu.memref_squeeze %dma_wait3A_517 : memref<1x5000xf32, #tpu.memory_space<vmem>> -> memref<5000xf32, #tpu.memory_space<vmem>>
      %dma_wait3A_519 = arith.constant 0 : i32
      %dma_wait3A_520 = tpu.memref_slice %arg2[%dma_wait3A_519] : memref<100096xf32, #tpu.memory_space<hbm>> -> memref<5000xf32, #tpu.memory_space<hbm>>
      %dma_wait3A_521 = arith.constant 0 : i32
      %dma_wait3A_522 = tpu.memref_slice %arg15[%dma_wait3A_515, %dma_wait3A_521] : memref<2x5000xf32, #tpu.memory_space<vmem>> -> memref<1x5000xf32, #tpu.memory_space<vmem>>
      %dma_wait3A_523 = tpu.memref_squeeze %dma_wait3A_522 : memref<1x5000xf32, #tpu.memory_space<vmem>> -> memref<5000xf32, #tpu.memory_space<vmem>>
      %dma_wait3A_524 = arith.constant 0 : i32
      %dma_wait3A_525 = tpu.memref_slice %arg2[%dma_wait3A_524] : memref<100096xf32, #tpu.memory_space<hbm>> -> memref<5000xf32, #tpu.memory_space<hbm>>
      tpu.wait_dma2 semaphore(%arg22 : memref<!tpu.dma_semaphore, #tpu.memory_space<semaphore_mem>>) src(%dma_wait3A_525 : memref<5000xf32, #tpu.memory_space<hbm>>) dst(%dma_wait3A_523 : memref<5000xf32, #tpu.memory_space<vmem>>)
      %dma_wait3A_526 = arith.constant 0 : i32
      %dma_wait3A_527 = arith.constant 0 : i32
      %dma_wait3A_528 = tpu.memref_slice %arg15[%dma_wait3A_526, %dma_wait3A_527] : memref<2x5000xf32, #tpu.memory_space<vmem>> -> memref<1x5000xf32, #tpu.memory_space<vmem>>
      %dma_wait3A_529 = tpu.memref_squeeze %dma_wait3A_528 : memref<1x5000xf32, #tpu.memory_space<vmem>> -> memref<5000xf32, #tpu.memory_space<vmem>>
      %dma_wait3A_530 = arith.constant 0 : i32
      %dma_wait3A_531 = tpu.memref_slice %arg2[%dma_wait3A_530] : memref<100096xf32, #tpu.memory_space<hbm>> -> memref<5000xf32, #tpu.memory_space<hbm>>
      %dma_wait3A_532 = arith.constant 0 : i32
      %dma_wait3A_533 = tpu.memref_slice %arg15[%dma_wait3A_526, %dma_wait3A_532] : memref<2x5000xf32, #tpu.memory_space<vmem>> -> memref<1x5000xf32, #tpu.memory_space<vmem>>
      %dma_wait3A_534 = tpu.memref_squeeze %dma_wait3A_533 : memref<1x5000xf32, #tpu.memory_space<vmem>> -> memref<5000xf32, #tpu.memory_space<vmem>>
      %dma_wait3A_535 = arith.constant 0 : i32
      %dma_wait3A_536 = tpu.memref_slice %arg2[%dma_wait3A_535] : memref<100096xf32, #tpu.memory_space<hbm>> -> memref<5000xf32, #tpu.memory_space<hbm>>
      tpu.wait_dma2 semaphore(%arg22 : memref<!tpu.dma_semaphore, #tpu.memory_space<semaphore_mem>>) src(%dma_wait3A_536 : memref<5000xf32, #tpu.memory_space<hbm>>) dst(%dma_wait3A_534 : memref<5000xf32, #tpu.memory_space<vmem>>)
      %dma_start3A_537 = arith.constant 1 : i32
      %dma_start3A_538 = arith.constant 3 : i32
      %dma_start3A_539 = arith.constant 0 : i32
      %dma_start3A_540 = tpu.memref_slice %arg15[%dma_start3A_537, %dma_start3A_539] : memref<2x5000xf32, #tpu.memory_space<vmem>> -> memref<1x5000xf32, #tpu.memory_space<vmem>>
      %dma_start3A_541 = tpu.memref_squeeze %dma_start3A_540 : memref<1x5000xf32, #tpu.memory_space<vmem>> -> memref<5000xf32, #tpu.memory_space<vmem>>
      %dma_start3A_542 = arith.constant 0 : i32
      %dma_start3A_543 = tpu.memref_slice %arg14[%dma_start3A_538, %dma_start3A_542] : memref<4x5000xi32, #tpu.memory_space<vmem>> -> memref<1x5000xi32, #tpu.memory_space<vmem>>
      %dma_start3A_544 = tpu.memref_squeeze %dma_start3A_543 : memref<1x5000xi32, #tpu.memory_space<vmem>> -> memref<5000xi32, #tpu.memory_space<vmem>>
      %dma_start3A_545 = arith.constant 0 : i32
      %dma_start3A_546 = tpu.memref_slice %arg11[%dma_start3A_545] : memref<100096xf32, #tpu.memory_space<vmem_shared>> -> memref<100096xf32, #tpu.memory_space<vmem_shared>>
      tpu.enqueue_indirect_dma source(%dma_start3A_541 : memref<5000xf32, #tpu.memory_space<vmem>>) target(%dma_start3A_546 : memref<100096xf32, #tpu.memory_space<vmem_shared>>) offsets(%dma_start3A_544 : memref<5000xi32, #tpu.memory_space<vmem>>) semaphore(%arg24 : memref<!tpu.dma_semaphore, #tpu.memory_space<semaphore_mem>>) {add = true}
      %dma_start3A_547 = arith.constant 1 : i32
      %dma_start3A_548 = arith.constant 3 : i32
      %dma_start3A_549 = arith.constant 0 : i32
      %dma_start3A_550 = tpu.memref_slice %arg16[%dma_start3A_547, %dma_start3A_549] : memref<2x5000xf32, #tpu.memory_space<vmem>> -> memref<1x5000xf32, #tpu.memory_space<vmem>>
      %dma_start3A_551 = tpu.memref_squeeze %dma_start3A_550 : memref<1x5000xf32, #tpu.memory_space<vmem>> -> memref<5000xf32, #tpu.memory_space<vmem>>
      %dma_start3A_552 = arith.constant 0 : i32
      %dma_start3A_553 = tpu.memref_slice %arg14[%dma_start3A_548, %dma_start3A_552] : memref<4x5000xi32, #tpu.memory_space<vmem>> -> memref<1x5000xi32, #tpu.memory_space<vmem>>
      %dma_start3A_554 = tpu.memref_squeeze %dma_start3A_553 : memref<1x5000xi32, #tpu.memory_space<vmem>> -> memref<5000xi32, #tpu.memory_space<vmem>>
      %dma_start3A_555 = arith.constant 0 : i32
      %dma_start3A_556 = tpu.memref_slice %arg12[%dma_start3A_555] : memref<100096xf32, #tpu.memory_space<vmem_shared>> -> memref<100096xf32, #tpu.memory_space<vmem_shared>>
      tpu.enqueue_indirect_dma source(%dma_start3A_551 : memref<5000xf32, #tpu.memory_space<vmem>>) target(%dma_start3A_556 : memref<100096xf32, #tpu.memory_space<vmem_shared>>) offsets(%dma_start3A_554 : memref<5000xi32, #tpu.memory_space<vmem>>) semaphore(%arg24 : memref<!tpu.dma_semaphore, #tpu.memory_space<semaphore_mem>>) {add = true}
      %add3A_557 = arith.constant 2 : i32
      %add3A_558 = arith.addi %add3A_450, %add3A_557 : i32
      %lt3A_559 = arith.constant 40 : i32
      %lt3A_560 = arith.cmpi slt, %add3A_558, %lt3A_559 : i32
      %convert_element_type3A_561 = arith.extui %lt3A_560 : i1 to i32
      %cond3A_562 = arith.constant 0 : i32
      %cond3A_563 = arith.cmpi ne, %convert_element_type3A_561, %cond3A_562 : i32
      scf.if %cond3A_563 {
        %add3A_564 = arith.constant 2 : i32
        %add3A_565 = arith.addi %add3A_450, %add3A_564 : i32
        %mul3A_566 = arith.constant 5000 : i32
        %mul3A_567 = arith.muli %add3A_565, %mul3A_566 : i32
        %add3A_568 = arith.addi %mul3A_2, %mul3A_567 : i32
        %dma_start3A_569 = arith.constant 1 : i32
        %dma_start3A_570 = arith.constant 0 : i32
        %dma_start3A_571 = tpu.memref_slice %arg13[%dma_start3A_569, %dma_start3A_570] : memref<4x5000xi32, #tpu.memory_space<vmem>> -> memref<1x5000xi32, #tpu.memory_space<vmem>>
        %dma_start3A_572 = tpu.memref_squeeze %dma_start3A_571 : memref<1x5000xi32, #tpu.memory_space<vmem>> -> memref<5000xi32, #tpu.memory_space<vmem>>
        %dma_start3A_573 = tpu.memref_slice %arg5[%add3A_568] : memref<6400000xi32, #tpu.memory_space<hbm>> -> memref<5000xi32, #tpu.memory_space<hbm>>
        %dma_start3A_574 = arith.constant 0 : i32
        %dma_start3A_575 = tpu.memref_slice %arg13[%dma_start3A_569, %dma_start3A_574] : memref<4x5000xi32, #tpu.memory_space<vmem>> -> memref<1x5000xi32, #tpu.memory_space<vmem>>
        %dma_start3A_576 = tpu.memref_squeeze %dma_start3A_575 : memref<1x5000xi32, #tpu.memory_space<vmem>> -> memref<5000xi32, #tpu.memory_space<vmem>>
        %dma_start3A_577 = tpu.memref_slice %arg5[%add3A_568] : memref<6400000xi32, #tpu.memory_space<hbm>> -> memref<5000xi32, #tpu.memory_space<hbm>>
        tpu.enqueue_dma source(%dma_start3A_577 : memref<5000xi32, #tpu.memory_space<hbm>>) target(%dma_start3A_576 : memref<5000xi32, #tpu.memory_space<vmem>>) target_semaphore(%arg18 : memref<!tpu.dma_semaphore, #tpu.memory_space<semaphore_mem>>)
        %mul3A_578 = arith.constant 5000 : i32
        %mul3A_579 = arith.muli %add3A_565, %mul3A_578 : i32
        %add3A_580 = arith.addi %mul3A_2, %mul3A_579 : i32
        %dma_start3A_581 = arith.constant 1 : i32
        %dma_start3A_582 = arith.constant 0 : i32
        %dma_start3A_583 = tpu.memref_slice %arg14[%dma_start3A_581, %dma_start3A_582] : memref<4x5000xi32, #tpu.memory_space<vmem>> -> memref<1x5000xi32, #tpu.memory_space<vmem>>
        %dma_start3A_584 = tpu.memref_squeeze %dma_start3A_583 : memref<1x5000xi32, #tpu.memory_space<vmem>> -> memref<5000xi32, #tpu.memory_space<vmem>>
        %dma_start3A_585 = tpu.memref_slice %arg6[%add3A_580] : memref<6400000xi32, #tpu.memory_space<hbm>> -> memref<5000xi32, #tpu.memory_space<hbm>>
        %dma_start3A_586 = arith.constant 0 : i32
        %dma_start3A_587 = tpu.memref_slice %arg14[%dma_start3A_581, %dma_start3A_586] : memref<4x5000xi32, #tpu.memory_space<vmem>> -> memref<1x5000xi32, #tpu.memory_space<vmem>>
        %dma_start3A_588 = tpu.memref_squeeze %dma_start3A_587 : memref<1x5000xi32, #tpu.memory_space<vmem>> -> memref<5000xi32, #tpu.memory_space<vmem>>
        %dma_start3A_589 = tpu.memref_slice %arg6[%add3A_580] : memref<6400000xi32, #tpu.memory_space<hbm>> -> memref<5000xi32, #tpu.memory_space<hbm>>
        tpu.enqueue_dma source(%dma_start3A_589 : memref<5000xi32, #tpu.memory_space<hbm>>) target(%dma_start3A_588 : memref<5000xi32, #tpu.memory_space<vmem>>) target_semaphore(%arg18 : memref<!tpu.dma_semaphore, #tpu.memory_space<semaphore_mem>>)
      } else {
      }
    }
    %scan3A_67 = arith.constant 10 : i32
    %dma_wait3A_68 = arith.constant 0 : i32
    %dma_wait3A_69 = arith.constant 0 : i32
    %dma_wait3A_70 = tpu.memref_slice %arg15[%dma_wait3A_68, %dma_wait3A_69] : memref<2x5000xf32, #tpu.memory_space<vmem>> -> memref<1x5000xf32, #tpu.memory_space<vmem>>
    %dma_wait3A_71 = tpu.memref_squeeze %dma_wait3A_70 : memref<1x5000xf32, #tpu.memory_space<vmem>> -> memref<5000xf32, #tpu.memory_space<vmem>>
    %dma_wait3A_72 = arith.constant 0 : i32
    %dma_wait3A_73 = tpu.memref_slice %arg2[%dma_wait3A_72] : memref<100096xf32, #tpu.memory_space<hbm>> -> memref<5000xf32, #tpu.memory_space<hbm>>
    %dma_wait3A_74 = arith.constant 0 : i32
    %dma_wait3A_75 = tpu.memref_slice %arg15[%dma_wait3A_68, %dma_wait3A_74] : memref<2x5000xf32, #tpu.memory_space<vmem>> -> memref<1x5000xf32, #tpu.memory_space<vmem>>
    %dma_wait3A_76 = tpu.memref_squeeze %dma_wait3A_75 : memref<1x5000xf32, #tpu.memory_space<vmem>> -> memref<5000xf32, #tpu.memory_space<vmem>>
    %dma_wait3A_77 = arith.constant 0 : i32
    %dma_wait3A_78 = tpu.memref_slice %arg2[%dma_wait3A_77] : memref<100096xf32, #tpu.memory_space<hbm>> -> memref<5000xf32, #tpu.memory_space<hbm>>
    tpu.wait_dma2 semaphore(%arg23 : memref<!tpu.dma_semaphore, #tpu.memory_space<semaphore_mem>>) src(%dma_wait3A_78 : memref<5000xf32, #tpu.memory_space<hbm>>) dst(%dma_wait3A_76 : memref<5000xf32, #tpu.memory_space<vmem>>)
    %dma_wait3A_79 = arith.constant 0 : i32
    %dma_wait3A_80 = arith.constant 0 : i32
    %dma_wait3A_81 = tpu.memref_slice %arg15[%dma_wait3A_79, %dma_wait3A_80] : memref<2x5000xf32, #tpu.memory_space<vmem>> -> memref<1x5000xf32, #tpu.memory_space<vmem>>
    %dma_wait3A_82 = tpu.memref_squeeze %dma_wait3A_81 : memref<1x5000xf32, #tpu.memory_space<vmem>> -> memref<5000xf32, #tpu.memory_space<vmem>>
    %dma_wait3A_83 = arith.constant 0 : i32
    %dma_wait3A_84 = tpu.memref_slice %arg2[%dma_wait3A_83] : memref<100096xf32, #tpu.memory_space<hbm>> -> memref<5000xf32, #tpu.memory_space<hbm>>
    %dma_wait3A_85 = arith.constant 0 : i32
    %dma_wait3A_86 = tpu.memref_slice %arg15[%dma_wait3A_79, %dma_wait3A_85] : memref<2x5000xf32, #tpu.memory_space<vmem>> -> memref<1x5000xf32, #tpu.memory_space<vmem>>
    %dma_wait3A_87 = tpu.memref_squeeze %dma_wait3A_86 : memref<1x5000xf32, #tpu.memory_space<vmem>> -> memref<5000xf32, #tpu.memory_space<vmem>>
    %dma_wait3A_88 = arith.constant 0 : i32
    %dma_wait3A_89 = tpu.memref_slice %arg2[%dma_wait3A_88] : memref<100096xf32, #tpu.memory_space<hbm>> -> memref<5000xf32, #tpu.memory_space<hbm>>
    tpu.wait_dma2 semaphore(%arg23 : memref<!tpu.dma_semaphore, #tpu.memory_space<semaphore_mem>>) src(%dma_wait3A_89 : memref<5000xf32, #tpu.memory_space<hbm>>) dst(%dma_wait3A_87 : memref<5000xf32, #tpu.memory_space<vmem>>)
    %dma_wait3A_90 = arith.constant 0 : i32
    %dma_wait3A_91 = arith.constant 0 : i32
    %dma_wait3A_92 = tpu.memref_slice %arg15[%dma_wait3A_90, %dma_wait3A_91] : memref<2x5000xf32, #tpu.memory_space<vmem>> -> memref<1x5000xf32, #tpu.memory_space<vmem>>
    %dma_wait3A_93 = tpu.memref_squeeze %dma_wait3A_92 : memref<1x5000xf32, #tpu.memory_space<vmem>> -> memref<5000xf32, #tpu.memory_space<vmem>>
    %dma_wait3A_94 = arith.constant 0 : i32
    %dma_wait3A_95 = tpu.memref_slice %arg2[%dma_wait3A_94] : memref<100096xf32, #tpu.memory_space<hbm>> -> memref<5000xf32, #tpu.memory_space<hbm>>
    %dma_wait3A_96 = arith.constant 0 : i32
    %dma_wait3A_97 = tpu.memref_slice %arg15[%dma_wait3A_90, %dma_wait3A_96] : memref<2x5000xf32, #tpu.memory_space<vmem>> -> memref<1x5000xf32, #tpu.memory_space<vmem>>
    %dma_wait3A_98 = tpu.memref_squeeze %dma_wait3A_97 : memref<1x5000xf32, #tpu.memory_space<vmem>> -> memref<5000xf32, #tpu.memory_space<vmem>>
    %dma_wait3A_99 = arith.constant 0 : i32
    %dma_wait3A_100 = tpu.memref_slice %arg2[%dma_wait3A_99] : memref<100096xf32, #tpu.memory_space<hbm>> -> memref<5000xf32, #tpu.memory_space<hbm>>
    tpu.wait_dma2 semaphore(%arg24 : memref<!tpu.dma_semaphore, #tpu.memory_space<semaphore_mem>>) src(%dma_wait3A_100 : memref<5000xf32, #tpu.memory_space<hbm>>) dst(%dma_wait3A_98 : memref<5000xf32, #tpu.memory_space<vmem>>)
    %dma_wait3A_101 = arith.constant 0 : i32
    %dma_wait3A_102 = arith.constant 0 : i32
    %dma_wait3A_103 = tpu.memref_slice %arg15[%dma_wait3A_101, %dma_wait3A_102] : memref<2x5000xf32, #tpu.memory_space<vmem>> -> memref<1x5000xf32, #tpu.memory_space<vmem>>
    %dma_wait3A_104 = tpu.memref_squeeze %dma_wait3A_103 : memref<1x5000xf32, #tpu.memory_space<vmem>> -> memref<5000xf32, #tpu.memory_space<vmem>>
    %dma_wait3A_105 = arith.constant 0 : i32
    %dma_wait3A_106 = tpu.memref_slice %arg2[%dma_wait3A_105] : memref<100096xf32, #tpu.memory_space<hbm>> -> memref<5000xf32, #tpu.memory_space<hbm>>
    %dma_wait3A_107 = arith.constant 0 : i32
    %dma_wait3A_108 = tpu.memref_slice %arg15[%dma_wait3A_101, %dma_wait3A_107] : memref<2x5000xf32, #tpu.memory_space<vmem>> -> memref<1x5000xf32, #tpu.memory_space<vmem>>
    %dma_wait3A_109 = tpu.memref_squeeze %dma_wait3A_108 : memref<1x5000xf32, #tpu.memory_space<vmem>> -> memref<5000xf32, #tpu.memory_space<vmem>>
    %dma_wait3A_110 = arith.constant 0 : i32
    %dma_wait3A_111 = tpu.memref_slice %arg2[%dma_wait3A_110] : memref<100096xf32, #tpu.memory_space<hbm>> -> memref<5000xf32, #tpu.memory_space<hbm>>
    tpu.wait_dma2 semaphore(%arg24 : memref<!tpu.dma_semaphore, #tpu.memory_space<semaphore_mem>>) src(%dma_wait3A_111 : memref<5000xf32, #tpu.memory_space<hbm>>) dst(%dma_wait3A_109 : memref<5000xf32, #tpu.memory_space<vmem>>)
    %barrier3A_112 = arith.constant 0 : index
    tpu.barrier barrier_id(%barrier3A_112)
    %dma_start3A_113 = arith.constant 0 : i32
    %dma_start3A_114 = tpu.memref_slice %arg7[%arg0, %dma_start3A_113] : memref<2x100096xf32, #tpu.memory_space<hbm>> -> memref<1x100096xf32, #tpu.memory_space<hbm>>
    %dma_start3A_115 = tpu.memref_squeeze %dma_start3A_114 : memref<1x100096xf32, #tpu.memory_space<hbm>> -> memref<100096xf32, #tpu.memory_space<hbm>>
    %dma_start3A_116 = tpu.memref_slice %dma_start3A_115[%mul3A_47] : memref<100096xf32, #tpu.memory_space<hbm>> -> memref<6256xf32, #tpu.memory_space<hbm>>
    %dma_start3A_117 = tpu.memref_slice %arg11[%mul3A_47] : memref<100096xf32, #tpu.memory_space<vmem_shared>> -> memref<6256xf32, #tpu.memory_space<vmem_shared>>
    tpu.enqueue_dma source(%dma_start3A_117 : memref<6256xf32, #tpu.memory_space<vmem_shared>>) target(%dma_start3A_116 : memref<6256xf32, #tpu.memory_space<hbm>>) target_semaphore(%arg21 : memref<!tpu.dma_semaphore, #tpu.memory_space<semaphore_mem>>)
    %dma_start3A_118 = arith.constant 0 : i32
    %dma_start3A_119 = tpu.memref_slice %arg8[%arg0, %dma_start3A_118] : memref<2x100096xf32, #tpu.memory_space<hbm>> -> memref<1x100096xf32, #tpu.memory_space<hbm>>
    %dma_start3A_120 = tpu.memref_squeeze %dma_start3A_119 : memref<1x100096xf32, #tpu.memory_space<hbm>> -> memref<100096xf32, #tpu.memory_space<hbm>>
    %dma_start3A_121 = tpu.memref_slice %dma_start3A_120[%mul3A_47] : memref<100096xf32, #tpu.memory_space<hbm>> -> memref<6256xf32, #tpu.memory_space<hbm>>
    %dma_start3A_122 = tpu.memref_slice %arg12[%mul3A_47] : memref<100096xf32, #tpu.memory_space<vmem_shared>> -> memref<6256xf32, #tpu.memory_space<vmem_shared>>
    tpu.enqueue_dma source(%dma_start3A_122 : memref<6256xf32, #tpu.memory_space<vmem_shared>>) target(%dma_start3A_121 : memref<6256xf32, #tpu.memory_space<hbm>>) target_semaphore(%arg21 : memref<!tpu.dma_semaphore, #tpu.memory_space<semaphore_mem>>)
    %dma_wait3A_123 = arith.constant 0 : i32
    %dma_wait3A_124 = tpu.memref_slice %arg7[%arg0, %dma_wait3A_123] : memref<2x100096xf32, #tpu.memory_space<hbm>> -> memref<1x100096xf32, #tpu.memory_space<hbm>>
    %dma_wait3A_125 = tpu.memref_squeeze %dma_wait3A_124 : memref<1x100096xf32, #tpu.memory_space<hbm>> -> memref<100096xf32, #tpu.memory_space<hbm>>
    %dma_wait3A_126 = tpu.memref_slice %dma_wait3A_125[%mul3A_47] : memref<100096xf32, #tpu.memory_space<hbm>> -> memref<6256xf32, #tpu.memory_space<hbm>>
    %dma_wait3A_127 = tpu.memref_slice %arg11[%mul3A_47] : memref<100096xf32, #tpu.memory_space<vmem_shared>> -> memref<6256xf32, #tpu.memory_space<vmem_shared>>
    tpu.wait_dma2 semaphore(%arg21 : memref<!tpu.dma_semaphore, #tpu.memory_space<semaphore_mem>>) src(%dma_wait3A_127 : memref<6256xf32, #tpu.memory_space<vmem_shared>>) dst(%dma_wait3A_126 : memref<6256xf32, #tpu.memory_space<hbm>>)
    %dma_wait3A_128 = arith.constant 0 : i32
    %dma_wait3A_129 = tpu.memref_slice %arg7[%arg0, %dma_wait3A_128] : memref<2x100096xf32, #tpu.memory_space<hbm>> -> memref<1x100096xf32, #tpu.memory_space<hbm>>
    %dma_wait3A_130 = tpu.memref_squeeze %dma_wait3A_129 : memref<1x100096xf32, #tpu.memory_space<hbm>> -> memref<100096xf32, #tpu.memory_space<hbm>>
    %dma_wait3A_131 = tpu.memref_slice %dma_wait3A_130[%mul3A_47] : memref<100096xf32, #tpu.memory_space<hbm>> -> memref<6256xf32, #tpu.memory_space<hbm>>
    %dma_wait3A_132 = tpu.memref_slice %arg11[%mul3A_47] : memref<100096xf32, #tpu.memory_space<vmem_shared>> -> memref<6256xf32, #tpu.memory_space<vmem_shared>>
    tpu.wait_dma2 semaphore(%arg21 : memref<!tpu.dma_semaphore, #tpu.memory_space<semaphore_mem>>) src(%dma_wait3A_132 : memref<6256xf32, #tpu.memory_space<vmem_shared>>) dst(%dma_wait3A_131 : memref<6256xf32, #tpu.memory_space<hbm>>)
    return
  }
}

module attributes {stable_mosaic.version = 14 : i64} {
  func.func @_norm_body(%arg0: memref<2x100096xf32, #tpu.memory_space<vmem>>, %arg1: memref<2x100096xf32, #tpu.memory_space<vmem>>) attributes {dimension_semantics = [], scalar_prefetch = 0 : i64, scratch_operands = 0 : i64, tpu.core_type = #tpu.core_type<tc>} {
    %get3A = arith.constant 0 : index
    %get3A_0 = arith.constant 0 : index
    %get3A_1 = vector.load %arg0[%get3A, %get3A_0] : memref<2x100096xf32, #tpu.memory_space<vmem>>, vector<1x100096xf32>
    %get3A_2 = arith.constant 1 : index
    %get3A_3 = arith.constant 0 : index
    %get3A_4 = vector.load %arg0[%get3A_2, %get3A_3] : memref<2x100096xf32, #tpu.memory_space<vmem>>, vector<1x100096xf32>
    %mul3A = arith.mulf %get3A_1, %get3A_1 : vector<1x100096xf32>
    %mul3A_5 = arith.mulf %get3A_4, %get3A_4 : vector<1x100096xf32>
    %add3A = arith.addf %mul3A, %mul3A_5 : vector<1x100096xf32>
    %sqrt3A = math.sqrt %add3A : vector<1x100096xf32>
    %get3A_6 = arith.constant 0 : index
    %get3A_7 = arith.constant 0 : index
    %get3A_8 = vector.load %arg0[%get3A_6, %get3A_7] : memref<2x100096xf32, #tpu.memory_space<vmem>>, vector<2x100096xf32>
    %add3A_9 = arith.constant 1.000000e-15 : f32
    %add3A_10 = vector.broadcast %add3A_9 : f32 to vector<1x100096xf32>
    %add3A_11 = arith.addf %sqrt3A, %add3A_10 : vector<1x100096xf32>
    %div3A = vector.broadcast %add3A_11 : vector<1x100096xf32> to vector<2x100096xf32>
    %div3A_12 = arith.divf %get3A_8, %div3A : vector<2x100096xf32>
    %swap3A = arith.constant 0 : index
    %swap3A_13 = arith.constant 0 : index
    %swap3A_14 = vector.load %arg1[%swap3A, %swap3A_13] : memref<2x100096xf32, #tpu.memory_space<vmem>>, vector<2x100096xf32>
    tpu.vector_store %arg1[%swap3A, %swap3A_13], %div3A_12 {strides = array<i32>} : memref<2x100096xf32, #tpu.memory_space<vmem>>, vector<2x100096xf32>,
    return
  }
}

module attributes {stable_mosaic.version = 14 : i64} {
  func.func @_mid_body(%arg0: memref<2x100096xf32, #tpu.memory_space<vmem>>, %arg1: memref<2x100096xf32, #tpu.memory_space<vmem>>, %arg2: memref<2x2xf32, #tpu.memory_space<smem>>, %arg3: memref<2x100096xf32, #tpu.memory_space<vmem>>) attributes {dimension_semantics = [], scalar_prefetch = 0 : i64, scratch_operands = 0 : i64, tpu.core_type = #tpu.core_type<tc>} {
    %get3A = arith.constant 0 : index
    %get3A_0 = arith.constant 0 : index
    %get3A_1 = vector.load %arg0[%get3A, %get3A_0] : memref<2x100096xf32, #tpu.memory_space<vmem>>, vector<1x100096xf32>
    %get3A_2 = arith.constant 1 : index
    %get3A_3 = arith.constant 0 : index
    %get3A_4 = vector.load %arg0[%get3A_2, %get3A_3] : memref<2x100096xf32, #tpu.memory_space<vmem>>, vector<1x100096xf32>
    %add3A = arith.addf %get3A_1, %get3A_4 : vector<1x100096xf32>
    %convert_element_type3A = arith.truncf %add3A : vector<1x100096xf32> to vector<1x100096xbf16>
    %convert_element_type3A_5 = arith.extf %convert_element_type3A : vector<1x100096xbf16> to vector<1x100096xf32>
    %get3A_6 = arith.constant 0 : index
    %get3A_7 = arith.constant 0 : index
    %get3A_8 = vector.load %arg1[%get3A_6, %get3A_7] : memref<2x100096xf32, #tpu.memory_space<vmem>>, vector<1x100096xf32>
    %get3A_9 = arith.constant 1 : index
    %get3A_10 = arith.constant 0 : index
    %get3A_11 = vector.load %arg1[%get3A_9, %get3A_10] : memref<2x100096xf32, #tpu.memory_space<vmem>>, vector<1x100096xf32>
    %add3A_12 = arith.addf %get3A_8, %get3A_11 : vector<1x100096xf32>
    %convert_element_type3A_13 = arith.truncf %add3A_12 : vector<1x100096xf32> to vector<1x100096xbf16>
    %convert_element_type3A_14 = arith.extf %convert_element_type3A_13 : vector<1x100096xbf16> to vector<1x100096xf32>
    %get3A_15 = arith.constant 0 : index
    %get3A_16 = arith.constant 0 : index
    %get3A_17 = memref.load %arg2[%get3A_15, %get3A_16] : memref<2x2xf32, #tpu.memory_space<smem>>
    %mul3A = vector.broadcast %get3A_17 : f32 to vector<1x100096xf32>
    %mul3A_18 = arith.mulf %convert_element_type3A_5, %mul3A : vector<1x100096xf32>
    %get3A_19 = arith.constant 1 : index
    %get3A_20 = arith.constant 0 : index
    %get3A_21 = memref.load %arg2[%get3A_19, %get3A_20] : memref<2x2xf32, #tpu.memory_space<smem>>
    %mul3A_22 = vector.broadcast %get3A_21 : f32 to vector<1x100096xf32>
    %mul3A_23 = arith.mulf %convert_element_type3A_14, %mul3A_22 : vector<1x100096xf32>
    %add3A_24 = arith.addf %mul3A_18, %mul3A_23 : vector<1x100096xf32>
    %max3A = arith.constant 0.000000e+00 : f32
    %max3A_25 = vector.broadcast %max3A : f32 to vector<1x100096xf32>
    %max3A_26 = arith.maximumf %add3A_24, %max3A_25 : vector<1x100096xf32>
    %get3A_27 = arith.constant 0 : index
    %get3A_28 = arith.constant 1 : index
    %get3A_29 = memref.load %arg2[%get3A_27, %get3A_28] : memref<2x2xf32, #tpu.memory_space<smem>>
    %mul3A_30 = vector.broadcast %get3A_29 : f32 to vector<1x100096xf32>
    %mul3A_31 = arith.mulf %convert_element_type3A_5, %mul3A_30 : vector<1x100096xf32>
    %get3A_32 = arith.constant 1 : index
    %get3A_33 = arith.constant 1 : index
    %get3A_34 = memref.load %arg2[%get3A_32, %get3A_33] : memref<2x2xf32, #tpu.memory_space<smem>>
    %mul3A_35 = vector.broadcast %get3A_34 : f32 to vector<1x100096xf32>
    %mul3A_36 = arith.mulf %convert_element_type3A_14, %mul3A_35 : vector<1x100096xf32>
    %add3A_37 = arith.addf %mul3A_31, %mul3A_36 : vector<1x100096xf32>
    %max3A_38 = arith.constant 0.000000e+00 : f32
    %max3A_39 = vector.broadcast %max3A_38 : f32 to vector<1x100096xf32>
    %max3A_40 = arith.maximumf %add3A_37, %max3A_39 : vector<1x100096xf32>
    %mul3A_41 = arith.mulf %max3A_26, %max3A_26 : vector<1x100096xf32>
    %mul3A_42 = arith.mulf %max3A_40, %max3A_40 : vector<1x100096xf32>
    %add3A_43 = arith.addf %mul3A_41, %mul3A_42 : vector<1x100096xf32>
    %sqrt3A = math.sqrt %add3A_43 : vector<1x100096xf32>
    %add3A_44 = arith.constant 1.000000e-15 : f32
    %add3A_45 = vector.broadcast %add3A_44 : f32 to vector<1x100096xf32>
    %add3A_46 = arith.addf %sqrt3A, %add3A_45 : vector<1x100096xf32>
    %div3A = arith.divf %max3A_26, %add3A_46 : vector<1x100096xf32>
    %swap3A = arith.constant 0 : index
    %swap3A_47 = arith.constant 0 : index
    %swap3A_48 = vector.load %arg3[%swap3A, %swap3A_47] : memref<2x100096xf32, #tpu.memory_space<vmem>>, vector<1x100096xf32>
    tpu.vector_store %arg3[%swap3A, %swap3A_47], %div3A {strides = array<i32>} : memref<2x100096xf32, #tpu.memory_space<vmem>>, vector<1x100096xf32>,
    %div3A_49 = arith.divf %max3A_40, %add3A_46 : vector<1x100096xf32>
    %swap3A_50 = arith.constant 1 : index
    %swap3A_51 = arith.constant 0 : index
    %swap3A_52 = vector.load %arg3[%swap3A_50, %swap3A_51] : memref<2x100096xf32, #tpu.memory_space<vmem>>, vector<1x100096xf32>
    tpu.vector_store %arg3[%swap3A_50, %swap3A_51], %div3A_49 {strides = array<i32>} : memref<2x100096xf32, #tpu.memory_space<vmem>>, vector<1x100096xf32>,
    return
  }
}

module attributes {stable_mosaic.version = 14 : i64} {
  func.func @_post_body(%arg0: memref<2x100096xf32, #tpu.memory_space<vmem>>, %arg1: memref<2x100096xf32, #tpu.memory_space<vmem>>, %arg2: memref<2x2xf32, #tpu.memory_space<smem>>, %arg3: memref<2xf32, #tpu.memory_space<smem>>, %arg4: memref<1x100096xf32, #tpu.memory_space<vmem>>) attributes {dimension_semantics = [], scalar_prefetch = 0 : i64, scratch_operands = 0 : i64, tpu.core_type = #tpu.core_type<tc>} {
    %get3A = arith.constant 0 : index
    %get3A_0 = arith.constant 0 : index
    %get3A_1 = vector.load %arg0[%get3A, %get3A_0] : memref<2x100096xf32, #tpu.memory_space<vmem>>, vector<1x100096xf32>
    %get3A_2 = arith.constant 1 : index
    %get3A_3 = arith.constant 0 : index
    %get3A_4 = vector.load %arg0[%get3A_2, %get3A_3] : memref<2x100096xf32, #tpu.memory_space<vmem>>, vector<1x100096xf32>
    %add3A = arith.addf %get3A_1, %get3A_4 : vector<1x100096xf32>
    %convert_element_type3A = arith.truncf %add3A : vector<1x100096xf32> to vector<1x100096xbf16>
    %convert_element_type3A_5 = arith.extf %convert_element_type3A : vector<1x100096xbf16> to vector<1x100096xf32>
    %get3A_6 = arith.constant 0 : index
    %get3A_7 = arith.constant 0 : index
    %get3A_8 = vector.load %arg1[%get3A_6, %get3A_7] : memref<2x100096xf32, #tpu.memory_space<vmem>>, vector<1x100096xf32>
    %get3A_9 = arith.constant 1 : index
    %get3A_10 = arith.constant 0 : index
    %get3A_11 = vector.load %arg1[%get3A_9, %get3A_10] : memref<2x100096xf32, #tpu.memory_space<vmem>>, vector<1x100096xf32>
    %add3A_12 = arith.addf %get3A_8, %get3A_11 : vector<1x100096xf32>
    %convert_element_type3A_13 = arith.truncf %add3A_12 : vector<1x100096xf32> to vector<1x100096xbf16>
    %convert_element_type3A_14 = arith.extf %convert_element_type3A_13 : vector<1x100096xbf16> to vector<1x100096xf32>
    %get3A_15 = arith.constant 0 : index
    %get3A_16 = arith.constant 0 : index
    %get3A_17 = memref.load %arg2[%get3A_15, %get3A_16] : memref<2x2xf32, #tpu.memory_space<smem>>
    %mul3A = vector.broadcast %get3A_17 : f32 to vector<1x100096xf32>
    %mul3A_18 = arith.mulf %convert_element_type3A_5, %mul3A : vector<1x100096xf32>
    %get3A_19 = arith.constant 1 : index
    %get3A_20 = arith.constant 0 : index
    %get3A_21 = memref.load %arg2[%get3A_19, %get3A_20] : memref<2x2xf32, #tpu.memory_space<smem>>
    %mul3A_22 = vector.broadcast %get3A_21 : f32 to vector<1x100096xf32>
    %mul3A_23 = arith.mulf %convert_element_type3A_14, %mul3A_22 : vector<1x100096xf32>
    %add3A_24 = arith.addf %mul3A_18, %mul3A_23 : vector<1x100096xf32>
    %max3A = arith.constant 0.000000e+00 : f32
    %max3A_25 = vector.broadcast %max3A : f32 to vector<1x100096xf32>
    %max3A_26 = arith.maximumf %add3A_24, %max3A_25 : vector<1x100096xf32>
    %get3A_27 = arith.constant 0 : index
    %get3A_28 = arith.constant 1 : index
    %get3A_29 = memref.load %arg2[%get3A_27, %get3A_28] : memref<2x2xf32, #tpu.memory_space<smem>>
    %mul3A_30 = vector.broadcast %get3A_29 : f32 to vector<1x100096xf32>
    %mul3A_31 = arith.mulf %convert_element_type3A_5, %mul3A_30 : vector<1x100096xf32>
    %get3A_32 = arith.constant 1 : index
    %get3A_33 = arith.constant 1 : index
    %get3A_34 = memref.load %arg2[%get3A_32, %get3A_33] : memref<2x2xf32, #tpu.memory_space<smem>>
    %mul3A_35 = vector.broadcast %get3A_34 : f32 to vector<1x100096xf32>
    %mul3A_36 = arith.mulf %convert_element_type3A_14, %mul3A_35 : vector<1x100096xf32>
    %add3A_37 = arith.addf %mul3A_31, %mul3A_36 : vector<1x100096xf32>
    %max3A_38 = arith.constant 0.000000e+00 : f32
    %max3A_39 = vector.broadcast %max3A_38 : f32 to vector<1x100096xf32>
    %max3A_40 = arith.maximumf %add3A_37, %max3A_39 : vector<1x100096xf32>
    %convert_element_type3A_41 = arith.truncf %max3A_26 : vector<1x100096xf32> to vector<1x100096xbf16>
    %convert_element_type3A_42 = arith.extf %convert_element_type3A_41 : vector<1x100096xbf16> to vector<1x100096xf32>
    %get3A_43 = arith.constant 0 : index
    %get3A_44 = memref.load %arg3[%get3A_43] : memref<2xf32, #tpu.memory_space<smem>>
    %mul3A_45 = vector.broadcast %get3A_44 : f32 to vector<1x100096xf32>
    %mul3A_46 = arith.mulf %convert_element_type3A_42, %mul3A_45 : vector<1x100096xf32>
    %convert_element_type3A_47 = arith.truncf %max3A_40 : vector<1x100096xf32> to vector<1x100096xbf16>
    %convert_element_type3A_48 = arith.extf %convert_element_type3A_47 : vector<1x100096xbf16> to vector<1x100096xf32>
    %get3A_49 = arith.constant 1 : index
    %get3A_50 = memref.load %arg3[%get3A_49] : memref<2xf32, #tpu.memory_space<smem>>
    %mul3A_51 = vector.broadcast %get3A_50 : f32 to vector<1x100096xf32>
    %mul3A_52 = arith.mulf %convert_element_type3A_48, %mul3A_51 : vector<1x100096xf32>
    %add3A_53 = arith.addf %mul3A_46, %mul3A_52 : vector<1x100096xf32>
    %logistic3A = arith.negf %add3A_53 : vector<1x100096xf32>
    %logistic3A_54 = math.exp %logistic3A : vector<1x100096xf32>
    %logistic3A_55 = arith.constant 1.000000e+00 : f32
    %logistic3A_56 = vector.broadcast %logistic3A_55 : f32 to vector<1x100096xf32>
    %logistic3A_57 = arith.addf %logistic3A_56, %logistic3A_54 : vector<1x100096xf32>
    %logistic3A_58 = arith.divf %logistic3A_56, %logistic3A_57 : vector<1x100096xf32>
    %swap3A = arith.constant 0 : index
    %swap3A_59 = arith.constant 0 : index
    %swap3A_60 = vector.load %arg4[%swap3A, %swap3A_59] : memref<1x100096xf32, #tpu.memory_space<vmem>>, vector<1x100096xf32>
    tpu.vector_store %arg4[%swap3A, %swap3A_59], %logistic3A_58 {strides = array<i32>} : memref<1x100096xf32, #tpu.memory_space<vmem>>, vector<1x100096xf32>,
    return
  }
}

</mosaic_0001>

<sc_bundles>
// kernel: kernel.10.cloned.1.call-start
scs
__scs_entry_jumppad:
0x0: {  	(pc) =	sbr.rel $0x88, $3  }
0x1: {  	(tag) =	ssettag $0x0;
	lr =	simm.s32 $0x1  }
0x2: {  	[smem:$0x3F9C] =	sst lr;
	_ =	strace $0xD0000000  }
0x3: {  	_ = 	snop  }
0x4: {  	_ = 	snop  }
0x5: {  	_ = 	snop  }
0x6: {  	_ = 	snop  }
0x7: {  	_ = 	snop  }
__scs_overlays_trampoline_lowered:
0x8: {  	[smem:$0x3FAB] =	sst s0  }
0x9: {  	[smem:$0x3FAC] =	sst s1  }
0xa: {  	[smem:$0x3FAD] =	sst s2  }
0xb: {  	[smem:$0x3FAE] =	sst s3  }
0xc: {  	[smem:$0x3FAF] =	sst s4  }
0xd: {  	[smem:$0x3FB0] =	sst s5  }
0xe: {  	[smem:$0x3FB1] =	sst s6  }
0xf: {  	[smem:$0x3FB2] =	sst s7  }
0x10: {  	[smem:$0x3FB3] =	sst s8  }
0x11: {  	[smem:$0x3FB4] =	sst s9;
	s0 =	simm.s32 @!p0 $0x0  }
0x12: {  	s1 =	sld [smem:$0x3F9A];
	s0 =	simm.s32 @p0 $0x1  }
0x13: {  	[smem:$0x3FB5] =	sst s0;
	s0 =	simm.s32 @!p1 $0x0  }
0x14: {  	s2 =	sld [smem:$0x3F99];
	s0 =	simm.s32 @p1 $0x1  }
0x15: {  	[smem:$0x3FB6] =	sst s0;
	s0 =	simm.s32 @!p2 $0x0  }
0x16: {  	s3 =	sld [smem:$0x3FDB];
	s0 =	simm.s32 @p2 $0x1  }
0x17: {  	s4 =	simm.s32 $0x1BF5;
	[smem:$0x3FB8] =	sst s0  }
0x18: {  	s0 =	sld [smem:$0x3F9B];
	_ =	swait.ge [sflag:s4], $0x0  }
0x19: {  	s7 =	sld [smem:$0x3F9C]  }
0x1a: {  	s8 =	sadd.s32 $0xFFFFE003, lr  }
0x1b: {  	s9 =	sadd.s32 $0xFFFFFEF7, lr;
	s5 =	simm.s32 $0xFFFFFFFF;
	p2 =	slt.u32 s8, $0xFFFFF086  }
0x1c: {  	p1 =	slt.u32 s9, $0xF7A;
	s5 =	simm.s32 @!p2 $0x0  }
0x1d: {  	s5 =	simm.s32 @p1 $0x1;
	p0 =	seq.s32 s7, s2  }
0x1e: {  	s7 =	smul.u32 @!p0 $0xF7A, s2;
	p2 =	seq.s32 @!p0 s5, $0x0  }
0x1f: {  	s9 =	smul.u32 $0xF7A, s1;
	s8 =	simm.s32 @!p0 $0x1BF5;
	p2 =	por !p2, p0  }
0x20: {  	[sflag:s8] =	ssyncset.s32 @!p0 $0xFFFFF086;
	s6 =	sadd.s32 @!p0 s3, s7;
	s7 =	simm.s32 @!p0 $0x108  }
0x21: {  	s3 =	sadd.s32 s3, s9;
	s6 =	sadd.s32 @!p0 $0x88, s6;
	s7 =	simm.s32 @p2 $0x1082  }
0x22: {  	[simem:s7], [sflag:s8] =	dma.local @!p0 [hbm:s6], $0xF7A  }
0x23: {  	s9 =	sor.u32 $0xD0000000, s2;
	s6 =	simm.s32 $0x108;
	_ =	swait.ge @!p0 [sflag:s8], $0x0  }
0x24: {  	s3 =	sadd.s32 $0x88, s3;
	s6 =	simm.s32 @!p1 $0x1082;
	[sflag:s4] =	ssyncset.s32 $0xFFFFF086  }
0x25: {  	[simem:s6], [sflag:s4] =	dma.local [hbm:s3], $0xF7A  }
0x26: {  	[smem:$0x3F9C] =	sst s1;
	(tag) =	ssettag s2;
	_ =	strace s9  }
0x27: {  	s1 =	sld [smem:$0x3FAC]  }
0x28: {  	s2 =	sld [smem:$0x3FAD]  }
0x29: {  	s4 =	sld [smem:$0x3FAF]  }
0x2a: {  	p0 =	seq.s32 s5, $0x0;
	s5 =	sld [smem:$0x3FB0]  }
0x2b: {  	s6 =	sld [smem:$0x3FB1]  }
0x2c: {  	s7 =	sld [smem:$0x3FB2]  }
0x2d: {  	s3 =	simm.s32 $0x108;
	s8 =	sld [smem:$0x3FB3]  }
0x2e: {  	s3 =	simm.s32 @!p0 $0x1082;
	s9 =	sld [smem:$0x3FB4]  }
0x2f: {  	lr =	sadd.s32 s0, s3;
	s0 =	sld [smem:$0x3FAB]  }
0x30: {  	s3 =	sld [smem:$0x3FAE]  }
0x31: {  	[smem:$0x3FB7] =	sst s10  }
0x32: {  	s10 =	sld [smem:$0x3FB5];
	_ =	sdelay $0x3  }
0x33: {  	p0 =	seq.s32 s10, $0x1;
	s10 =	sld [smem:$0x3FB7];
	_ =	sdelay $0x3  }
0x34: {  	[smem:$0x3FB7] =	sst s10  }
0x35: {  	s10 =	sld [smem:$0x3FB6];
	_ =	sdelay $0x3  }
0x36: {  	p1 =	seq.s32 s10, $0x1;
	s10 =	sld [smem:$0x3FB7];
	_ =	sdelay $0x3  }
0x37: {  	[smem:$0x3FB7] =	sst s10  }
0x38: {  	s10 =	sld [smem:$0x3FB8]  }
0x39: {  	_ = 	snop;
	(pc) =	sbr.ind lr, $3  }
0x3a: {  	_ = 	snop  }
0x3b: {  	_ = 	snop  }
0x3c: {  	p2 =	seq.s32 s10, $0x1;
	s10 =	sld [smem:$0x3FB7]  }
0x3d: {  	_ =	shalt  }
0x3e: {  	_ =	shalt  }
0x3f: {  	_ =	shalt  }
0x40: {  	_ =	shalt  }
0x41: {  	_ =	shalt  }
0x42: {  	_ =	shalt  }
0x43: {  	_ =	shalt  }
0x44: {  	_ =	shalt  }
0x45: {  	_ =	shalt  }
0x46: {  	_ =	shalt  }
0x47: {  	_ =	shalt  }
0x48: {  	_ =	shalt  }
0x49: {  	_ =	shalt  }
0x4a: {  	_ =	shalt  }
0x4b: {  	_ =	shalt  }
0x4c: {  	_ =	shalt  }
0x4d: {  	_ =	shalt  }
0x4e: {  	_ =	shalt  }
0x4f: {  	_ =	shalt  }
0x50: {  	_ =	shalt  }
0x51: {  	_ =	shalt  }
0x52: {  	_ =	shalt  }
0x53: {  	_ =	shalt  }
0x54: {  	_ =	shalt  }
0x55: {  	_ =	shalt  }
0x56: {  	_ =	shalt  }
0x57: {  	_ =	shalt  }
0x58: {  	_ =	shalt  }
0x59: {  	_ =	shalt  }
0x5a: {  	_ =	shalt  }
0x5b: {  	_ =	shalt  }
0x5c: {  	_ =	shalt  }
0x5d: {  	_ =	shalt  }
0x5e: {  	_ =	shalt  }
0x5f: {  	_ =	shalt  }
0x60: {  	_ =	shalt  }
0x61: {  	_ =	shalt  }
0x62: {  	_ =	shalt  }
0x63: {  	_ =	shalt  }
0x64: {  	_ =	shalt  }
0x65: {  	_ =	shalt  }
0x66: {  	_ =	shalt  }
0x67: {  	_ =	shalt  }
0x68: {  	_ =	shalt  }
0x69: {  	_ =	shalt  }
0x6a: {  	_ =	shalt  }
0x6b: {  	_ =	shalt  }
0x6c: {  	_ =	shalt  }
0x6d: {  	_ =	shalt  }
0x6e: {  	_ =	shalt  }
0x6f: {  	_ =	shalt  }
0x70: {  	_ =	shalt  }
0x71: {  	_ =	shalt  }
0x72: {  	_ =	shalt  }
0x73: {  	_ =	shalt  }
0x74: {  	_ =	shalt  }
0x75: {  	_ =	shalt  }
0x76: {  	_ =	shalt  }
0x77: {  	_ =	shalt  }
0x78: {  	_ =	shalt  }
0x79: {  	_ =	shalt  }
0x7a: {  	_ =	shalt  }
0x7b: {  	_ =	shalt  }
0x7c: {  	_ =	shalt  }
0x7d: {  	_ =	shalt  }
0x7e: {  	_ =	shalt  }
0x7f: {  	_ =	shalt  }
0x80: {  	_ =	shalt  }
0x81: {  	_ =	shalt  }
0x82: {  	_ =	shalt  }
0x83: {  	_ =	shalt  }
0x84: {  	_ =	shalt  }
0x85: {  	_ =	shalt  }
0x86: {  	_ =	shalt  }
0x87: {  	_ =	shalt  }
.Lfunc_end0:
.L_simem_size_0:
called_computation.1_lowered:
.L_overlay_start_0:
0x88: {  	s2 =	sld [smem:$0x3FD9]  }
0x89: {  	s3 =	sld [smem:$0x3FFE];
	_ =	sdelay $0x1  }
0x8a: {  	s1 =	srdreg.scid  }
0x8b: {  	s0 =	sand.u32 $0x1, s1  }
0x8c: {  	s17 =	sshll.u32 s0, $0xA;
	s2 =	sadd.s32 s3, s2  }
0x8d: {  	s2 =	sadd.s32 s2, s17  }
0x8e: {  	[smem:$0x3FC3] =	sst s2  }
0x8f: {  	_ = 	snop  }
0x90: {  	s2 =	sld [smem:$0x3FD0];
	(tm) =	ssettm $0x1  }
0x91: {  	s18 =	sld [smem:$0x3FFB];
	_ =	sdelay $0x3  }
0x92: {  	_ =	strace s18  }
0x93: {  	s3 =	sld [smem:$0x3FFC];
	_ =	sdelay $0x3  }
0x94: {  	_ =	strace s3  }
0x95: {  	s3 =	sld [smem:$0x3FFD];
	_ =	sdelay $0x3  }
0x96: {  	_ =	strace s3  }
0x97: {  	_ =	strace $0x8FFFFFFF  }
0x98: {  	s19 =	sld [smem:$0x3FDB];
	_ =	sdelay $0x1  }
0x99: {  	s4 =	simm.s32 $_scs_section_size  }
0x9a: {  	s5 =	simm.s32 $_size__tile_overlayer_lowered;
	s6 =	simm.s32 $_tile_overlayer_lowered  }
0x9b: {  	s22 =	simm.s32 $0x1BFF;
	s21 =	sshll.u32 s6, $0x1;
	s3 =	sadd.s32 s4, s19  }
0x9c: {  	s7 =	simm.s32 $0x0;
	s20 =	sshll.u32 s5, $0x1;
	s5 =	sadd.s32 s21, s3  }
0x9d: {  	[timem:s7], [sflag:s22] =	dma.local [hbm:s5], s20  }
0x9e: {  	_ =	swait.ge [sflag:s22], s20  }
0x9f: {  	s4 =	ssub.s32 $0x0, s20;
	[sflag:s22] =	ssyncset.done $0x0  }
0xa0: {  	[sflag:s22] =	ssyncadd.s32 s4;
	_ =	sdelay $0x1  }
0xa1: {  	s23 =	simm.s32 $0x1B8B  }
0xa2: {  	_ =	swait.ge [sflag:s23], $0x1  }
0xa3: {  	[sflag:s23] =	ssyncset.done $0x0  }
0xa4: {  	s25 =	simm.s32 $0x1B8E;
	s24 =	sld [smem:$0x3FFE];
	[sflag:s23] =	ssyncadd.s32 $0xFFFFFFFF  }
0xa5: {  	s26 =	simm.s32 $execute0_lowered;
	[smem:$0x3FD2] =	sst s25  }
0xa6: {  	s5 =	sshll.u32 s26, $0x1;
	_ =	strace $0x80000049;
	[dreg:$0x1] =	wrdreg $0xFFFFFFFF  }
0xa7: {  	s28 =	simm.s32 $_size_execute0_lowered;
	s3 =	sadd.s32 s3, s5;
	[dreg:$0x0] =	wrdreg $0x0  }
0xa8: {  	s5 =	sshll.u32 s28, $0x1;
	[dreg:$0x2] =	wrdreg s3  }
0xa9: {  	[dreg:$0x3] =	wrdreg s5  }
0xaa: {  	[dreg:$0x4] =	wrdreg $0xC0  }
0xab: {  	_ =	task [dreg:s7], $0x5FFFF  }
0xac: {  	[dreg:$0x1] =	wrdreg $0xFFFFFFFF  }
0xad: {  	[dreg:$0x0] =	wrdreg $0x60  }
0xae: {  	[dreg:$0x2] =	wrdreg s24  }
0xaf: {  	[dreg:$0x3] =	wrdreg s2  }
0xb0: {  	[dreg:$0x4] =	wrdreg $0x0  }
0xb1: {  	[dreg:$0x5] =	wrdreg $0x18700  }
0xb2: {  	[dreg:$0x6] =	wrdreg $0x30E00  }
0xb3: {  	[dreg:$0x7] =	wrdreg $0x49500  }
0xb4: {  	[dreg:$0x8] =	wrdreg $0x9  }
0xb5: {  	_ =	task.clear_ibuf [dreg:s7], $0x9FFFF;
	_ =	strace $0x90000049  }
0xb6: {  	s29 =	simm.s32 $0x9;
	_ =	strace $0x8000004B  }
0xb7: {  	_ =	swait.ge [sflag:s29], $0x1  }
0xb8: {  	[sflag:s29] =	ssyncadd.s32 $0xFFFFFFFF  }
0xb9: {  	_ =	strace $0x9000004B  }
0xba: {  	_ =	sfence  }
0xbb: {  	s30 =	sld [smem:$0x0];
	_ =	sdelay $0x2  }
0xbc: {  	s31 =	sshll.u32 s1, $0xD;
	s1 =	sshrl.u32 s1, $0x2  }
0xbd: {  	s3 =	sand.u32 $0x4000, s31;
	s1 =	sadd.s32 s1, s30  }
0xbe: {  	s0 =	sor.u32 s3, s0;
	s1 =	sshll.u32 s1, $0x11  }
0xbf: {  	s0 =	sor.u32 s1, s0  }
0xc0: {  	s0 =	sadd.s32 $0x8F2B, s0  }
0xc1: {  	[sflag:s0] =	ssyncadd.remote.s32 $0x1  }
0xc2: {  	_ =	sfence.sel $0xFFFF  }
0xc3: {  	[dreg:$0x0] =	wrdreg $0xFFFFFFFF;
	(pc) =	sbr.abs _section_cstart, $3  }
0xc4: {  	[dreg:$0x1] =	wrdreg $0xFFFFFFFF  }
0xc5: {  	_ =	task.clear_ibuf [dreg:s7], $0x2FFFF;
	_ =	strace $0x9FFFFFFF  }
0xc6: {  	(tm) =	ssettm $0x7FFFFFFF  }
0xc7: {  	_ =	shalt  }
tec
execute0_lowered:
.L_overlay_start_1:
0x0: {  	(tag) =	ssettag $0x1  }
0x1: {  	s0 =	rddreg [dreg:$0x0]  }
0x2: {  	s5 =	rddreg [dreg:$0x1]  }
0x3: {  	s1 =	rddreg [dreg:$0x2]  }
0x4: {  	s2 =	rddreg [dreg:$0x3]  }
0x5: {  	s3 =	rddreg [dreg:$0x4]  }
0x6: {  	s4 =	rddreg [dreg:$0x5];
	s6 =	simm.s32 $0x0  }
0x7: {  	s7 =	srdreg.scid;
	s14 =	stileid.u32;
	s29 =	simm.s32 $0x6  }
0x8: {  	s30 =	simm.s32 $0x9C58;
	s31 =	simm.s32 $0xEA78;
	[smem:$0x7FF] =	sst s6  }
0x9: {  	s7 =	sand.u32 $0x1, s7;
	s8 =	sshll.u32 s14, $0x1;
	s12 =	smul.u32 $0x1870, s14  }
0xa: {  	s15 =	sadd.s32 $0xC6800, s0;
	s25 =	sshll.u32 s14, $0x6;
	s14 =	smul.u32 $0x61A80, s14  }
0xb: {  	s16 =	sadd.s32 $0x3200, s0;
	_ =	strace $0x8000004A;
	s9 =	smul.u32 $0x30E0, s7  }
0xc: {  	s10 =	ssub.s32 $0x2, s7;
	s8 =	sor.u32 s7, s8;
	[dreg:$0x8] =	wrdreg s16  }
0xd: {  	s26 =	smul.u32 $0x30D40, s7;
	[dreg:$0x7] =	wrdreg s15;
	s7 =	simm.s32 $0x7  }
0xe: {  	s11 =	sshrl.u32 s10, $0x1;
	s8 =	smul.u32 $0x30D40, s8;
	s24 =	sshrl.u32 s12, $0x3  }
0xf: {  	s28 =	sadd.s32 s12, s2;
	s2 =	sadd.s32 s12, s4;
	s9 =	sadd.s32 s9, s0  }
0x10: {  	s17 =	sadd.s32 s0, s24;
	s5 =	sadd.s32 s5, s24;
	[dreg:$0x11] =	wrdreg s2  }
0x11: {  	s0 =	sadd.s32 s26, s14;
	s26 =	sshrl.u32 s28, $0x3;
	[dreg:$0xf] =	wrdreg s5  }
0x12: {  	s10 =	ssub.s32 s10, s11;
	s22 =	sshrl.u32 s8, $0x3;
	[dreg:$0x1d] =	wrdreg s26  }
0x13: {  	s8 =	sadd.s32 $0x1388, s8;
	s10 =	smax.u32 s10, $0x1;
	[dreg:$0xd] =	wrdreg s17  }
0x14: {  	s20 =	sadd.s32 $0x3A98, s0;
	s21 =	sadd.s32 $0x4E20, s0;
	[dreg:$0x12] =	wrdreg s10  }
0x15: {  	s28 =	sadd.s32 $0x189E00, s17;
	s26 =	simm.s32 $0x7548;
	[dreg:$0x17] =	wrdreg s21  }
0x16: {  	s17 =	simm.s32 $0x12510;
	s13 =	sadd.s32 s15, s22;
	[dreg:$0x1e] =	wrdreg s28  }
0x17: {  	s11 =	sadd.s32 s16, s22;
	s8 =	sshrl.u32 s8, $0x3;
	[dreg:$0x9] =	wrdreg s13  }
0x18: {  	s22 =	sor.u32 $0x1C05, s25;
	s21 =	simm.s32 $0x8;
	[dreg:$0xa] =	wrdreg s11  }
0x19: {  	s23 =	sadd.s32 s15, s8;
	s8 =	sadd.s32 s16, s8;
	[dreg:$0xe] =	wrdreg s22  }
0x1a: {  	s13 =	sadd.s32 $0x61A8, s0;
	s0 =	sadd.s32 $0x2710, s0;
	[dreg:$0xb] =	wrdreg s23  }
0x1b: {  	s11 =	simm.s32 $0x5;
	[dreg:$0xc] =	wrdreg s8;
	s8 =	sadd.s32 s12, s1  }
0x1c: {  	s1 =	sadd.s32 s12, s3;
	s12 =	sadd.s32 $0x18D000, s9;
	s9 =	sadd.s32 $0x193200, s9  }
0x1d: {  	s10 =	sshrl.u32 s13, $0x3;
	[dreg:$0x10] =	wrdreg s1;
	s5 =	sadd.s32 s24, s12  }
0x1e: {  	s0 =	sshrl.u32 s0, $0x3;
	s14 =	sadd.s32 s24, s9;
	[dreg:$0x13] =	wrdreg s5  }
0x1f: {  	s18 =	sadd.s32 s10, s16;
	s19 =	sadd.s32 s10, s15;
	[dreg:$0x14] =	wrdreg s14  }
0x20: {  	s24 =	sadd.s32 s0, s16;
	s0 =	sadd.s32 s0, s15;
	[dreg:$0x15] =	wrdreg s18  }
0x21: {  	s25 =	sshrl.u32 s8, $0x3;
	s9 =	simm.s32 $0xAFE0;
	[dreg:$0x16] =	wrdreg s19  }
0x22: {  	s10 =	simm.s32 $0xC368;
	s12 =	simm.s32 $0x1;
	[dreg:$0x1a] =	wrdreg s24  }
0x23: {  	s8 =	simm.s32 $0x4;
	s1 =	simm.s32 $0x0;
	[dreg:$0x1b] =	wrdreg s0  }
.Ltmp0:
0x24: {  	s5 =	sshrl.u32 s20, $0x3;
	[dreg:$0x1c] =	wrdreg s25;
	(pc) =	sbr.rel .LBB2_1-.Ltmp0, $4  }
0x25: {  	s18 =	simm.s32 $0xD6F0;
	s19 =	simm.s32 $0x2;
	s20 =	simm.s32 $0x11188  }
0x26: {  	s14 =	simm.s32 $0x3;
	s23 =	sadd.s32 s5, s16;
	s5 =	sadd.s32 s5, s15  }
0x27: {  	s15 =	simm.s32 $0x1388;
	s16 =	simm.s32 $0xFE00;
	[dreg:$0x18] =	wrdreg s23  }
0x28: {  	[dreg:$0x19] =	wrdreg s5;
	s5 =	simm.s32 $0x61C0;
	s23 =	simm.s32 $0x13898  }
.LBB2_4:
0x29: {  	_ =	swait.ge [sflag:s7], $0x1388  }
0x2a: {  	[sflag:s7] =	ssyncset.done $0x0  }
0x2b: {  	[sflag:s7] =	ssyncadd.s32 $0xFFFFEC78  }
0x2c: {  	_ =	swait.ge [sflag:s7], $0x1388  }
0x2d: {  	[sflag:s7] =	ssyncset.done $0x0  }
0x2e: {  	[sflag:s7] =	ssyncadd.s32 $0xFFFFEC78  }
0x2f: {  	_ =	swait.ge [sflag:s21], $0x1388  }
0x30: {  	[sflag:s21] =	ssyncset.done $0x0  }
0x31: {  	[sflag:s21] =	ssyncadd.s32 $0xFFFFEC78  }
0x32: {  	_ =	swait.ge [sflag:s21], $0x1388  }
0x33: {  	[sflag:s21] =	ssyncset.done $0x0  }
0x34: {  	[sflag:s21] =	ssyncadd.s32 $0xFFFFEC78  }
0x35: {  	[bflag:$0x0] =	sbarrier.arrive $0xFFFF  }
0x36: {  	s1 =	sld [smem:$0x7FC]  }
0x37: {  	s22 =	rddreg [dreg:$0xe]  }
0x38: {  	s0 =	rddreg [dreg:$0x13]  }
0x39: {  	[hbm:s0], [sflag:s22] =	dma.local [spmem:s1], $0x30E  }
0x3a: {  	s1 =	sld [smem:$0x7FD];
	_ =	sdelay $0x1  }
0x3b: {  	s0 =	rddreg [dreg:$0x14]  }
0x3c: {  	[hbm:s0], [sflag:s22] =	dma.local [spmem:s1], $0x30E  }
0x3d: {  	_ =	swait.ge [sflag:s11], $0x30E  }
0x3e: {  	[sflag:s11] =	ssyncset.done $0x0  }
0x3f: {  	[sflag:s11] =	ssyncadd.s32 $0xFFFFFCF2  }
0x40: {  	_ =	swait.ge [sflag:s11], $0x30E  }
0x41: {  	s26 =	rddreg [dreg:$0x1f]  }
0x42: {  	s28 =	rddreg [dreg:$0x12];
	s1 =	sadd.s32 $0x1, s26  }
0x43: {  	p0 =	sne.s32 s1, s28  }
.Ltmp1:
0x44: {  	_ = 	snop;
	(pc) =	sbr.rel @!p0 .LBB2_5-.Ltmp1, $3  }
0x45: {  	_ =	sdelay $0x1  }
0x46: {  	[sflag:s11] =	ssyncset.done $0x0  }
0x47: {  	s10 =	simm.s32 $0xC368;
	[sflag:s11] =	ssyncadd.s32 $0xFFFFFCF2;
	s26 =	simm.s32 $0x7548  }
.LBB2_1:
0x48: {  	[dreg:$0x1f] =	wrdreg s1  }
0x49: {  	s0 =	rddreg [dreg:$0x9]  }
0x4a: {  	s13 =	rddreg [dreg:$0xa]  }
0x4b: {  	s24 =	rddreg [dreg:$0xb]  }
0x4c: {  	[tilespmem:s5], [sflag:$0x1] =	stream.linear.gather [hbm4b:s0+s6], $0x1388, $0x38;
	[tilespmem:$0x14C20] =	vst v63  }
0x4d: {  	s25 =	rddreg [dreg:$0xc]  }
0x4e: {  	[tilespmem:s9], [sflag:$0x1] =	stream.linear.gather [hbm4b:s13+s6], $0x1388, $0x38;
	[tilespmem:$0x14C20] =	vst v63  }
0x4f: {  	s28 =	rddreg [dreg:$0xd]  }
0x50: {  	[tilespmem:s26], [sflag:$0x2] =	stream.linear.gather [hbm4b:s24+s6], $0x1388, $0x38;
	[tilespmem:$0x14C20] =	vst v63  }
0x51: {  	s24 =	rddreg [dreg:$0x1c]  }
0x52: {  	[tilespmem:s10], [sflag:$0x2] =	stream.linear.gather [hbm4b:s25+s6], $0x1388, $0x38;
	[tilespmem:$0x14C20] =	vst v63  }
0x53: {  	[spmem:s24], [sflag:s22] =	dma.local [hbm:s28], $0x30E  }
0x54: {  	s0 =	rddreg [dreg:$0xf]  }
0x55: {  	s24 =	rddreg [dreg:$0x1d]  }
0x56: {  	[spmem:s24], [sflag:s22] =	dma.local [hbm:s0], $0x30E  }
0x57: {  	s0 =	rddreg [dreg:$0x10]  }
0x58: {  	s24 =	rddreg [dreg:$0x1e];
	s0 =	sshrl.u32 s0, $0x3  }
0x59: {  	[smem:$0x7FC] =	sst s0  }
0x5a: {  	[spmem:s0], [sflag:s22] =	dma.local [hbm:s24], $0x30E  }
0x5b: {  	s0 =	rddreg [dreg:$0x11]  }
0x5c: {  	s0 =	sshrl.u32 s0, $0x3  }
0x5d: {  	[smem:$0x7FD] =	sst s0  }
0x5e: {  	[spmem:s0], [sflag:s22] =	dma.local [hbm:s24], $0x30E  }
0x5f: {  	_ =	swait.ge [sflag:s11], $0x30E  }
0x60: {  	[sflag:s11] =	ssyncset.done $0x0  }
0x61: {  	[sflag:s11] =	ssyncadd.s32 $0xFFFFFCF2  }
0x62: {  	_ =	swait.ge [sflag:s11], $0x30E  }
0x63: {  	[sflag:s11] =	ssyncset.done $0x0  }
0x64: {  	[sflag:s11] =	ssyncadd.s32 $0xFFFFFCF2  }
0x65: {  	_ =	swait.ge [sflag:s11], $0x30E  }
0x66: {  	[sflag:s11] =	ssyncset.done $0x0  }
0x67: {  	[sflag:s11] =	ssyncadd.s32 $0xFFFFFCF2  }
0x68: {  	_ =	swait.ge [sflag:s11], $0x30E  }
0x69: {  	[sflag:s11] =	ssyncset.done $0x0  }
0x6a: {  	[sflag:s11] =	ssyncadd.s32 $0xFFFFFCF2  }
0x6b: {  	[bflag:$0x0] =	sbarrier.arrive $0xFFFF  }
0x6c: {  	s24 =	simm.s32 $0x0;
	s22 =	rddreg [dreg:$0x17]  }
.LBB2_2:
0x6d: {  	_ =	swait.ge [sflag:s12], $0x1388  }
0x6e: {  	[sflag:s12] =	ssyncset.done $0x0  }
0x6f: {  	[sflag:s12] =	ssyncadd.s32 $0xFFFFEC78  }
0x70: {  	_ =	swait.ge [sflag:s12], $0x1388  }
0x71: {  	p0 =	seq.s32 s24, $0x0;
	[sflag:s12] =	ssyncset.done $0x0  }
0x72: {  	s25 =	simm.s32 @!p0 $0x7;
	[sflag:s12] =	ssyncadd.s32 $0xFFFFEC78  }
0x73: {  	_ =	swait.ge @!p0 [sflag:s25], $0x1388  }
0x74: {  	[sflag:s25] =	ssyncset.done @!p0 $0x0  }
0x75: {  	[sflag:s25] =	ssyncadd.s32 @!p0 $0xFFFFEC78  }
0x76: {  	_ =	swait.ge @!p0 [sflag:s25], $0x1388  }
0x77: {  	[sflag:s25] =	ssyncset.done @!p0 $0x0  }
0x78: {  	[sflag:s25] =	ssyncadd.s32 @!p0 $0xFFFFEC78  }
0x79: {  	s0 =	simm.s32 $0x61C0;
	s2 =	rddreg [dreg:$0x2]  }
0x7a: {  	[tilespmem:s16], [sflag:$0x5] =	stream.indirect.gather [spmem:s2], $0x1, s0, s15, $0xb8;
	[tilespmem:$0x14C20] =	vst v63  }
0x7b: {  	s13 =	rddreg [dreg:$0x3]  }
0x7c: {  	[tilespmem:s17], [sflag:$0x5] =	stream.indirect.gather [spmem:s13], $0x1, s0, s15, $0xb8;
	[tilespmem:$0x14C20] =	vst v63  }
0x7d: {  	_ =	swait.ge [sflag:s11], $0x1388  }
0x7e: {  	[sflag:s11] =	ssyncset.done $0x0  }
0x7f: {  	[sflag:s11] =	ssyncadd.s32 $0xFFFFEC78  }
0x80: {  	_ =	swait.ge [sflag:s11], $0x1388  }
0x81: {  	[sflag:s11] =	ssyncset.done $0x0  }
0x82: {  	s25 =	simm.s32 $0xAFE0;
	[sflag:s11] =	ssyncadd.s32 $0xFFFFEC78  }
0x83: {  	[spmem:s3] =	stream.indirect.scatter.add.f32 [tilespmem:s16], [sflag:$0x7], $0x1, s25, s15, $0xb8;
	[tilespmem:$0x14C20] =	vst v63  }
0x84: {  	s28 =	rddreg [dreg:$0x1b]  }
0x85: {  	[spmem:s4] =	stream.indirect.scatter.add.f32 [tilespmem:s17], [sflag:$0x7], $0x1, s25, s15, $0xb8;
	[tilespmem:$0x14C20] =	vst v63  }
0x86: {  	s1 =	simm.s32 $0x88D0;
	s0 =	sadd.s32 s24, s28;
	s28 =	rddreg [dreg:$0x1a]  }
0x87: {  	[tilespmem:s1], [sflag:$0x3] =	stream.linear.gather [hbm4b:s0+s6], $0x1388, $0x38;
	[tilespmem:$0x14C20] =	vst v63  }
0x88: {  	s0 =	sadd.s32 s24, s28  }
0x89: {  	[tilespmem:s18], [sflag:$0x3] =	stream.linear.gather [hbm4b:s0+s6], $0x1388, $0x38;
	[tilespmem:$0x14C20] =	vst v63  }
0x8a: {  	_ =	swait.ge [sflag:s19], $0x1388  }
0x8b: {  	[sflag:s19] =	ssyncset.done $0x0  }
0x8c: {  	[sflag:s19] =	ssyncadd.s32 $0xFFFFEC78  }
0x8d: {  	_ =	swait.ge [sflag:s19], $0x1388  }
0x8e: {  	[sflag:s19] =	ssyncset.done $0x0  }
0x8f: {  	s25 =	simm.s32 @!p0 $0x8;
	[sflag:s19] =	ssyncadd.s32 $0xFFFFEC78  }
0x90: {  	_ =	swait.ge @!p0 [sflag:s25], $0x1388  }
0x91: {  	[sflag:s25] =	ssyncset.done @!p0 $0x0  }
0x92: {  	[sflag:s25] =	ssyncadd.s32 @!p0 $0xFFFFEC78  }
0x93: {  	_ =	swait.ge @!p0 [sflag:s25], $0x1388  }
0x94: {  	[sflag:s25] =	ssyncset.done @!p0 $0x0  }
0x95: {  	[sflag:s25] =	ssyncadd.s32 @!p0 $0xFFFFEC78  }
0x96: {  	[tilespmem:s20], [sflag:$0x6] =	stream.indirect.gather [spmem:s2], $0x1, s26, s15, $0xb8;
	[tilespmem:$0x14C20] =	vst v63  }
0x97: {  	_ = 	snop  }
0x98: {  	[tilespmem:s23], [sflag:$0x6] =	stream.indirect.gather [spmem:s13], $0x1, s26, s15, $0xb8;
	[tilespmem:$0x14C20] =	vst v63  }
0x99: {  	_ =	swait.ge [sflag:s29], $0x1388  }
0x9a: {  	[sflag:s29] =	ssyncset.done $0x0  }
0x9b: {  	[sflag:s29] =	ssyncadd.s32 $0xFFFFEC78  }
0x9c: {  	_ =	swait.ge [sflag:s29], $0x1388  }
0x9d: {  	[sflag:s29] =	ssyncset.done $0x0  }
0x9e: {  	[sflag:s29] =	ssyncadd.s32 $0xFFFFEC78  }
0x9f: {  	[spmem:s3] =	stream.indirect.scatter.add.f32 [tilespmem:s20], [sflag:$0x8], $0x1, s10, s15, $0xb8;
	[tilespmem:$0x14C20] =	vst v63  }
0xa0: {  	s28 =	rddreg [dreg:$0x19]  }
0xa1: {  	[spmem:s4] =	stream.indirect.scatter.add.f32 [tilespmem:s23], [sflag:$0x8], $0x1, s10, s15, $0xb8;
	[tilespmem:$0x14C20] =	vst v63  }
0xa2: {  	s26 =	rddreg [dreg:$0x18];
	s10 =	sadd.s32 s24, s28  }
0xa3: {  	[tilespmem:s30], [sflag:$0x4] =	stream.linear.gather [hbm4b:s10+s6], $0x1388, $0x38;
	[tilespmem:$0x14C20] =	vst v63  }
0xa4: {  	s28 =	sadd.s32 s24, s26  }
0xa5: {  	[tilespmem:s31], [sflag:$0x4] =	stream.linear.gather [hbm4b:s28+s6], $0x1388, $0x38;
	[tilespmem:$0x14C20] =	vst v63  }
0xa6: {  	_ =	swait.ge [sflag:s14], $0x1388  }
0xa7: {  	[sflag:s14] =	ssyncset.done $0x0  }
0xa8: {  	[sflag:s14] =	ssyncadd.s32 $0xFFFFEC78  }
0xa9: {  	_ =	swait.ge [sflag:s14], $0x1388  }
0xaa: {  	[sflag:s14] =	ssyncset.done $0x0  }
0xab: {  	[sflag:s14] =	ssyncadd.s32 $0xFFFFEC78  }
0xac: {  	_ =	swait.ge [sflag:s7], $0x1388  }
0xad: {  	[sflag:s7] =	ssyncset.done $0x0  }
0xae: {  	[sflag:s7] =	ssyncadd.s32 $0xFFFFEC78  }
0xaf: {  	_ =	swait.ge [sflag:s7], $0x1388  }
0xb0: {  	[sflag:s7] =	ssyncset.done $0x0  }
0xb1: {  	[sflag:s7] =	ssyncadd.s32 $0xFFFFEC78  }
0xb2: {  	[tilespmem:s16], [sflag:$0x5] =	stream.indirect.gather [spmem:s2], $0x1, s1, s15, $0xb8;
	[tilespmem:$0x14C20] =	vst v63  }
0xb3: {  	_ = 	snop  }
0xb4: {  	[tilespmem:s17], [sflag:$0x5] =	stream.indirect.gather [spmem:s13], $0x1, s1, s15, $0xb8;
	[tilespmem:$0x14C20] =	vst v63  }
0xb5: {  	_ =	swait.ge [sflag:s11], $0x1388  }
0xb6: {  	[sflag:s11] =	ssyncset.done $0x0  }
0xb7: {  	[sflag:s11] =	ssyncadd.s32 $0xFFFFEC78  }
0xb8: {  	_ =	swait.ge [sflag:s11], $0x1388  }
0xb9: {  	[sflag:s11] =	ssyncset.done $0x0  }
0xba: {  	p0 =	seq.s32 s24, $0x57E4;
	[sflag:s11] =	ssyncadd.s32 $0xFFFFEC78  }
0xbb: {  	[spmem:s3] =	stream.indirect.scatter.add.f32 [tilespmem:s16], [sflag:$0x7], $0x1, s18, s15, $0xb8;
	[tilespmem:$0x14C20] =	vst v63  }
0xbc: {  	s25 =	sshrl.u32 @!p0 s22, $0x3;
	s0 =	rddreg [dreg:$0x7]  }
0xbd: {  	[spmem:s4] =	stream.indirect.scatter.add.f32 [tilespmem:s17], [sflag:$0x7], $0x1, s18, s15, $0xb8;
	[tilespmem:$0x14C20] =	vst v63  }
0xbe: {  	s28 =	simm.s32 @!p0 $0x0;
	s26 =	sadd.s32 @!p0 s0, s25;
	s0 =	simm.s32 @!p0 $0x61C0  }
0xbf: {  	[tilespmem:s0], [sflag:$0x1] =	stream.linear.gather @!p0 [hbm4b:s26+s28], $0x1388, $0x38;
	[tilespmem:$0x14C20] =	vst v63  }
0xc0: {  	s0 =	rddreg [dreg:$0x8]  }
0xc1: {  	s0 =	sadd.s32 @!p0 s0, s25;
	s25 =	simm.s32 @!p0 $0xAFE0  }
0xc2: {  	[tilespmem:s25], [sflag:$0x1] =	stream.linear.gather @!p0 [hbm4b:s0+s28], $0x1388, $0x38;
	[tilespmem:$0x14C20] =	vst v63  }
0xc3: {  	_ =	swait.ge [sflag:s8], $0x1388  }
0xc4: {  	[sflag:s8] =	ssyncset.done $0x0  }
0xc5: {  	[sflag:s8] =	ssyncadd.s32 $0xFFFFEC78  }
0xc6: {  	_ =	swait.ge [sflag:s8], $0x1388  }
0xc7: {  	[sflag:s8] =	ssyncset.done $0x0  }
0xc8: {  	[sflag:s8] =	ssyncadd.s32 $0xFFFFEC78  }
0xc9: {  	_ =	swait.ge [sflag:s21], $0x1388  }
0xca: {  	[sflag:s21] =	ssyncset.done $0x0  }
0xcb: {  	[sflag:s21] =	ssyncadd.s32 $0xFFFFEC78  }
0xcc: {  	_ =	swait.ge [sflag:s21], $0x1388  }
0xcd: {  	[sflag:s21] =	ssyncset.done $0x0  }
0xce: {  	[sflag:s21] =	ssyncadd.s32 $0xFFFFEC78  }
0xcf: {  	[tilespmem:s20], [sflag:$0x6] =	stream.indirect.gather [spmem:s2], $0x1, s30, s15, $0xb8;
	[tilespmem:$0x14C20] =	vst v63  }
0xd0: {  	_ = 	snop  }
0xd1: {  	[tilespmem:s23], [sflag:$0x6] =	stream.indirect.gather [spmem:s13], $0x1, s30, s15, $0xb8;
	[tilespmem:$0x14C20] =	vst v63  }
0xd2: {  	_ =	swait.ge [sflag:s29], $0x1388  }
0xd3: {  	[sflag:s29] =	ssyncset.done $0x0  }
0xd4: {  	[sflag:s29] =	ssyncadd.s32 $0xFFFFEC78  }
0xd5: {  	_ =	swait.ge [sflag:s29], $0x1388  }
.Ltmp2:
0xd6: {  	[sflag:s29] =	ssyncset.done $0x0;
	(pc) =	sbr.rel @p0 .LBB2_4-.Ltmp2, $4  }
0xd7: {  	s5 =	simm.s32 $0x61C0;
	[sflag:s29] =	ssyncadd.s32 $0xFFFFEC78  }
0xd8: {  	[spmem:s3] =	stream.indirect.scatter.add.f32 [tilespmem:s20], [sflag:$0x8], $0x1, s31, s15, $0xb8;
	[tilespmem:$0x14C20] =	vst v63  }
0xd9: {  	s9 =	simm.s32 $0xAFE0;
	s10 =	simm.s32 $0x7548;
	s1 =	simm.s32 $0xC368  }
0xda: {  	[spmem:s4] =	stream.indirect.scatter.add.f32 [tilespmem:s23], [sflag:$0x8], $0x1, s31, s15, $0xb8;
	[tilespmem:$0x14C20] =	vst v63  }
0xdb: {  	s0 =	rddreg [dreg:$0x16]  }
.Ltmp3:
0xdc: {  	s28 =	rddreg [dreg:$0x15];
	(pc) =	sbr.rel .LBB2_2-.Ltmp3, $4  }
0xdd: {  	s22 =	sadd.s32 $0x4E20, s22;
	s26 =	simm.s32 $0x7548;
	s0 =	sadd.s32 s24, s0  }
0xde: {  	[tilespmem:s10], [sflag:$0x2] =	stream.linear.gather [hbm4b:s0+s6], $0x1388, $0x38;
	[tilespmem:$0x14C20] =	vst v63  }
0xdf: {  	s0 =	sadd.s32 s24, s28;
	s24 =	sadd.s32 $0x9C4, s24;
	s10 =	simm.s32 $0xC368  }
0xe0: {  	[tilespmem:s1], [sflag:$0x2] =	stream.linear.gather [hbm4b:s0+s6], $0x1388, $0x38;
	[tilespmem:$0x14C20] =	vst v63  }
.LBB2_5:
0xe1: {  	_ =	sfence.sel $0x180000  }
0xe2: {  	[bflag:$0x0] =	sbarrier.arrive $0xFFFF  }
0xe3: {  	_ =	strace $0x9000004A  }
0xe4: {  	s0 =	stileid.u32;
	[bflag:$0x2] =	sbarrier.arrive $0xFFFF  }
0xe5: {  	p0 =	sne.s32 s0, $0x0;
	s0 =	rddreg [dreg:$0x6]  }
0xe6: {  	s0 =	sadd.s32 @!p0 $0x100000, s0  }
0xe7: {  	[sflag:s0] =	ssyncadd.tile.s32 @!p0 $0x1;
	_ =	shalt  }
.Lfunc_end2:
_tile_overlayer_lowered:
.L_overlay_start_2:
0xe8: {  	(tag) =	ssettag $0x2  }
0xe9: {  	s0 =	rddreg [dreg:$0x0];
	s2 =	stileid.u32  }
0xea: {  	s1 =	rddreg [dreg:$0x1];
	p0 =	sne.s32 s2, $0x0  }
0xeb: {  	s3 =	rddreg [dreg:$0x2];
	[bflag:$0x3] =	sbarrier.arrive $0xFFFF;
	s2 =	simm.s32 @!p0 $0x1C09  }
0xec: {  	[timem:s3], [sflag:s2] =	dma.local @!p0 [hbm:s0], s1  }
0xed: {  	s0 =	simm.s32 @!p0 $0x9  }
0xee: {  	_ =	swait.ge @!p0 [sflag:s0], s1  }
0xef: {  	s1 =	ssub.s32 @!p0 $0x0, s1;
	[sflag:s0] =	ssyncset.done @!p0 $0x0  }
0xf0: {  	[sflag:s0] =	ssyncadd.s32 @!p0 s1  }
0xf1: {  	[bflag:$0x3] =	sbarrier.arrive $0xFFFF  }
0xf2: {  	_ =	shalt  }

// kernel: kernel.7.cloned.1.call-start
scs
__scs_entry_jumppad:
0x0: {  	(pc) =	sbr.rel $0x88, $3  }
0x1: {  	(tag) =	ssettag $0x0;
	lr =	simm.s32 $0x1  }
0x2: {  	[smem:$0x3F9C] =	sst lr;
	_ =	strace $0xD0000000  }
0x3: {  	_ = 	snop  }
0x4: {  	_ = 	snop  }
0x5: {  	_ = 	snop  }
0x6: {  	_ = 	snop  }
0x7: {  	_ = 	snop  }
__scs_overlays_trampoline_lowered:
0x8: {  	[smem:$0x3FAB] =	sst s0  }
0x9: {  	[smem:$0x3FAC] =	sst s1  }
0xa: {  	[smem:$0x3FAD] =	sst s2  }
0xb: {  	[smem:$0x3FAE] =	sst s3  }
0xc: {  	[smem:$0x3FAF] =	sst s4  }
0xd: {  	[smem:$0x3FB0] =	sst s5  }
0xe: {  	[smem:$0x3FB1] =	sst s6  }
0xf: {  	[smem:$0x3FB2] =	sst s7  }
0x10: {  	[smem:$0x3FB3] =	sst s8  }
0x11: {  	[smem:$0x3FB4] =	sst s9;
	s0 =	simm.s32 @!p0 $0x0  }
0x12: {  	s1 =	sld [smem:$0x3F9A];
	s0 =	simm.s32 @p0 $0x1  }
0x13: {  	[smem:$0x3FB5] =	sst s0;
	s0 =	simm.s32 @!p1 $0x0  }
0x14: {  	s2 =	sld [smem:$0x3F99];
	s0 =	simm.s32 @p1 $0x1  }
0x15: {  	[smem:$0x3FB6] =	sst s0;
	s0 =	simm.s32 @!p2 $0x0  }
0x16: {  	s3 =	sld [smem:$0x3FDB];
	s0 =	simm.s32 @p2 $0x1  }
0x17: {  	s4 =	simm.s32 $0x1BF5;
	[smem:$0x3FB8] =	sst s0  }
0x18: {  	s0 =	sld [smem:$0x3F9B];
	_ =	swait.ge [sflag:s4], $0x0  }
0x19: {  	s7 =	sld [smem:$0x3F9C]  }
0x1a: {  	s8 =	sadd.s32 $0xFFFFE003, lr  }
0x1b: {  	s9 =	sadd.s32 $0xFFFFFEF7, lr;
	s5 =	simm.s32 $0xFFFFFFFF;
	p2 =	slt.u32 s8, $0xFFFFF086  }
0x1c: {  	p1 =	slt.u32 s9, $0xF7A;
	s5 =	simm.s32 @!p2 $0x0  }
0x1d: {  	s5 =	simm.s32 @p1 $0x1;
	p0 =	seq.s32 s7, s2  }
0x1e: {  	s7 =	smul.u32 @!p0 $0xF7A, s2;
	p2 =	seq.s32 @!p0 s5, $0x0  }
0x1f: {  	s9 =	smul.u32 $0xF7A, s1;
	s8 =	simm.s32 @!p0 $0x1BF5;
	p2 =	por !p2, p0  }
0x20: {  	[sflag:s8] =	ssyncset.s32 @!p0 $0xFFFFF086;
	s6 =	sadd.s32 @!p0 s3, s7;
	s7 =	simm.s32 @!p0 $0x108  }
0x21: {  	s3 =	sadd.s32 s3, s9;
	s6 =	sadd.s32 @!p0 $0x88, s6;
	s7 =	simm.s32 @p2 $0x1082  }
0x22: {  	[simem:s7], [sflag:s8] =	dma.local @!p0 [hbm:s6], $0xF7A  }
0x23: {  	s9 =	sor.u32 $0xD0000000, s2;
	s6 =	simm.s32 $0x108;
	_ =	swait.ge @!p0 [sflag:s8], $0x0  }
0x24: {  	s3 =	sadd.s32 $0x88, s3;
	s6 =	simm.s32 @!p1 $0x1082;
	[sflag:s4] =	ssyncset.s32 $0xFFFFF086  }
0x25: {  	[simem:s6], [sflag:s4] =	dma.local [hbm:s3], $0xF7A  }
0x26: {  	[smem:$0x3F9C] =	sst s1;
	(tag) =	ssettag s2;
	_ =	strace s9  }
0x27: {  	s1 =	sld [smem:$0x3FAC]  }
0x28: {  	s2 =	sld [smem:$0x3FAD]  }
0x29: {  	s4 =	sld [smem:$0x3FAF]  }
0x2a: {  	p0 =	seq.s32 s5, $0x0;
	s5 =	sld [smem:$0x3FB0]  }
0x2b: {  	s6 =	sld [smem:$0x3FB1]  }
0x2c: {  	s7 =	sld [smem:$0x3FB2]  }
0x2d: {  	s3 =	simm.s32 $0x108;
	s8 =	sld [smem:$0x3FB3]  }
0x2e: {  	s3 =	simm.s32 @!p0 $0x1082;
	s9 =	sld [smem:$0x3FB4]  }
0x2f: {  	lr =	sadd.s32 s0, s3;
	s0 =	sld [smem:$0x3FAB]  }
0x30: {  	s3 =	sld [smem:$0x3FAE]  }
0x31: {  	[smem:$0x3FB7] =	sst s10  }
0x32: {  	s10 =	sld [smem:$0x3FB5];
	_ =	sdelay $0x3  }
0x33: {  	p0 =	seq.s32 s10, $0x1;
	s10 =	sld [smem:$0x3FB7];
	_ =	sdelay $0x3  }
0x34: {  	[smem:$0x3FB7] =	sst s10  }
0x35: {  	s10 =	sld [smem:$0x3FB6];
	_ =	sdelay $0x3  }
0x36: {  	p1 =	seq.s32 s10, $0x1;
	s10 =	sld [smem:$0x3FB7];
	_ =	sdelay $0x3  }
0x37: {  	[smem:$0x3FB7] =	sst s10  }
0x38: {  	s10 =	sld [smem:$0x3FB8]  }
0x39: {  	_ = 	snop;
	(pc) =	sbr.ind lr, $3  }
0x3a: {  	_ = 	snop  }
0x3b: {  	_ = 	snop  }
0x3c: {  	p2 =	seq.s32 s10, $0x1;
	s10 =	sld [smem:$0x3FB7]  }
0x3d: {  	_ =	shalt  }
0x3e: {  	_ =	shalt  }
0x3f: {  	_ =	shalt  }
0x40: {  	_ =	shalt  }
0x41: {  	_ =	shalt  }
0x42: {  	_ =	shalt  }
0x43: {  	_ =	shalt  }
0x44: {  	_ =	shalt  }
0x45: {  	_ =	shalt  }
0x46: {  	_ =	shalt  }
0x47: {  	_ =	shalt  }
0x48: {  	_ =	shalt  }
0x49: {  	_ =	shalt  }
0x4a: {  	_ =	shalt  }
0x4b: {  	_ =	shalt  }
0x4c: {  	_ =	shalt  }
0x4d: {  	_ =	shalt  }
0x4e: {  	_ =	shalt  }
0x4f: {  	_ =	shalt  }
0x50: {  	_ =	shalt  }
0x51: {  	_ =	shalt  }
0x52: {  	_ =	shalt  }
0x53: {  	_ =	shalt  }
0x54: {  	_ =	shalt  }
0x55: {  	_ =	shalt  }
0x56: {  	_ =	shalt  }
0x57: {  	_ =	shalt  }
0x58: {  	_ =	shalt  }
0x59: {  	_ =	shalt  }
0x5a: {  	_ =	shalt  }
0x5b: {  	_ =	shalt  }
0x5c: {  	_ =	shalt  }
0x5d: {  	_ =	shalt  }
0x5e: {  	_ =	shalt  }
0x5f: {  	_ =	shalt  }
0x60: {  	_ =	shalt  }
0x61: {  	_ =	shalt  }
0x62: {  	_ =	shalt  }
0x63: {  	_ =	shalt  }
0x64: {  	_ =	shalt  }
0x65: {  	_ =	shalt  }
0x66: {  	_ =	shalt  }
0x67: {  	_ =	shalt  }
0x68: {  	_ =	shalt  }
0x69: {  	_ =	shalt  }
0x6a: {  	_ =	shalt  }
0x6b: {  	_ =	shalt  }
0x6c: {  	_ =	shalt  }
0x6d: {  	_ =	shalt  }
0x6e: {  	_ =	shalt  }
0x6f: {  	_ =	shalt  }
0x70: {  	_ =	shalt  }
0x71: {  	_ =	shalt  }
0x72: {  	_ =	shalt  }
0x73: {  	_ =	shalt  }
0x74: {  	_ =	shalt  }
0x75: {  	_ =	shalt  }
0x76: {  	_ =	shalt  }
0x77: {  	_ =	shalt  }
0x78: {  	_ =	shalt  }
0x79: {  	_ =	shalt  }
0x7a: {  	_ =	shalt  }
0x7b: {  	_ =	shalt  }
0x7c: {  	_ =	shalt  }
0x7d: {  	_ =	shalt  }
0x7e: {  	_ =	shalt  }
0x7f: {  	_ =	shalt  }
0x80: {  	_ =	shalt  }
0x81: {  	_ =	shalt  }
0x82: {  	_ =	shalt  }
0x83: {  	_ =	shalt  }
0x84: {  	_ =	shalt  }
0x85: {  	_ =	shalt  }
0x86: {  	_ =	shalt  }
0x87: {  	_ =	shalt  }
.Lfunc_end0:
.L_simem_size_0:
called_computation_lowered:
.L_overlay_start_0:
0x88: {  	s2 =	sld [smem:$0x3FD9]  }
0x89: {  	s3 =	sld [smem:$0x3FFE];
	_ =	sdelay $0x1  }
0x8a: {  	s1 =	srdreg.scid  }
0x8b: {  	s0 =	sand.u32 $0x1, s1  }
0x8c: {  	s17 =	sshll.u32 s0, $0xA;
	s2 =	sadd.s32 s3, s2  }
0x8d: {  	s2 =	sadd.s32 s2, s17  }
0x8e: {  	[smem:$0x3FC3] =	sst s2  }
0x8f: {  	_ = 	snop  }
0x90: {  	s2 =	sld [smem:$0x3FD0];
	(tm) =	ssettm $0x1  }
0x91: {  	s18 =	sld [smem:$0x3FFB];
	_ =	sdelay $0x3  }
0x92: {  	_ =	strace s18  }
0x93: {  	s3 =	sld [smem:$0x3FFC];
	_ =	sdelay $0x3  }
0x94: {  	_ =	strace s3  }
0x95: {  	s3 =	sld [smem:$0x3FFD];
	_ =	sdelay $0x3  }
0x96: {  	_ =	strace s3  }
0x97: {  	_ =	strace $0x8FFFFFFF  }
0x98: {  	s19 =	sld [smem:$0x3FDB];
	_ =	sdelay $0x1  }
0x99: {  	s4 =	simm.s32 $_scs_section_size  }
0x9a: {  	s5 =	simm.s32 $_size__tile_overlayer_lowered;
	s6 =	simm.s32 $_tile_overlayer_lowered  }
0x9b: {  	s22 =	simm.s32 $0x1BFF;
	s21 =	sshll.u32 s6, $0x1;
	s3 =	sadd.s32 s4, s19  }
0x9c: {  	s7 =	simm.s32 $0x0;
	s20 =	sshll.u32 s5, $0x1;
	s5 =	sadd.s32 s21, s3  }
0x9d: {  	[timem:s7], [sflag:s22] =	dma.local [hbm:s5], s20  }
0x9e: {  	_ =	swait.ge [sflag:s22], s20  }
0x9f: {  	s4 =	ssub.s32 $0x0, s20;
	[sflag:s22] =	ssyncset.done $0x0  }
0xa0: {  	[sflag:s22] =	ssyncadd.s32 s4;
	_ =	sdelay $0x1  }
0xa1: {  	s23 =	simm.s32 $0x1B8B  }
0xa2: {  	_ =	swait.ge [sflag:s23], $0x1  }
0xa3: {  	[sflag:s23] =	ssyncset.done $0x0  }
0xa4: {  	s25 =	simm.s32 $0x1B8E;
	s24 =	sld [smem:$0x3FFE];
	[sflag:s23] =	ssyncadd.s32 $0xFFFFFFFF  }
0xa5: {  	s26 =	simm.s32 $execute0_lowered;
	[smem:$0x3FD2] =	sst s25  }
0xa6: {  	s5 =	sshll.u32 s26, $0x1;
	_ =	strace $0x80000046;
	[dreg:$0x1] =	wrdreg $0xFFFFFFFF  }
0xa7: {  	s28 =	simm.s32 $_size_execute0_lowered;
	s3 =	sadd.s32 s3, s5;
	[dreg:$0x0] =	wrdreg $0x0  }
0xa8: {  	s5 =	sshll.u32 s28, $0x1;
	[dreg:$0x2] =	wrdreg s3  }
0xa9: {  	[dreg:$0x3] =	wrdreg s5  }
0xaa: {  	[dreg:$0x4] =	wrdreg $0xC0  }
0xab: {  	_ =	task [dreg:s7], $0x5FFFF  }
0xac: {  	[dreg:$0x1] =	wrdreg $0xFFFFFFFF  }
0xad: {  	[dreg:$0x0] =	wrdreg $0x60  }
0xae: {  	[dreg:$0x2] =	wrdreg s24  }
0xaf: {  	[dreg:$0x3] =	wrdreg s2  }
0xb0: {  	[dreg:$0x4] =	wrdreg $0x0  }
0xb1: {  	[dreg:$0x5] =	wrdreg $0x18700  }
0xb2: {  	[dreg:$0x6] =	wrdreg $0x30E00  }
0xb3: {  	[dreg:$0x7] =	wrdreg $0x49500  }
0xb4: {  	[dreg:$0x8] =	wrdreg $0x9  }
0xb5: {  	_ =	task.clear_ibuf [dreg:s7], $0x9FFFF;
	_ =	strace $0x90000046  }
0xb6: {  	s29 =	simm.s32 $0x9;
	_ =	strace $0x80000048  }
0xb7: {  	_ =	swait.ge [sflag:s29], $0x1  }
0xb8: {  	[sflag:s29] =	ssyncadd.s32 $0xFFFFFFFF  }
0xb9: {  	_ =	strace $0x90000048  }
0xba: {  	_ =	sfence  }
0xbb: {  	s30 =	sld [smem:$0x0];
	_ =	sdelay $0x2  }
0xbc: {  	s31 =	sshll.u32 s1, $0xD;
	s1 =	sshrl.u32 s1, $0x2  }
0xbd: {  	s3 =	sand.u32 $0x4000, s31;
	s1 =	sadd.s32 s1, s30  }
0xbe: {  	s0 =	sor.u32 s3, s0;
	s1 =	sshll.u32 s1, $0x11  }
0xbf: {  	s0 =	sor.u32 s1, s0  }
0xc0: {  	s0 =	sadd.s32 $0x8F2B, s0  }
0xc1: {  	[sflag:s0] =	ssyncadd.remote.s32 $0x1  }
0xc2: {  	_ =	sfence.sel $0xFFFF  }
0xc3: {  	[dreg:$0x0] =	wrdreg $0xFFFFFFFF;
	(pc) =	sbr.abs _section_cstart, $3  }
0xc4: {  	[dreg:$0x1] =	wrdreg $0xFFFFFFFF  }
0xc5: {  	_ =	task.clear_ibuf [dreg:s7], $0x2FFFF;
	_ =	strace $0x9FFFFFFF  }
0xc6: {  	(tm) =	ssettm $0x7FFFFFFF  }
0xc7: {  	_ =	shalt  }
tec
execute0_lowered:
.L_overlay_start_1:
0x0: {  	(tag) =	ssettag $0x1  }
0x1: {  	s0 =	rddreg [dreg:$0x0]  }
0x2: {  	s5 =	rddreg [dreg:$0x1]  }
0x3: {  	s1 =	rddreg [dreg:$0x2]  }
0x4: {  	s2 =	rddreg [dreg:$0x3]  }
0x5: {  	s3 =	rddreg [dreg:$0x4]  }
0x6: {  	s4 =	rddreg [dreg:$0x5];
	s6 =	simm.s32 $0x0  }
0x7: {  	s7 =	srdreg.scid;
	s14 =	stileid.u32;
	s29 =	simm.s32 $0x6  }
0x8: {  	s30 =	simm.s32 $0x9C58;
	s31 =	simm.s32 $0xEA78;
	[smem:$0x7FF] =	sst s6  }
0x9: {  	s7 =	sand.u32 $0x1, s7;
	s8 =	sshll.u32 s14, $0x1;
	s12 =	smul.u32 $0x1870, s14  }
0xa: {  	s15 =	sadd.s32 $0xC6800, s0;
	s25 =	sshll.u32 s14, $0x6;
	s14 =	smul.u32 $0x61A80, s14  }
0xb: {  	s16 =	sadd.s32 $0x3200, s0;
	_ =	strace $0x80000047;
	s9 =	smul.u32 $0x30E0, s7  }
0xc: {  	s10 =	ssub.s32 $0x2, s7;
	s8 =	sor.u32 s7, s8;
	[dreg:$0x8] =	wrdreg s16  }
0xd: {  	s26 =	smul.u32 $0x30D40, s7;
	[dreg:$0x7] =	wrdreg s15;
	s7 =	simm.s32 $0x7  }
0xe: {  	s11 =	sshrl.u32 s10, $0x1;
	s8 =	smul.u32 $0x30D40, s8;
	s24 =	sshrl.u32 s12, $0x3  }
0xf: {  	s28 =	sadd.s32 s12, s2;
	s2 =	sadd.s32 s12, s4;
	s9 =	sadd.s32 s9, s0  }
0x10: {  	s17 =	sadd.s32 s0, s24;
	s5 =	sadd.s32 s5, s24;
	[dreg:$0x11] =	wrdreg s2  }
0x11: {  	s0 =	sadd.s32 s26, s14;
	s26 =	sshrl.u32 s28, $0x3;
	[dreg:$0xf] =	wrdreg s5  }
0x12: {  	s10 =	ssub.s32 s10, s11;
	s22 =	sshrl.u32 s8, $0x3;
	[dreg:$0x1d] =	wrdreg s26  }
0x13: {  	s8 =	sadd.s32 $0x1388, s8;
	s10 =	smax.u32 s10, $0x1;
	[dreg:$0xd] =	wrdreg s17  }
0x14: {  	s20 =	sadd.s32 $0x3A98, s0;
	s21 =	sadd.s32 $0x4E20, s0;
	[dreg:$0x12] =	wrdreg s10  }
0x15: {  	s28 =	sadd.s32 $0x189E00, s17;
	s26 =	simm.s32 $0x7548;
	[dreg:$0x17] =	wrdreg s21  }
0x16: {  	s17 =	simm.s32 $0x12510;
	s13 =	sadd.s32 s15, s22;
	[dreg:$0x1e] =	wrdreg s28  }
0x17: {  	s11 =	sadd.s32 s16, s22;
	s8 =	sshrl.u32 s8, $0x3;
	[dreg:$0x9] =	wrdreg s13  }
0x18: {  	s22 =	sor.u32 $0x1C05, s25;
	s21 =	simm.s32 $0x8;
	[dreg:$0xa] =	wrdreg s11  }
0x19: {  	s23 =	sadd.s32 s15, s8;
	s8 =	sadd.s32 s16, s8;
	[dreg:$0xe] =	wrdreg s22  }
0x1a: {  	s13 =	sadd.s32 $0x61A8, s0;
	s0 =	sadd.s32 $0x2710, s0;
	[dreg:$0xb] =	wrdreg s23  }
0x1b: {  	s11 =	simm.s32 $0x5;
	[dreg:$0xc] =	wrdreg s8;
	s8 =	sadd.s32 s12, s1  }
0x1c: {  	s1 =	sadd.s32 s12, s3;
	s12 =	sadd.s32 $0x18D000, s9;
	s9 =	sadd.s32 $0x193200, s9  }
0x1d: {  	s10 =	sshrl.u32 s13, $0x3;
	[dreg:$0x10] =	wrdreg s1;
	s5 =	sadd.s32 s24, s12  }
0x1e: {  	s0 =	sshrl.u32 s0, $0x3;
	s14 =	sadd.s32 s24, s9;
	[dreg:$0x13] =	wrdreg s5  }
0x1f: {  	s18 =	sadd.s32 s10, s16;
	s19 =	sadd.s32 s10, s15;
	[dreg:$0x14] =	wrdreg s14  }
0x20: {  	s24 =	sadd.s32 s0, s16;
	s0 =	sadd.s32 s0, s15;
	[dreg:$0x15] =	wrdreg s18  }
0x21: {  	s25 =	sshrl.u32 s8, $0x3;
	s9 =	simm.s32 $0xAFE0;
	[dreg:$0x16] =	wrdreg s19  }
0x22: {  	s10 =	simm.s32 $0xC368;
	s12 =	simm.s32 $0x1;
	[dreg:$0x1a] =	wrdreg s24  }
0x23: {  	s8 =	simm.s32 $0x4;
	s1 =	simm.s32 $0x0;
	[dreg:$0x1b] =	wrdreg s0  }
.Ltmp0:
0x24: {  	s5 =	sshrl.u32 s20, $0x3;
	[dreg:$0x1c] =	wrdreg s25;
	(pc) =	sbr.rel .LBB2_1-.Ltmp0, $4  }
0x25: {  	s18 =	simm.s32 $0xD6F0;
	s19 =	simm.s32 $0x2;
	s20 =	simm.s32 $0x11188  }
0x26: {  	s14 =	simm.s32 $0x3;
	s23 =	sadd.s32 s5, s16;
	s5 =	sadd.s32 s5, s15  }
0x27: {  	s15 =	simm.s32 $0x1388;
	s16 =	simm.s32 $0xFE00;
	[dreg:$0x18] =	wrdreg s23  }
0x28: {  	[dreg:$0x19] =	wrdreg s5;
	s5 =	simm.s32 $0x61C0;
	s23 =	simm.s32 $0x13898  }
.LBB2_4:
0x29: {  	_ =	swait.ge [sflag:s7], $0x1388  }
0x2a: {  	[sflag:s7] =	ssyncset.done $0x0  }
0x2b: {  	[sflag:s7] =	ssyncadd.s32 $0xFFFFEC78  }
0x2c: {  	_ =	swait.ge [sflag:s7], $0x1388  }
0x2d: {  	[sflag:s7] =	ssyncset.done $0x0  }
0x2e: {  	[sflag:s7] =	ssyncadd.s32 $0xFFFFEC78  }
0x2f: {  	_ =	swait.ge [sflag:s21], $0x1388  }
0x30: {  	[sflag:s21] =	ssyncset.done $0x0  }
0x31: {  	[sflag:s21] =	ssyncadd.s32 $0xFFFFEC78  }
0x32: {  	_ =	swait.ge [sflag:s21], $0x1388  }
0x33: {  	[sflag:s21] =	ssyncset.done $0x0  }
0x34: {  	[sflag:s21] =	ssyncadd.s32 $0xFFFFEC78  }
0x35: {  	[bflag:$0x0] =	sbarrier.arrive $0xFFFF  }
0x36: {  	s1 =	sld [smem:$0x7FC]  }
0x37: {  	s22 =	rddreg [dreg:$0xe]  }
0x38: {  	s0 =	rddreg [dreg:$0x13]  }
0x39: {  	[hbm:s0], [sflag:s22] =	dma.local [spmem:s1], $0x30E  }
0x3a: {  	s1 =	sld [smem:$0x7FD];
	_ =	sdelay $0x1  }
0x3b: {  	s0 =	rddreg [dreg:$0x14]  }
0x3c: {  	[hbm:s0], [sflag:s22] =	dma.local [spmem:s1], $0x30E  }
0x3d: {  	_ =	swait.ge [sflag:s11], $0x30E  }
0x3e: {  	[sflag:s11] =	ssyncset.done $0x0  }
0x3f: {  	[sflag:s11] =	ssyncadd.s32 $0xFFFFFCF2  }
0x40: {  	_ =	swait.ge [sflag:s11], $0x30E  }
0x41: {  	s26 =	rddreg [dreg:$0x1f]  }
0x42: {  	s28 =	rddreg [dreg:$0x12];
	s1 =	sadd.s32 $0x1, s26  }
0x43: {  	p0 =	sne.s32 s1, s28  }
.Ltmp1:
0x44: {  	_ = 	snop;
	(pc) =	sbr.rel @!p0 .LBB2_5-.Ltmp1, $3  }
0x45: {  	_ =	sdelay $0x1  }
0x46: {  	[sflag:s11] =	ssyncset.done $0x0  }
0x47: {  	s10 =	simm.s32 $0xC368;
	[sflag:s11] =	ssyncadd.s32 $0xFFFFFCF2;
	s26 =	simm.s32 $0x7548  }
.LBB2_1:
0x48: {  	[dreg:$0x1f] =	wrdreg s1  }
0x49: {  	s0 =	rddreg [dreg:$0x9]  }
0x4a: {  	s13 =	rddreg [dreg:$0xa]  }
0x4b: {  	s24 =	rddreg [dreg:$0xb]  }
0x4c: {  	[tilespmem:s5], [sflag:$0x1] =	stream.linear.gather [hbm4b:s0+s6], $0x1388, $0x38;
	[tilespmem:$0x14C20] =	vst v63  }
0x4d: {  	s25 =	rddreg [dreg:$0xc]  }
0x4e: {  	[tilespmem:s9], [sflag:$0x1] =	stream.linear.gather [hbm4b:s13+s6], $0x1388, $0x38;
	[tilespmem:$0x14C20] =	vst v63  }
0x4f: {  	s28 =	rddreg [dreg:$0xd]  }
0x50: {  	[tilespmem:s26], [sflag:$0x2] =	stream.linear.gather [hbm4b:s24+s6], $0x1388, $0x38;
	[tilespmem:$0x14C20] =	vst v63  }
0x51: {  	s24 =	rddreg [dreg:$0x1c]  }
0x52: {  	[tilespmem:s10], [sflag:$0x2] =	stream.linear.gather [hbm4b:s25+s6], $0x1388, $0x38;
	[tilespmem:$0x14C20] =	vst v63  }
0x53: {  	[spmem:s24], [sflag:s22] =	dma.local [hbm:s28], $0x30E  }
0x54: {  	s0 =	rddreg [dreg:$0xf]  }
0x55: {  	s24 =	rddreg [dreg:$0x1d]  }
0x56: {  	[spmem:s24], [sflag:s22] =	dma.local [hbm:s0], $0x30E  }
0x57: {  	s0 =	rddreg [dreg:$0x10]  }
0x58: {  	s24 =	rddreg [dreg:$0x1e];
	s0 =	sshrl.u32 s0, $0x3  }
0x59: {  	[smem:$0x7FC] =	sst s0  }
0x5a: {  	[spmem:s0], [sflag:s22] =	dma.local [hbm:s24], $0x30E  }
0x5b: {  	s0 =	rddreg [dreg:$0x11]  }
0x5c: {  	s0 =	sshrl.u32 s0, $0x3  }
0x5d: {  	[smem:$0x7FD] =	sst s0  }
0x5e: {  	[spmem:s0], [sflag:s22] =	dma.local [hbm:s24], $0x30E  }
0x5f: {  	_ =	swait.ge [sflag:s11], $0x30E  }
0x60: {  	[sflag:s11] =	ssyncset.done $0x0  }
0x61: {  	[sflag:s11] =	ssyncadd.s32 $0xFFFFFCF2  }
0x62: {  	_ =	swait.ge [sflag:s11], $0x30E  }
0x63: {  	[sflag:s11] =	ssyncset.done $0x0  }
0x64: {  	[sflag:s11] =	ssyncadd.s32 $0xFFFFFCF2  }
0x65: {  	_ =	swait.ge [sflag:s11], $0x30E  }
0x66: {  	[sflag:s11] =	ssyncset.done $0x0  }
0x67: {  	[sflag:s11] =	ssyncadd.s32 $0xFFFFFCF2  }
0x68: {  	_ =	swait.ge [sflag:s11], $0x30E  }
0x69: {  	[sflag:s11] =	ssyncset.done $0x0  }
0x6a: {  	[sflag:s11] =	ssyncadd.s32 $0xFFFFFCF2  }
0x6b: {  	[bflag:$0x0] =	sbarrier.arrive $0xFFFF  }
0x6c: {  	s24 =	simm.s32 $0x0;
	s22 =	rddreg [dreg:$0x17]  }
.LBB2_2:
0x6d: {  	_ =	swait.ge [sflag:s12], $0x1388  }
0x6e: {  	[sflag:s12] =	ssyncset.done $0x0  }
0x6f: {  	[sflag:s12] =	ssyncadd.s32 $0xFFFFEC78  }
0x70: {  	_ =	swait.ge [sflag:s12], $0x1388  }
0x71: {  	p0 =	seq.s32 s24, $0x0;
	[sflag:s12] =	ssyncset.done $0x0  }
0x72: {  	s25 =	simm.s32 @!p0 $0x7;
	[sflag:s12] =	ssyncadd.s32 $0xFFFFEC78  }
0x73: {  	_ =	swait.ge @!p0 [sflag:s25], $0x1388  }
0x74: {  	[sflag:s25] =	ssyncset.done @!p0 $0x0  }
0x75: {  	[sflag:s25] =	ssyncadd.s32 @!p0 $0xFFFFEC78  }
0x76: {  	_ =	swait.ge @!p0 [sflag:s25], $0x1388  }
0x77: {  	[sflag:s25] =	ssyncset.done @!p0 $0x0  }
0x78: {  	[sflag:s25] =	ssyncadd.s32 @!p0 $0xFFFFEC78  }
0x79: {  	s0 =	simm.s32 $0x61C0;
	s2 =	rddreg [dreg:$0x2]  }
0x7a: {  	[tilespmem:s16], [sflag:$0x5] =	stream.indirect.gather [spmem:s2], $0x1, s0, s15, $0xb8;
	[tilespmem:$0x14C20] =	vst v63  }
0x7b: {  	s13 =	rddreg [dreg:$0x3]  }
0x7c: {  	[tilespmem:s17], [sflag:$0x5] =	stream.indirect.gather [spmem:s13], $0x1, s0, s15, $0xb8;
	[tilespmem:$0x14C20] =	vst v63  }
0x7d: {  	_ =	swait.ge [sflag:s11], $0x1388  }
0x7e: {  	[sflag:s11] =	ssyncset.done $0x0  }
0x7f: {  	[sflag:s11] =	ssyncadd.s32 $0xFFFFEC78  }
0x80: {  	_ =	swait.ge [sflag:s11], $0x1388  }
0x81: {  	[sflag:s11] =	ssyncset.done $0x0  }
0x82: {  	s25 =	simm.s32 $0xAFE0;
	[sflag:s11] =	ssyncadd.s32 $0xFFFFEC78  }
0x83: {  	[spmem:s3] =	stream.indirect.scatter.add.f32 [tilespmem:s16], [sflag:$0x7], $0x1, s25, s15, $0xb8;
	[tilespmem:$0x14C20] =	vst v63  }
0x84: {  	s28 =	rddreg [dreg:$0x1b]  }
0x85: {  	[spmem:s4] =	stream.indirect.scatter.add.f32 [tilespmem:s17], [sflag:$0x7], $0x1, s25, s15, $0xb8;
	[tilespmem:$0x14C20] =	vst v63  }
0x86: {  	s1 =	simm.s32 $0x88D0;
	s0 =	sadd.s32 s24, s28;
	s28 =	rddreg [dreg:$0x1a]  }
0x87: {  	[tilespmem:s1], [sflag:$0x3] =	stream.linear.gather [hbm4b:s0+s6], $0x1388, $0x38;
	[tilespmem:$0x14C20] =	vst v63  }
0x88: {  	s0 =	sadd.s32 s24, s28  }
0x89: {  	[tilespmem:s18], [sflag:$0x3] =	stream.linear.gather [hbm4b:s0+s6], $0x1388, $0x38;
	[tilespmem:$0x14C20] =	vst v63  }
0x8a: {  	_ =	swait.ge [sflag:s19], $0x1388  }
0x8b: {  	[sflag:s19] =	ssyncset.done $0x0  }
0x8c: {  	[sflag:s19] =	ssyncadd.s32 $0xFFFFEC78  }
0x8d: {  	_ =	swait.ge [sflag:s19], $0x1388  }
0x8e: {  	[sflag:s19] =	ssyncset.done $0x0  }
0x8f: {  	s25 =	simm.s32 @!p0 $0x8;
	[sflag:s19] =	ssyncadd.s32 $0xFFFFEC78  }
0x90: {  	_ =	swait.ge @!p0 [sflag:s25], $0x1388  }
0x91: {  	[sflag:s25] =	ssyncset.done @!p0 $0x0  }
0x92: {  	[sflag:s25] =	ssyncadd.s32 @!p0 $0xFFFFEC78  }
0x93: {  	_ =	swait.ge @!p0 [sflag:s25], $0x1388  }
0x94: {  	[sflag:s25] =	ssyncset.done @!p0 $0x0  }
0x95: {  	[sflag:s25] =	ssyncadd.s32 @!p0 $0xFFFFEC78  }
0x96: {  	[tilespmem:s20], [sflag:$0x6] =	stream.indirect.gather [spmem:s2], $0x1, s26, s15, $0xb8;
	[tilespmem:$0x14C20] =	vst v63  }
0x97: {  	_ = 	snop  }
0x98: {  	[tilespmem:s23], [sflag:$0x6] =	stream.indirect.gather [spmem:s13], $0x1, s26, s15, $0xb8;
	[tilespmem:$0x14C20] =	vst v63  }
0x99: {  	_ =	swait.ge [sflag:s29], $0x1388  }
0x9a: {  	[sflag:s29] =	ssyncset.done $0x0  }
0x9b: {  	[sflag:s29] =	ssyncadd.s32 $0xFFFFEC78  }
0x9c: {  	_ =	swait.ge [sflag:s29], $0x1388  }
0x9d: {  	[sflag:s29] =	ssyncset.done $0x0  }
0x9e: {  	[sflag:s29] =	ssyncadd.s32 $0xFFFFEC78  }
0x9f: {  	[spmem:s3] =	stream.indirect.scatter.add.f32 [tilespmem:s20], [sflag:$0x8], $0x1, s10, s15, $0xb8;
	[tilespmem:$0x14C20] =	vst v63  }
0xa0: {  	s28 =	rddreg [dreg:$0x19]  }
0xa1: {  	[spmem:s4] =	stream.indirect.scatter.add.f32 [tilespmem:s23], [sflag:$0x8], $0x1, s10, s15, $0xb8;
	[tilespmem:$0x14C20] =	vst v63  }
0xa2: {  	s26 =	rddreg [dreg:$0x18];
	s10 =	sadd.s32 s24, s28  }
0xa3: {  	[tilespmem:s30], [sflag:$0x4] =	stream.linear.gather [hbm4b:s10+s6], $0x1388, $0x38;
	[tilespmem:$0x14C20] =	vst v63  }
0xa4: {  	s28 =	sadd.s32 s24, s26  }
0xa5: {  	[tilespmem:s31], [sflag:$0x4] =	stream.linear.gather [hbm4b:s28+s6], $0x1388, $0x38;
	[tilespmem:$0x14C20] =	vst v63  }
0xa6: {  	_ =	swait.ge [sflag:s14], $0x1388  }
0xa7: {  	[sflag:s14] =	ssyncset.done $0x0  }
0xa8: {  	[sflag:s14] =	ssyncadd.s32 $0xFFFFEC78  }
0xa9: {  	_ =	swait.ge [sflag:s14], $0x1388  }
0xaa: {  	[sflag:s14] =	ssyncset.done $0x0  }
0xab: {  	[sflag:s14] =	ssyncadd.s32 $0xFFFFEC78  }
0xac: {  	_ =	swait.ge [sflag:s7], $0x1388  }
0xad: {  	[sflag:s7] =	ssyncset.done $0x0  }
0xae: {  	[sflag:s7] =	ssyncadd.s32 $0xFFFFEC78  }
0xaf: {  	_ =	swait.ge [sflag:s7], $0x1388  }
0xb0: {  	[sflag:s7] =	ssyncset.done $0x0  }
0xb1: {  	[sflag:s7] =	ssyncadd.s32 $0xFFFFEC78  }
0xb2: {  	[tilespmem:s16], [sflag:$0x5] =	stream.indirect.gather [spmem:s2], $0x1, s1, s15, $0xb8;
	[tilespmem:$0x14C20] =	vst v63  }
0xb3: {  	_ = 	snop  }
0xb4: {  	[tilespmem:s17], [sflag:$0x5] =	stream.indirect.gather [spmem:s13], $0x1, s1, s15, $0xb8;
	[tilespmem:$0x14C20] =	vst v63  }
0xb5: {  	_ =	swait.ge [sflag:s11], $0x1388  }
0xb6: {  	[sflag:s11] =	ssyncset.done $0x0  }
0xb7: {  	[sflag:s11] =	ssyncadd.s32 $0xFFFFEC78  }
0xb8: {  	_ =	swait.ge [sflag:s11], $0x1388  }
0xb9: {  	[sflag:s11] =	ssyncset.done $0x0  }
0xba: {  	p0 =	seq.s32 s24, $0x57E4;
	[sflag:s11] =	ssyncadd.s32 $0xFFFFEC78  }
0xbb: {  	[spmem:s3] =	stream.indirect.scatter.add.f32 [tilespmem:s16], [sflag:$0x7], $0x1, s18, s15, $0xb8;
	[tilespmem:$0x14C20] =	vst v63  }
0xbc: {  	s25 =	sshrl.u32 @!p0 s22, $0x3;
	s0 =	rddreg [dreg:$0x7]  }
0xbd: {  	[spmem:s4] =	stream.indirect.scatter.add.f32 [tilespmem:s17], [sflag:$0x7], $0x1, s18, s15, $0xb8;
	[tilespmem:$0x14C20] =	vst v63  }
0xbe: {  	s28 =	simm.s32 @!p0 $0x0;
	s26 =	sadd.s32 @!p0 s0, s25;
	s0 =	simm.s32 @!p0 $0x61C0  }
0xbf: {  	[tilespmem:s0], [sflag:$0x1] =	stream.linear.gather @!p0 [hbm4b:s26+s28], $0x1388, $0x38;
	[tilespmem:$0x14C20] =	vst v63  }
0xc0: {  	s0 =	rddreg [dreg:$0x8]  }
0xc1: {  	s0 =	sadd.s32 @!p0 s0, s25;
	s25 =	simm.s32 @!p0 $0xAFE0  }
0xc2: {  	[tilespmem:s25], [sflag:$0x1] =	stream.linear.gather @!p0 [hbm4b:s0+s28], $0x1388, $0x38;
	[tilespmem:$0x14C20] =	vst v63  }
0xc3: {  	_ =	swait.ge [sflag:s8], $0x1388  }
0xc4: {  	[sflag:s8] =	ssyncset.done $0x0  }
0xc5: {  	[sflag:s8] =	ssyncadd.s32 $0xFFFFEC78  }
0xc6: {  	_ =	swait.ge [sflag:s8], $0x1388  }
0xc7: {  	[sflag:s8] =	ssyncset.done $0x0  }
0xc8: {  	[sflag:s8] =	ssyncadd.s32 $0xFFFFEC78  }
0xc9: {  	_ =	swait.ge [sflag:s21], $0x1388  }
0xca: {  	[sflag:s21] =	ssyncset.done $0x0  }
0xcb: {  	[sflag:s21] =	ssyncadd.s32 $0xFFFFEC78  }
0xcc: {  	_ =	swait.ge [sflag:s21], $0x1388  }
0xcd: {  	[sflag:s21] =	ssyncset.done $0x0  }
0xce: {  	[sflag:s21] =	ssyncadd.s32 $0xFFFFEC78  }
0xcf: {  	[tilespmem:s20], [sflag:$0x6] =	stream.indirect.gather [spmem:s2], $0x1, s30, s15, $0xb8;
	[tilespmem:$0x14C20] =	vst v63  }
0xd0: {  	_ = 	snop  }
0xd1: {  	[tilespmem:s23], [sflag:$0x6] =	stream.indirect.gather [spmem:s13], $0x1, s30, s15, $0xb8;
	[tilespmem:$0x14C20] =	vst v63  }
0xd2: {  	_ =	swait.ge [sflag:s29], $0x1388  }
0xd3: {  	[sflag:s29] =	ssyncset.done $0x0  }
0xd4: {  	[sflag:s29] =	ssyncadd.s32 $0xFFFFEC78  }
0xd5: {  	_ =	swait.ge [sflag:s29], $0x1388  }
.Ltmp2:
0xd6: {  	[sflag:s29] =	ssyncset.done $0x0;
	(pc) =	sbr.rel @p0 .LBB2_4-.Ltmp2, $4  }
0xd7: {  	s5 =	simm.s32 $0x61C0;
	[sflag:s29] =	ssyncadd.s32 $0xFFFFEC78  }
0xd8: {  	[spmem:s3] =	stream.indirect.scatter.add.f32 [tilespmem:s20], [sflag:$0x8], $0x1, s31, s15, $0xb8;
	[tilespmem:$0x14C20] =	vst v63  }
0xd9: {  	s9 =	simm.s32 $0xAFE0;
	s10 =	simm.s32 $0x7548;
	s1 =	simm.s32 $0xC368  }
0xda: {  	[spmem:s4] =	stream.indirect.scatter.add.f32 [tilespmem:s23], [sflag:$0x8], $0x1, s31, s15, $0xb8;
	[tilespmem:$0x14C20] =	vst v63  }
0xdb: {  	s0 =	rddreg [dreg:$0x16]  }
.Ltmp3:
0xdc: {  	s28 =	rddreg [dreg:$0x15];
	(pc) =	sbr.rel .LBB2_2-.Ltmp3, $4  }
0xdd: {  	s22 =	sadd.s32 $0x4E20, s22;
	s26 =	simm.s32 $0x7548;
	s0 =	sadd.s32 s24, s0  }
0xde: {  	[tilespmem:s10], [sflag:$0x2] =	stream.linear.gather [hbm4b:s0+s6], $0x1388, $0x38;
	[tilespmem:$0x14C20] =	vst v63  }
0xdf: {  	s0 =	sadd.s32 s24, s28;
	s24 =	sadd.s32 $0x9C4, s24;
	s10 =	simm.s32 $0xC368  }
0xe0: {  	[tilespmem:s1], [sflag:$0x2] =	stream.linear.gather [hbm4b:s0+s6], $0x1388, $0x38;
	[tilespmem:$0x14C20] =	vst v63  }
.LBB2_5:
0xe1: {  	_ =	sfence.sel $0x180000  }
0xe2: {  	[bflag:$0x0] =	sbarrier.arrive $0xFFFF  }
0xe3: {  	_ =	strace $0x90000047  }
0xe4: {  	s0 =	stileid.u32;
	[bflag:$0x2] =	sbarrier.arrive $0xFFFF  }
0xe5: {  	p0 =	sne.s32 s0, $0x0;
	s0 =	rddreg [dreg:$0x6]  }
0xe6: {  	s0 =	sadd.s32 @!p0 $0x100000, s0  }
0xe7: {  	[sflag:s0] =	ssyncadd.tile.s32 @!p0 $0x1;
	_ =	shalt  }
.Lfunc_end2:
_tile_overlayer_lowered:
.L_overlay_start_2:
0xe8: {  	(tag) =	ssettag $0x2  }
0xe9: {  	s0 =	rddreg [dreg:$0x0];
	s2 =	stileid.u32  }
0xea: {  	s1 =	rddreg [dreg:$0x1];
	p0 =	sne.s32 s2, $0x0  }
0xeb: {  	s3 =	rddreg [dreg:$0x2];
	[bflag:$0x3] =	sbarrier.arrive $0xFFFF;
	s2 =	simm.s32 @!p0 $0x1C09  }
0xec: {  	[timem:s3], [sflag:s2] =	dma.local @!p0 [hbm:s0], s1  }
0xed: {  	s0 =	simm.s32 @!p0 $0x9  }
0xee: {  	_ =	swait.ge @!p0 [sflag:s0], s1  }
0xef: {  	s1 =	ssub.s32 @!p0 $0x0, s1;
	[sflag:s0] =	ssyncset.done @!p0 $0x0  }
0xf0: {  	[sflag:s0] =	ssyncadd.s32 @!p0 s1  }
0xf1: {  	[bflag:$0x3] =	sbarrier.arrive $0xFFFF  }
0xf2: {  	_ =	shalt  }

</sc_bundles>
